<compile_context>
chip_gen: v7x
topology: tpu7x:2x2x1
jax: 0.10.2.dev20260603
libtpu: 0.0.44.dev20260713+nightly
codegen_flags: <defaults>
</compile_context>

<pallas_src>
import functools

import jax
import jax.numpy as jnp
from jax import lax
from jax.experimental import pallas as pl
from jax.experimental.pallas import tpu as pltpu
from jax.experimental.pallas import tpu_sc as plsc

N = 10000
D = 128
E = 320000

NC = 2
NS = 16
NW = NC * NS
EPW = E // NW
CH = 80
NCHUNK = EPW // CH
RPT = 624
REM = N - NS * RPT

_mesh = plsc.VectorSubcoreMesh(core_axis_name="c", subcore_axis_name="s")



N_PAD = 10240
DRPT = N_PAD // NS


@functools.partial(
    pl.kernel,
    out_type=jax.ShapeDtypeStruct((NC * N,), jnp.float32),
    mesh=_mesh,
    scratch_types=[
        pltpu.VMEM((NCHUNK, CH), jnp.int32),
        pltpu.VMEM((N_PAD,), jnp.float32),
        pltpu.VMEM((DRPT,), jnp.float32),
        pltpu.VMEM((DRPT,), jnp.float32),
        pltpu.VMEM_SHARED((NS, N_PAD), jnp.float32),
    ],
    compiler_params=pltpu.CompilerParams(needs_layout_passes=False),
)
def _deg(dst_hbm, out_hbm, dstbuf, hist, accv, tmpv, stage):
    c = lax.axis_index("c")
    s = lax.axis_index("s")
    wid = c * NS + s
    pltpu.sync_copy(dst_hbm.at[wid], dstbuf)
    zero16 = jnp.zeros((16,), jnp.float32)

    @pl.loop(0, N_PAD, step=16)
    def _(i):
        hist[pl.ds(i, 16)] = zero16

    one16 = jnp.ones((16,), jnp.float32)

    @pl.loop(0, NCHUNK)
    def _(k):
        @pl.loop(0, CH, step=16)
        def _(j):
            idx = dstbuf[k, pl.ds(j, 16)]
            plsc.addupdate_scatter(hist, [idx], one16)

    pltpu.sync_copy(hist, stage.at[s])
    plsc.subcore_barrier()
    row0 = s * DRPT
    pltpu.sync_copy(stage.at[0].at[pl.ds(row0, DRPT)], accv)

    @pl.loop(1, NS)
    def _(j):
        pltpu.sync_copy(stage.at[j].at[pl.ds(row0, DRPT)], tmpv)

        @pl.loop(0, DRPT, step=16)
        def _(i):
            accv[pl.ds(i, 16)] = accv[pl.ds(i, 16)] + tmpv[pl.ds(i, 16)]

    @pl.when(s < NS - 1)
    def _():
        pltpu.sync_copy(accv, out_hbm.at[pl.ds(c * N + row0, DRPT)])

    @pl.when(s == NS - 1)
    def _():
        pltpu.sync_copy(accv.at[pl.ds(0, N - (NS - 1) * DRPT)],
                        out_hbm.at[pl.ds(c * N + row0, N - (NS - 1) * DRPT)])


@functools.partial(
    pl.kernel,
    out_type=jax.ShapeDtypeStruct((NC, N, D), jnp.float32),
    mesh=_mesh,
    scratch_types=[
        pltpu.VMEM((NCHUNK, CH), jnp.int32),
        [pltpu.VMEM((CH,), jnp.int32) for _ in range(3)],
        [pltpu.VMEM((CH, D), jnp.float32) for _ in range(3)],
        pltpu.VMEM_SHARED((N, D), jnp.float32),
        [pltpu.SemaphoreType.DMA for _ in range(3)],
        [pltpu.SemaphoreType.DMA for _ in range(3)],
    ],
)
def _agg(hp_hbm, src_hbm, dst_hbm, out_hbm,
         dbuf, ib, rows, acc, gs, ss):
    c = lax.axis_index("c")
    s = lax.axis_index("s")
    wid = c * NS + s
    pltpu.sync_copy(dst_hbm.at[wid], dbuf)

    zero16 = jnp.zeros((16,), jnp.float32)

    @pl.loop(0, CH)
    def _(r):
        @pl.loop(0, D, step=16)
        def _(l):
            rows[0][r, pl.ds(l, 16)] = zero16

    @pl.loop(0, 7)
    def _(i):
        pltpu.sync_copy(rows[0], acc.at[pl.ds(s * RPT + i * CH, CH)])

    pltpu.sync_copy(rows[0].at[pl.ds(0, RPT - 7 * CH)],
                    acc.at[pl.ds(s * RPT + 7 * CH, RPT - 7 * CH)])

    @pl.when(s == NS - 1)
    def _():
        pltpu.sync_copy(rows[0].at[pl.ds(0, REM)], acc.at[pl.ds(NS * RPT, REM)])

    plsc.subcore_barrier()
    base = wid * EPW

    for b in range(3):
        pltpu.sync_copy(src_hbm.at[pl.ds(base + b * CH, CH)], ib[b])
        pltpu.async_copy(hp_hbm.at[ib[b]], rows[b], gs[b])

    @pl.loop(0, NCHUNK - 4, step=3)
    def _(k):
        for b in range(3):
            kk = k + b
            pltpu.make_async_copy(hp_hbm.at[ib[b]], rows[b], gs[b]).wait()
            pltpu.async_copy(rows[b], acc.at[dbuf.at[kk]], ss[b], add=True)
            nk = kk + 3

            @pl.when(nk < NCHUNK)
            def _():
                pltpu.sync_copy(src_hbm.at[pl.ds(base + nk * CH, CH)], ib[b])

            pltpu.make_async_copy(rows[b], acc.at[dbuf.at[kk]], ss[b]).wait()

            @pl.when(nk < NCHUNK)
            def _():
                pltpu.async_copy(hp_hbm.at[ib[b]], rows[b], gs[b])

    for b, kk in ((0, NCHUNK - 2), (1, NCHUNK - 1)):
        pltpu.make_async_copy(hp_hbm.at[ib[b]], rows[b], gs[b]).wait()
        pltpu.sync_copy(rows[b], acc.at[dbuf.at[kk]], add=True)

    plsc.subcore_barrier()
    pltpu.sync_copy(acc.at[pl.ds(s * RPT, RPT)], out_hbm.at[c].at[pl.ds(s * RPT, RPT)])

    @pl.when(s == NS - 1)
    def _():
        pltpu.sync_copy(acc.at[pl.ds(NS * RPT, REM)], out_hbm.at[c].at[pl.ds(NS * RPT, REM)])



R = 1000
G = N // R


def _dinv_of(d0_ref, d1_ref):
    d = d0_ref[...] + d1_ref[...] + 1.0
    return lax.rsqrt(jnp.maximum(d, 1.0))


_DEG_SPECS = [pl.BlockSpec((R, 1), lambda i: (i, 0)),
              pl.BlockSpec((R, 1), lambda i: (G + i, 0))]


def _pre_body(x_ref, w_ref, d0_ref, d1_ref, hp_ref):
    dinv = _dinv_of(d0_ref, d1_ref)
    h = jnp.dot(x_ref[...], w_ref[...], preferred_element_type=jnp.float32)
    hp_ref[...] = h * dinv


_pre = pl.pallas_call(
    _pre_body,
    grid=(G,),
    in_specs=[
        pl.BlockSpec((R, D), lambda i: (i, 0)),
        pl.BlockSpec((D, D), lambda i: (0, 0)),
        *_DEG_SPECS,
    ],
    out_specs=pl.BlockSpec((R, D), lambda i: (i, 0)),
    out_shape=jax.ShapeDtypeStruct((N, D), jnp.float32),
)


def _mid_body(agg_ref, hp1_ref, d0_ref, d1_ref, b1_ref, w2_ref, hp2_ref):
    dinv = _dinv_of(d0_ref, d1_ref)
    a = agg_ref[0] + agg_ref[1]
    z = jnp.maximum((a + hp1_ref[...]) * dinv + b1_ref[...], 0.0)
    h2 = jnp.dot(z, w2_ref[...], preferred_element_type=jnp.float32)
    hp2_ref[...] = h2 * dinv


_mid = pl.pallas_call(
    _mid_body,
    grid=(G,),
    in_specs=[
        pl.BlockSpec((NC, R, D), lambda i: (0, i, 0)),
        pl.BlockSpec((R, D), lambda i: (i, 0)),
        *_DEG_SPECS,
        pl.BlockSpec((1, D), lambda i: (0, 0)),
        pl.BlockSpec((D, D), lambda i: (0, 0)),
    ],
    out_specs=pl.BlockSpec((R, D), lambda i: (i, 0)),
    out_shape=jax.ShapeDtypeStruct((N, D), jnp.float32),
)


def _post_body(agg_ref, hp2_ref, d0_ref, d1_ref, b2_ref, out_ref):
    dinv = _dinv_of(d0_ref, d1_ref)
    a = agg_ref[0] + agg_ref[1]
    out_ref[...] = (a + hp2_ref[...]) * dinv + b2_ref[...]


_post = pl.pallas_call(
    _post_body,
    grid=(G,),
    in_specs=[
        pl.BlockSpec((NC, R, D), lambda i: (0, i, 0)),
        pl.BlockSpec((R, D), lambda i: (i, 0)),
        *_DEG_SPECS,
        pl.BlockSpec((1, D), lambda i: (0, 0)),
    ],
    out_specs=pl.BlockSpec((R, D), lambda i: (i, 0)),
    out_shape=jax.ShapeDtypeStruct((N, D), jnp.float32),
)


def kernel(x, edge_index, W1, b1, W2, b2):
    src = edge_index[0]
    dst3 = edge_index[1].reshape(NW, NCHUNK, CH)

    degf = _deg(dst3).reshape(NC * N, 1)
    hp1 = _pre(x, W1, degf, degf)
    agg1 = _agg(hp1, src, dst3)
    hp2 = _mid(agg1, hp1, degf, degf, b1.reshape(1, D), W2)
    agg2 = _agg(hp2, src, dst3)
    return _post(agg2, hp2, degf, degf, b2.reshape(1, D))

# --- scband reference (transcript-rebuilt; emitter-appended) ---
"""Pipeline reference for scband-encoder-32796370272476 (READ-ONLY COPY).

The authoritative reference and input builder live on the scoring server;
editing this copy changes nothing except your own understanding.
"""

import jax, jax.numpy as jnp
import numpy as np

N = 10000
E = 320000
D_IN = 128
D_HID = 128
D_OUT = 128


def _glorot(key, shape):
    fan_in, fan_out = shape[0], shape[1]
    limit = float(np.sqrt(6.0 / (fan_in + fan_out)))
    return jax.random.uniform(key, shape, dtype=jnp.float32, minval=-limit, maxval=limit)


def setup_inputs(seed: int = 0) -> dict:
    key = jax.random.key(seed)
    k1, k2, k3, k4 = jax.random.split(key, 4)
    x = jax.random.normal(k1, (N, D_IN), dtype=jnp.float32)
    edge_index = jax.random.randint(k2, (2, E), 0, N, dtype=jnp.int32)
    W1 = _glorot(k3, (D_IN, D_HID))
    b1 = jnp.zeros((D_HID,), dtype=jnp.float32)
    W2 = _glorot(k4, (D_HID, D_OUT))
    b2 = jnp.zeros((D_OUT,), dtype=jnp.float32)
    return {"x": x, "edge_index": edge_index, "W1": W1, "b1": b1, "W2": W2, "b2": b2}


def _gcn_conv(x, edge_index, W, b):
    # GCNConv: add self-loops, symmetric normalization, linear transform,
    # scatter-add aggregation over destination nodes, bias.
    n = x.shape[0]
    src, dst = edge_index[0], edge_index[1]
    loop = jnp.arange(n, dtype=src.dtype)
    src = jnp.concatenate([src, loop])
    dst = jnp.concatenate([dst, loop])
    deg = jnp.zeros((n,), dtype=x.dtype).at[dst].add(1.0)
    deg_inv_sqrt = 1.0 / jnp.sqrt(jnp.clip(deg, 1.0))
    norm = deg_inv_sqrt[src] * deg_inv_sqrt[dst]
    h = x @ W
    msg = h[src] * norm[:, None]
    out = jnp.zeros((n, h.shape[1]), dtype=x.dtype).at[dst].add(msg)
    return out + b


def reference(x, edge_index, W1, b1, W2, b2):
    h = jax.nn.relu(_gcn_conv(x, edge_index, W1, b1))
    out = _gcn_conv(h, edge_index, W2, b2)
    return out

if __name__ == "__main__":
    import jax
    _d = setup_inputs()
    print(jax.jit(kernel)(*tuple(_d.values())))

</pallas_src>

<mosaic_0001>
#map = affine_map<(d0, d1) -> (0, 0)>
#map1 = affine_map<(d0, d1) -> (0)>
#map2 = affine_map<(d0, d1) -> (0, 0, 0)>
module attributes {stable_mosaic.version = 14 : i64} {
  func.func @_agg(%arg0: i32, %arg1: i32, %arg2: memref<10000x128xf32, #tpu.memory_space<hbm>>, %arg3: memref<320000xi32, #tpu.memory_space<hbm>>, %arg4: memref<32x125x80xi32, #tpu.memory_space<hbm>>, %arg5: memref<2x10000x128xf32, #tpu.memory_space<hbm>>, %arg6: memref<125x80xi32, #tpu.memory_space<vmem>>, %arg7: memref<80xi32, #tpu.memory_space<vmem>>, %arg8: memref<80xi32, #tpu.memory_space<vmem>>, %arg9: memref<80xi32, #tpu.memory_space<vmem>>, %arg10: memref<80x128xf32, #tpu.memory_space<vmem>>, %arg11: memref<80x128xf32, #tpu.memory_space<vmem>>, %arg12: memref<80x128xf32, #tpu.memory_space<vmem>>, %arg13: memref<10000x128xf32, #tpu.memory_space<vmem_shared>>, %arg14: memref<!tpu.dma_semaphore, #tpu.memory_space<semaphore_mem>>, %arg15: memref<!tpu.dma_semaphore, #tpu.memory_space<semaphore_mem>>, %arg16: memref<!tpu.dma_semaphore, #tpu.memory_space<semaphore_mem>>, %arg17: memref<!tpu.dma_semaphore, #tpu.memory_space<semaphore_mem>>, %arg18: memref<!tpu.dma_semaphore, #tpu.memory_space<semaphore_mem>>, %arg19: memref<!tpu.dma_semaphore, #tpu.memory_space<semaphore_mem>>) attributes {dimension_semantics = [#tpu.dimension_semantics<core_parallel>, #tpu.dimension_semantics<subcore_parallel>], iteration_bounds = array<i64: 2, 16>, scalar_prefetch = 0 : i64, scratch_operands = 14 : i64, tpu.core_type = #tpu.core_type<sc_vector_subcore>, window_params = [{transform_indices = #map}, {transform_indices = #map1}, {transform_indices = #map2}, {transform_indices = #map2}]} {
    %mul3A = arith.constant 16 : i32
    %mul3A_0 = arith.muli %arg0, %mul3A : i32
    %add3A = arith.addi %mul3A_0, %arg1 : i32
    "tpu.region"() ({
      %run_scoped3A_54 = tpu.sem_alloc : memref<!tpu.dma_semaphore, #tpu.memory_space<semaphore_mem>>
      %dma_start3A_55 = arith.constant 0 : i32
      %dma_start3A_56 = arith.constant 0 : i32
      %dma_start3A_57 = tpu.memref_slice %arg4[%add3A, %dma_start3A_55, %dma_start3A_56] : memref<32x125x80xi32, #tpu.memory_space<hbm>> -> memref<1x125x80xi32, #tpu.memory_space<hbm>>
      %dma_start3A_58 = tpu.memref_squeeze %dma_start3A_57 : memref<1x125x80xi32, #tpu.memory_space<hbm>> -> memref<125x80xi32, #tpu.memory_space<hbm>>
      %dma_start3A_59 = arith.constant 0 : i32
      %dma_start3A_60 = arith.constant 0 : i32
      %dma_start3A_61 = tpu.memref_slice %arg4[%add3A, %dma_start3A_59, %dma_start3A_60] : memref<32x125x80xi32, #tpu.memory_space<hbm>> -> memref<1x125x80xi32, #tpu.memory_space<hbm>>
      %dma_start3A_62 = tpu.memref_squeeze %dma_start3A_61 : memref<1x125x80xi32, #tpu.memory_space<hbm>> -> memref<125x80xi32, #tpu.memory_space<hbm>>
      tpu.enqueue_dma source(%dma_start3A_62 : memref<125x80xi32, #tpu.memory_space<hbm>>) target(%arg6 : memref<125x80xi32, #tpu.memory_space<vmem>>) target_semaphore(%run_scoped3A_54 : memref<!tpu.dma_semaphore, #tpu.memory_space<semaphore_mem>>)
      %dma_wait3A_63 = arith.constant 0 : i32
      %dma_wait3A_64 = arith.constant 0 : i32
      %dma_wait3A_65 = tpu.memref_slice %arg4[%add3A, %dma_wait3A_63, %dma_wait3A_64] : memref<32x125x80xi32, #tpu.memory_space<hbm>> -> memref<1x125x80xi32, #tpu.memory_space<hbm>>
      %dma_wait3A_66 = tpu.memref_squeeze %dma_wait3A_65 : memref<1x125x80xi32, #tpu.memory_space<hbm>> -> memref<125x80xi32, #tpu.memory_space<hbm>>
      %dma_wait3A_67 = arith.constant 0 : i32
      %dma_wait3A_68 = arith.constant 0 : i32
      %dma_wait3A_69 = tpu.memref_slice %arg4[%add3A, %dma_wait3A_67, %dma_wait3A_68] : memref<32x125x80xi32, #tpu.memory_space<hbm>> -> memref<1x125x80xi32, #tpu.memory_space<hbm>>
      %dma_wait3A_70 = tpu.memref_squeeze %dma_wait3A_69 : memref<1x125x80xi32, #tpu.memory_space<hbm>> -> memref<125x80xi32, #tpu.memory_space<hbm>>
      tpu.wait_dma2 semaphore(%run_scoped3A_54 : memref<!tpu.dma_semaphore, #tpu.memory_space<semaphore_mem>>) src(%dma_wait3A_70 : memref<125x80xi32, #tpu.memory_space<hbm>>) dst(%arg6 : memref<125x80xi32, #tpu.memory_space<vmem>>)
      tpu.yield
    }) : () -> ()
    %broadcast_in_dim3A = arith.constant 0.000000e+00 : f32
    %broadcast_in_dim3A_1 = vector.broadcast %broadcast_in_dim3A : f32 to vector<16xf32>
    %scan3A = arith.constant 0 : i32
    %scan3A_2 = arith.constant 80 : i32
    %scan3A_3 = arith.addi %scan3A, %scan3A_2 : i32
    %scan3A_4 = arith.constant 1 : i32
    scf.for %scan3A_54 = %scan3A to %scan3A_3 step %scan3A_4  : i32 {
      %mul3A_55 = arith.constant 1 : i32
      %mul3A_56 = arith.muli %scan3A_54, %mul3A_55 : i32
      %add3A_57 = arith.constant 0 : i32
      %add3A_58 = arith.addi %add3A_57, %mul3A_56 : i32
      %scan3A_59 = arith.constant 0 : i32
      %scan3A_60 = arith.constant 8 : i32
      %scan3A_61 = arith.addi %scan3A_59, %scan3A_60 : i32
      %scan3A_62 = arith.constant 1 : i32
      scf.for %scan3A_64 = %scan3A_59 to %scan3A_61 step %scan3A_62  : i32 {
        %mul3A_65 = arith.constant 16 : i32
        %mul3A_66 = arith.muli %scan3A_64, %mul3A_65 : i32
        %add3A_67 = arith.constant 0 : i32
        %add3A_68 = arith.addi %add3A_67, %mul3A_66 : i32
        %swap3A = arith.index_cast %add3A_58 : i32 to index
        %swap3A_69 = arith.index_cast %add3A_68 : i32 to index
        %swap3A_70 = tpu.vector_load %arg10[%swap3A, %swap3A_69] {strides = array<i32>} : memref<80x128xf32, #tpu.memory_space<vmem>>, vector<1x16xf32>,
        %swap3A_71 = vector.shape_cast %swap3A_70 : vector<1x16xf32> to vector<16xf32>
        %swap3A_72 = vector.shape_cast %broadcast_in_dim3A_1 : vector<16xf32> to vector<1x16xf32>
        tpu.vector_store %arg10[%swap3A, %swap3A_69], %swap3A_72 {strides = array<i32>} : memref<80x128xf32, #tpu.memory_space<vmem>>, vector<1x16xf32>,
      }
      %scan3A_63 = arith.constant 8 : i32
    }
    %scan3A_5 = arith.constant 80 : i32
    %scan3A_6 = arith.constant 0 : i32
    %scan3A_7 = arith.constant 7 : i32
    %scan3A_8 = arith.addi %scan3A_6, %scan3A_7 : i32
    %scan3A_9 = arith.constant 1 : i32
    scf.for %scan3A_54 = %scan3A_6 to %scan3A_8 step %scan3A_9  : i32 {
      %mul3A_55 = arith.constant 1 : i32
      %mul3A_56 = arith.muli %scan3A_54, %mul3A_55 : i32
      %add3A_57 = arith.constant 0 : i32
      %add3A_58 = arith.addi %add3A_57, %mul3A_56 : i32
      %mul3A_59 = arith.constant 624 : i32
      %mul3A_60 = arith.muli %arg1, %mul3A_59 : i32
      %mul3A_61 = arith.constant 80 : i32
      %mul3A_62 = arith.muli %add3A_58, %mul3A_61 : i32
      %add3A_63 = arith.addi %mul3A_60, %mul3A_62 : i32
      "tpu.region"() ({
        %run_scoped3A_64 = tpu.sem_alloc : memref<!tpu.dma_semaphore, #tpu.memory_space<semaphore_mem>>
        %dma_start3A_65 = arith.constant 0 : i32
        %dma_start3A_66 = tpu.memref_slice %arg13[%add3A_63, %dma_start3A_65] : memref<10000x128xf32, #tpu.memory_space<vmem_shared>> -> memref<80x128xf32, #tpu.memory_space<vmem_shared>>
        %dma_start3A_67 = arith.constant 0 : i32
        %dma_start3A_68 = tpu.memref_slice %arg13[%add3A_63, %dma_start3A_67] : memref<10000x128xf32, #tpu.memory_space<vmem_shared>> -> memref<80x128xf32, #tpu.memory_space<vmem_shared>>
        tpu.enqueue_dma source(%arg10 : memref<80x128xf32, #tpu.memory_space<vmem>>) target(%dma_start3A_68 : memref<80x128xf32, #tpu.memory_space<vmem_shared>>) target_semaphore(%run_scoped3A_64 : memref<!tpu.dma_semaphore, #tpu.memory_space<semaphore_mem>>)
        %dma_wait3A_69 = arith.constant 0 : i32
        %dma_wait3A_70 = tpu.memref_slice %arg13[%add3A_63, %dma_wait3A_69] : memref<10000x128xf32, #tpu.memory_space<vmem_shared>> -> memref<80x128xf32, #tpu.memory_space<vmem_shared>>
        %dma_wait3A_71 = arith.constant 0 : i32
        %dma_wait3A_72 = tpu.memref_slice %arg13[%add3A_63, %dma_wait3A_71] : memref<10000x128xf32, #tpu.memory_space<vmem_shared>> -> memref<80x128xf32, #tpu.memory_space<vmem_shared>>
        tpu.wait_dma2 semaphore(%run_scoped3A_64 : memref<!tpu.dma_semaphore, #tpu.memory_space<semaphore_mem>>) src(%arg10 : memref<80x128xf32, #tpu.memory_space<vmem>>) dst(%dma_wait3A_72 : memref<80x128xf32, #tpu.memory_space<vmem_shared>>)
        tpu.yield
      }) : () -> ()
    }
    %scan3A_10 = arith.constant 7 : i32
    %mul3A_11 = arith.constant 624 : i32
    %mul3A_12 = arith.muli %arg1, %mul3A_11 : i32
    %add3A_13 = arith.constant 560 : i32
    %add3A_14 = arith.addi %mul3A_12, %add3A_13 : i32
    "tpu.region"() ({
      %run_scoped3A_54 = tpu.sem_alloc : memref<!tpu.dma_semaphore, #tpu.memory_space<semaphore_mem>>
      %dma_start3A_55 = arith.constant 0 : i32
      %dma_start3A_56 = arith.constant 0 : i32
      %dma_start3A_57 = tpu.memref_slice %arg10[%dma_start3A_55, %dma_start3A_56] : memref<80x128xf32, #tpu.memory_space<vmem>> -> memref<64x128xf32, #tpu.memory_space<vmem>>
      %dma_start3A_58 = arith.constant 0 : i32
      %dma_start3A_59 = tpu.memref_slice %arg13[%add3A_14, %dma_start3A_58] : memref<10000x128xf32, #tpu.memory_space<vmem_shared>> -> memref<64x128xf32, #tpu.memory_space<vmem_shared>>
      %dma_start3A_60 = arith.constant 0 : i32
      %dma_start3A_61 = tpu.memref_slice %arg13[%add3A_14, %dma_start3A_60] : memref<10000x128xf32, #tpu.memory_space<vmem_shared>> -> memref<64x128xf32, #tpu.memory_space<vmem_shared>>
      %dma_start3A_62 = arith.constant 0 : i32
      %dma_start3A_63 = arith.constant 0 : i32
      %dma_start3A_64 = tpu.memref_slice %arg10[%dma_start3A_62, %dma_start3A_63] : memref<80x128xf32, #tpu.memory_space<vmem>> -> memref<64x128xf32, #tpu.memory_space<vmem>>
      tpu.enqueue_dma source(%dma_start3A_64 : memref<64x128xf32, #tpu.memory_space<vmem>>) target(%dma_start3A_61 : memref<64x128xf32, #tpu.memory_space<vmem_shared>>) target_semaphore(%run_scoped3A_54 : memref<!tpu.dma_semaphore, #tpu.memory_space<semaphore_mem>>)
      %dma_wait3A_65 = arith.constant 0 : i32
      %dma_wait3A_66 = arith.constant 0 : i32
      %dma_wait3A_67 = tpu.memref_slice %arg10[%dma_wait3A_65, %dma_wait3A_66] : memref<80x128xf32, #tpu.memory_space<vmem>> -> memref<64x128xf32, #tpu.memory_space<vmem>>
      %dma_wait3A_68 = arith.constant 0 : i32
      %dma_wait3A_69 = tpu.memref_slice %arg13[%add3A_14, %dma_wait3A_68] : memref<10000x128xf32, #tpu.memory_space<vmem_shared>> -> memref<64x128xf32, #tpu.memory_space<vmem_shared>>
      %dma_wait3A_70 = arith.constant 0 : i32
      %dma_wait3A_71 = tpu.memref_slice %arg13[%add3A_14, %dma_wait3A_70] : memref<10000x128xf32, #tpu.memory_space<vmem_shared>> -> memref<64x128xf32, #tpu.memory_space<vmem_shared>>
      %dma_wait3A_72 = arith.constant 0 : i32
      %dma_wait3A_73 = arith.constant 0 : i32
      %dma_wait3A_74 = tpu.memref_slice %arg10[%dma_wait3A_72, %dma_wait3A_73] : memref<80x128xf32, #tpu.memory_space<vmem>> -> memref<64x128xf32, #tpu.memory_space<vmem>>
      tpu.wait_dma2 semaphore(%run_scoped3A_54 : memref<!tpu.dma_semaphore, #tpu.memory_space<semaphore_mem>>) src(%dma_wait3A_74 : memref<64x128xf32, #tpu.memory_space<vmem>>) dst(%dma_wait3A_71 : memref<64x128xf32, #tpu.memory_space<vmem_shared>>)
      tpu.yield
    }) : () -> ()
    %eq3A = arith.constant 15 : i32
    %eq3A_15 = arith.cmpi eq, %arg1, %eq3A : i32
    %convert_element_type3A = arith.extui %eq3A_15 : i1 to i32
    %cond3A = arith.constant 0 : i32
    %cond3A_16 = arith.cmpi ne, %convert_element_type3A, %cond3A : i32
    scf.if %cond3A_16 {
      "tpu.region"() ({
        %run_scoped3A_54 = tpu.sem_alloc : memref<!tpu.dma_semaphore, #tpu.memory_space<semaphore_mem>>
        %dma_start3A_55 = arith.constant 0 : i32
        %dma_start3A_56 = arith.constant 0 : i32
        %dma_start3A_57 = tpu.memref_slice %arg10[%dma_start3A_55, %dma_start3A_56] : memref<80x128xf32, #tpu.memory_space<vmem>> -> memref<16x128xf32, #tpu.memory_space<vmem>>
        %dma_start3A_58 = arith.constant 9984 : i32
        %dma_start3A_59 = arith.constant 0 : i32
        %dma_start3A_60 = tpu.memref_slice %arg13[%dma_start3A_58, %dma_start3A_59] : memref<10000x128xf32, #tpu.memory_space<vmem_shared>> -> memref<16x128xf32, #tpu.memory_space<vmem_shared>>
        %dma_start3A_61 = arith.constant 9984 : i32
        %dma_start3A_62 = arith.constant 0 : i32
        %dma_start3A_63 = tpu.memref_slice %arg13[%dma_start3A_61, %dma_start3A_62] : memref<10000x128xf32, #tpu.memory_space<vmem_shared>> -> memref<16x128xf32, #tpu.memory_space<vmem_shared>>
        %dma_start3A_64 = arith.constant 0 : i32
        %dma_start3A_65 = arith.constant 0 : i32
        %dma_start3A_66 = tpu.memref_slice %arg10[%dma_start3A_64, %dma_start3A_65] : memref<80x128xf32, #tpu.memory_space<vmem>> -> memref<16x128xf32, #tpu.memory_space<vmem>>
        tpu.enqueue_dma source(%dma_start3A_66 : memref<16x128xf32, #tpu.memory_space<vmem>>) target(%dma_start3A_63 : memref<16x128xf32, #tpu.memory_space<vmem_shared>>) target_semaphore(%run_scoped3A_54 : memref<!tpu.dma_semaphore, #tpu.memory_space<semaphore_mem>>)
        %dma_wait3A_67 = arith.constant 0 : i32
        %dma_wait3A_68 = arith.constant 0 : i32
        %dma_wait3A_69 = tpu.memref_slice %arg10[%dma_wait3A_67, %dma_wait3A_68] : memref<80x128xf32, #tpu.memory_space<vmem>> -> memref<16x128xf32, #tpu.memory_space<vmem>>
        %dma_wait3A_70 = arith.constant 9984 : i32
        %dma_wait3A_71 = arith.constant 0 : i32
        %dma_wait3A_72 = tpu.memref_slice %arg13[%dma_wait3A_70, %dma_wait3A_71] : memref<10000x128xf32, #tpu.memory_space<vmem_shared>> -> memref<16x128xf32, #tpu.memory_space<vmem_shared>>
        %dma_wait3A_73 = arith.constant 9984 : i32
        %dma_wait3A_74 = arith.constant 0 : i32
        %dma_wait3A_75 = tpu.memref_slice %arg13[%dma_wait3A_73, %dma_wait3A_74] : memref<10000x128xf32, #tpu.memory_space<vmem_shared>> -> memref<16x128xf32, #tpu.memory_space<vmem_shared>>
        %dma_wait3A_76 = arith.constant 0 : i32
        %dma_wait3A_77 = arith.constant 0 : i32
        %dma_wait3A_78 = tpu.memref_slice %arg10[%dma_wait3A_76, %dma_wait3A_77] : memref<80x128xf32, #tpu.memory_space<vmem>> -> memref<16x128xf32, #tpu.memory_space<vmem>>
        tpu.wait_dma2 semaphore(%run_scoped3A_54 : memref<!tpu.dma_semaphore, #tpu.memory_space<semaphore_mem>>) src(%dma_wait3A_78 : memref<16x128xf32, #tpu.memory_space<vmem>>) dst(%dma_wait3A_75 : memref<16x128xf32, #tpu.memory_space<vmem_shared>>)
        tpu.yield
      }) : () -> ()
    } else {
    }
    %barrier3A = arith.constant 0 : index
    tpu.barrier barrier_id(%barrier3A)
    %mul3A_17 = arith.constant 10000 : i32
    %mul3A_18 = arith.muli %add3A, %mul3A_17 : i32
    %add3A_19 = arith.constant 0 : i32
    %add3A_20 = arith.addi %mul3A_18, %add3A_19 : i32
    "tpu.region"() ({
      %run_scoped3A_54 = tpu.sem_alloc : memref<!tpu.dma_semaphore, #tpu.memory_space<semaphore_mem>>
      %dma_start3A_55 = tpu.memref_slice %arg3[%add3A_20] : memref<320000xi32, #tpu.memory_space<hbm>> -> memref<80xi32, #tpu.memory_space<hbm>>
      %dma_start3A_56 = tpu.memref_slice %arg3[%add3A_20] : memref<320000xi32, #tpu.memory_space<hbm>> -> memref<80xi32, #tpu.memory_space<hbm>>
      tpu.enqueue_dma source(%dma_start3A_56 : memref<80xi32, #tpu.memory_space<hbm>>) target(%arg7 : memref<80xi32, #tpu.memory_space<vmem>>) target_semaphore(%run_scoped3A_54 : memref<!tpu.dma_semaphore, #tpu.memory_space<semaphore_mem>>)
      %dma_wait3A_57 = tpu.memref_slice %arg3[%add3A_20] : memref<320000xi32, #tpu.memory_space<hbm>> -> memref<80xi32, #tpu.memory_space<hbm>>
      %dma_wait3A_58 = tpu.memref_slice %arg3[%add3A_20] : memref<320000xi32, #tpu.memory_space<hbm>> -> memref<80xi32, #tpu.memory_space<hbm>>
      tpu.wait_dma2 semaphore(%run_scoped3A_54 : memref<!tpu.dma_semaphore, #tpu.memory_space<semaphore_mem>>) src(%dma_wait3A_58 : memref<80xi32, #tpu.memory_space<hbm>>) dst(%arg7 : memref<80xi32, #tpu.memory_space<vmem>>)
      tpu.yield
    }) : () -> ()
    %dma_start3A = arith.constant 0 : i32
    %dma_start3A_21 = arith.constant 0 : i32
    %dma_start3A_22 = tpu.memref_slice %arg2[%dma_start3A, %dma_start3A_21] : memref<10000x128xf32, #tpu.memory_space<hbm>> -> memref<10000x128xf32, #tpu.memory_space<hbm>>
    tpu.enqueue_indirect_dma source(%dma_start3A_22 : memref<10000x128xf32, #tpu.memory_space<hbm>>) target(%arg10 : memref<80x128xf32, #tpu.memory_space<vmem>>) offsets(%arg7 : memref<80xi32, #tpu.memory_space<vmem>>) semaphore(%arg14 : memref<!tpu.dma_semaphore, #tpu.memory_space<semaphore_mem>>)
    %add3A_23 = arith.constant 80 : i32
    %add3A_24 = arith.addi %mul3A_18, %add3A_23 : i32
    "tpu.region"() ({
      %run_scoped3A_54 = tpu.sem_alloc : memref<!tpu.dma_semaphore, #tpu.memory_space<semaphore_mem>>
      %dma_start3A_55 = tpu.memref_slice %arg3[%add3A_24] : memref<320000xi32, #tpu.memory_space<hbm>> -> memref<80xi32, #tpu.memory_space<hbm>>
      %dma_start3A_56 = tpu.memref_slice %arg3[%add3A_24] : memref<320000xi32, #tpu.memory_space<hbm>> -> memref<80xi32, #tpu.memory_space<hbm>>
      tpu.enqueue_dma source(%dma_start3A_56 : memref<80xi32, #tpu.memory_space<hbm>>) target(%arg8 : memref<80xi32, #tpu.memory_space<vmem>>) target_semaphore(%run_scoped3A_54 : memref<!tpu.dma_semaphore, #tpu.memory_space<semaphore_mem>>)
      %dma_wait3A_57 = tpu.memref_slice %arg3[%add3A_24] : memref<320000xi32, #tpu.memory_space<hbm>> -> memref<80xi32, #tpu.memory_space<hbm>>
      %dma_wait3A_58 = tpu.memref_slice %arg3[%add3A_24] : memref<320000xi32, #tpu.memory_space<hbm>> -> memref<80xi32, #tpu.memory_space<hbm>>
      tpu.wait_dma2 semaphore(%run_scoped3A_54 : memref<!tpu.dma_semaphore, #tpu.memory_space<semaphore_mem>>) src(%dma_wait3A_58 : memref<80xi32, #tpu.memory_space<hbm>>) dst(%arg8 : memref<80xi32, #tpu.memory_space<vmem>>)
      tpu.yield
    }) : () -> ()
    %dma_start3A_25 = arith.constant 0 : i32
    %dma_start3A_26 = arith.constant 0 : i32
    %dma_start3A_27 = tpu.memref_slice %arg2[%dma_start3A_25, %dma_start3A_26] : memref<10000x128xf32, #tpu.memory_space<hbm>> -> memref<10000x128xf32, #tpu.memory_space<hbm>>
    tpu.enqueue_indirect_dma source(%dma_start3A_27 : memref<10000x128xf32, #tpu.memory_space<hbm>>) target(%arg11 : memref<80x128xf32, #tpu.memory_space<vmem>>) offsets(%arg8 : memref<80xi32, #tpu.memory_space<vmem>>) semaphore(%arg15 : memref<!tpu.dma_semaphore, #tpu.memory_space<semaphore_mem>>)
    %add3A_28 = arith.constant 160 : i32
    %add3A_29 = arith.addi %mul3A_18, %add3A_28 : i32
    "tpu.region"() ({
      %run_scoped3A_54 = tpu.sem_alloc : memref<!tpu.dma_semaphore, #tpu.memory_space<semaphore_mem>>
      %dma_start3A_55 = tpu.memref_slice %arg3[%add3A_29] : memref<320000xi32, #tpu.memory_space<hbm>> -> memref<80xi32, #tpu.memory_space<hbm>>
      %dma_start3A_56 = tpu.memref_slice %arg3[%add3A_29] : memref<320000xi32, #tpu.memory_space<hbm>> -> memref<80xi32, #tpu.memory_space<hbm>>
      tpu.enqueue_dma source(%dma_start3A_56 : memref<80xi32, #tpu.memory_space<hbm>>) target(%arg9 : memref<80xi32, #tpu.memory_space<vmem>>) target_semaphore(%run_scoped3A_54 : memref<!tpu.dma_semaphore, #tpu.memory_space<semaphore_mem>>)
      %dma_wait3A_57 = tpu.memref_slice %arg3[%add3A_29] : memref<320000xi32, #tpu.memory_space<hbm>> -> memref<80xi32, #tpu.memory_space<hbm>>
      %dma_wait3A_58 = tpu.memref_slice %arg3[%add3A_29] : memref<320000xi32, #tpu.memory_space<hbm>> -> memref<80xi32, #tpu.memory_space<hbm>>
      tpu.wait_dma2 semaphore(%run_scoped3A_54 : memref<!tpu.dma_semaphore, #tpu.memory_space<semaphore_mem>>) src(%dma_wait3A_58 : memref<80xi32, #tpu.memory_space<hbm>>) dst(%arg9 : memref<80xi32, #tpu.memory_space<vmem>>)
      tpu.yield
    }) : () -> ()
    %dma_start3A_30 = arith.constant 0 : i32
    %dma_start3A_31 = arith.constant 0 : i32
    %dma_start3A_32 = tpu.memref_slice %arg2[%dma_start3A_30, %dma_start3A_31] : memref<10000x128xf32, #tpu.memory_space<hbm>> -> memref<10000x128xf32, #tpu.memory_space<hbm>>
    tpu.enqueue_indirect_dma source(%dma_start3A_32 : memref<10000x128xf32, #tpu.memory_space<hbm>>) target(%arg12 : memref<80x128xf32, #tpu.memory_space<vmem>>) offsets(%arg9 : memref<80xi32, #tpu.memory_space<vmem>>) semaphore(%arg16 : memref<!tpu.dma_semaphore, #tpu.memory_space<semaphore_mem>>)
    %scan3A_33 = arith.constant 0 : i32
    %scan3A_34 = arith.constant 41 : i32
    %scan3A_35 = arith.addi %scan3A_33, %scan3A_34 : i32
    %scan3A_36 = arith.constant 1 : i32
    scf.for %scan3A_54 = %scan3A_33 to %scan3A_35 step %scan3A_36  : i32 {
      %mul3A_55 = arith.constant 3 : i32
      %mul3A_56 = arith.muli %scan3A_54, %mul3A_55 : i32
      %add3A_57 = arith.constant 0 : i32
      %add3A_58 = arith.addi %add3A_57, %mul3A_56 : i32
      %add3A_59 = arith.constant 0 : i32
      %add3A_60 = arith.addi %add3A_58, %add3A_59 : i32
      %dma_wait3A_61 = arith.constant 0 : i32
      %dma_wait3A_62 = arith.constant 0 : i32
      %dma_wait3A_63 = tpu.memref_slice %arg2[%dma_wait3A_61, %dma_wait3A_62] : memref<10000x128xf32, #tpu.memory_space<hbm>> -> memref<10000x128xf32, #tpu.memory_space<hbm>>
      tpu.wait_indirect_dma semaphore(%arg14 : memref<!tpu.dma_semaphore, #tpu.memory_space<semaphore_mem>>) src(%dma_wait3A_63 : memref<10000x128xf32, #tpu.memory_space<hbm>>) dst(%arg10 : memref<80x128xf32, #tpu.memory_space<vmem>>)
      %dma_start3A_64 = arith.constant 0 : i32
      %dma_start3A_65 = tpu.memref_slice %arg6[%add3A_60, %dma_start3A_64] : memref<125x80xi32, #tpu.memory_space<vmem>> -> memref<1x80xi32, #tpu.memory_space<vmem>>
      %dma_start3A_66 = tpu.memref_squeeze %dma_start3A_65 : memref<1x80xi32, #tpu.memory_space<vmem>> -> memref<80xi32, #tpu.memory_space<vmem>>
      %dma_start3A_67 = arith.constant 0 : i32
      %dma_start3A_68 = arith.constant 0 : i32
      %dma_start3A_69 = tpu.memref_slice %arg13[%dma_start3A_67, %dma_start3A_68] : memref<10000x128xf32, #tpu.memory_space<vmem_shared>> -> memref<10000x128xf32, #tpu.memory_space<vmem_shared>>
      tpu.enqueue_indirect_dma source(%arg10 : memref<80x128xf32, #tpu.memory_space<vmem>>) target(%dma_start3A_69 : memref<10000x128xf32, #tpu.memory_space<vmem_shared>>) offsets(%dma_start3A_66 : memref<80xi32, #tpu.memory_space<vmem>>) semaphore(%arg17 : memref<!tpu.dma_semaphore, #tpu.memory_space<semaphore_mem>>) {add = true}
      %add3A_70 = arith.constant 3 : i32
      %add3A_71 = arith.addi %add3A_60, %add3A_70 : i32
      %lt3A = arith.constant 125 : i32
      %lt3A_72 = arith.cmpi slt, %add3A_71, %lt3A : i32
      %convert_element_type3A_73 = arith.extui %lt3A_72 : i1 to i32
      %cond3A_74 = arith.constant 0 : i32
      %cond3A_75 = arith.cmpi ne, %convert_element_type3A_73, %cond3A_74 : i32
      scf.if %cond3A_75 {
        %mul3A_145 = arith.constant 80 : i32
        %mul3A_146 = arith.muli %add3A_71, %mul3A_145 : i32
        %add3A_147 = arith.addi %mul3A_18, %mul3A_146 : i32
        "tpu.region"() ({
          %run_scoped3A_148 = tpu.sem_alloc : memref<!tpu.dma_semaphore, #tpu.memory_space<semaphore_mem>>
          %dma_start3A_149 = tpu.memref_slice %arg3[%add3A_147] : memref<320000xi32, #tpu.memory_space<hbm>> -> memref<80xi32, #tpu.memory_space<hbm>>
          %dma_start3A_150 = tpu.memref_slice %arg3[%add3A_147] : memref<320000xi32, #tpu.memory_space<hbm>> -> memref<80xi32, #tpu.memory_space<hbm>>
          tpu.enqueue_dma source(%dma_start3A_150 : memref<80xi32, #tpu.memory_space<hbm>>) target(%arg7 : memref<80xi32, #tpu.memory_space<vmem>>) target_semaphore(%run_scoped3A_148 : memref<!tpu.dma_semaphore, #tpu.memory_space<semaphore_mem>>)
          %dma_wait3A_151 = tpu.memref_slice %arg3[%add3A_147] : memref<320000xi32, #tpu.memory_space<hbm>> -> memref<80xi32, #tpu.memory_space<hbm>>
          %dma_wait3A_152 = tpu.memref_slice %arg3[%add3A_147] : memref<320000xi32, #tpu.memory_space<hbm>> -> memref<80xi32, #tpu.memory_space<hbm>>
          tpu.wait_dma2 semaphore(%run_scoped3A_148 : memref<!tpu.dma_semaphore, #tpu.memory_space<semaphore_mem>>) src(%dma_wait3A_152 : memref<80xi32, #tpu.memory_space<hbm>>) dst(%arg7 : memref<80xi32, #tpu.memory_space<vmem>>)
          tpu.yield
        }) : () -> ()
      } else {
      }
      %dma_wait3A_76 = arith.constant 0 : i32
      %dma_wait3A_77 = tpu.memref_slice %arg6[%add3A_60, %dma_wait3A_76] : memref<125x80xi32, #tpu.memory_space<vmem>> -> memref<1x80xi32, #tpu.memory_space<vmem>>
      %dma_wait3A_78 = tpu.memref_squeeze %dma_wait3A_77 : memref<1x80xi32, #tpu.memory_space<vmem>> -> memref<80xi32, #tpu.memory_space<vmem>>
      %dma_wait3A_79 = arith.constant 0 : i32
      %dma_wait3A_80 = arith.constant 0 : i32
      %dma_wait3A_81 = tpu.memref_slice %arg13[%dma_wait3A_79, %dma_wait3A_80] : memref<10000x128xf32, #tpu.memory_space<vmem_shared>> -> memref<10000x128xf32, #tpu.memory_space<vmem_shared>>
      tpu.wait_indirect_dma semaphore(%arg17 : memref<!tpu.dma_semaphore, #tpu.memory_space<semaphore_mem>>) src(%arg10 : memref<80x128xf32, #tpu.memory_space<vmem>>) dst(%dma_wait3A_81 : memref<10000x128xf32, #tpu.memory_space<vmem_shared>>)
      %lt3A_82 = arith.constant 125 : i32
      %lt3A_83 = arith.cmpi slt, %add3A_71, %lt3A_82 : i32
      %convert_element_type3A_84 = arith.extui %lt3A_83 : i1 to i32
      %cond3A_85 = arith.constant 0 : i32
      %cond3A_86 = arith.cmpi ne, %convert_element_type3A_84, %cond3A_85 : i32
      scf.if %cond3A_86 {
        %dma_start3A_145 = arith.constant 0 : i32
        %dma_start3A_146 = arith.constant 0 : i32
        %dma_start3A_147 = tpu.memref_slice %arg2[%dma_start3A_145, %dma_start3A_146] : memref<10000x128xf32, #tpu.memory_space<hbm>> -> memref<10000x128xf32, #tpu.memory_space<hbm>>
        tpu.enqueue_indirect_dma source(%dma_start3A_147 : memref<10000x128xf32, #tpu.memory_space<hbm>>) target(%arg10 : memref<80x128xf32, #tpu.memory_space<vmem>>) offsets(%arg7 : memref<80xi32, #tpu.memory_space<vmem>>) semaphore(%arg14 : memref<!tpu.dma_semaphore, #tpu.memory_space<semaphore_mem>>)
      } else {
      }
      %add3A_87 = arith.constant 1 : i32
      %add3A_88 = arith.addi %add3A_58, %add3A_87 : i32
      %dma_wait3A_89 = arith.constant 0 : i32
      %dma_wait3A_90 = arith.constant 0 : i32
      %dma_wait3A_91 = tpu.memref_slice %arg2[%dma_wait3A_89, %dma_wait3A_90] : memref<10000x128xf32, #tpu.memory_space<hbm>> -> memref<10000x128xf32, #tpu.memory_space<hbm>>
      tpu.wait_indirect_dma semaphore(%arg15 : memref<!tpu.dma_semaphore, #tpu.memory_space<semaphore_mem>>) src(%dma_wait3A_91 : memref<10000x128xf32, #tpu.memory_space<hbm>>) dst(%arg11 : memref<80x128xf32, #tpu.memory_space<vmem>>)
      %dma_start3A_92 = arith.constant 0 : i32
      %dma_start3A_93 = tpu.memref_slice %arg6[%add3A_88, %dma_start3A_92] : memref<125x80xi32, #tpu.memory_space<vmem>> -> memref<1x80xi32, #tpu.memory_space<vmem>>
      %dma_start3A_94 = tpu.memref_squeeze %dma_start3A_93 : memref<1x80xi32, #tpu.memory_space<vmem>> -> memref<80xi32, #tpu.memory_space<vmem>>
      %dma_start3A_95 = arith.constant 0 : i32
      %dma_start3A_96 = arith.constant 0 : i32
      %dma_start3A_97 = tpu.memref_slice %arg13[%dma_start3A_95, %dma_start3A_96] : memref<10000x128xf32, #tpu.memory_space<vmem_shared>> -> memref<10000x128xf32, #tpu.memory_space<vmem_shared>>
      tpu.enqueue_indirect_dma source(%arg11 : memref<80x128xf32, #tpu.memory_space<vmem>>) target(%dma_start3A_97 : memref<10000x128xf32, #tpu.memory_space<vmem_shared>>) offsets(%dma_start3A_94 : memref<80xi32, #tpu.memory_space<vmem>>) semaphore(%arg18 : memref<!tpu.dma_semaphore, #tpu.memory_space<semaphore_mem>>) {add = true}
      %add3A_98 = arith.constant 3 : i32
      %add3A_99 = arith.addi %add3A_88, %add3A_98 : i32
      %lt3A_100 = arith.constant 125 : i32
      %lt3A_101 = arith.cmpi slt, %add3A_99, %lt3A_100 : i32
      %convert_element_type3A_102 = arith.extui %lt3A_101 : i1 to i32
      %cond3A_103 = arith.constant 0 : i32
      %cond3A_104 = arith.cmpi ne, %convert_element_type3A_102, %cond3A_103 : i32
      scf.if %cond3A_104 {
        %mul3A_145 = arith.constant 80 : i32
        %mul3A_146 = arith.muli %add3A_99, %mul3A_145 : i32
        %add3A_147 = arith.addi %mul3A_18, %mul3A_146 : i32
        "tpu.region"() ({
          %run_scoped3A_148 = tpu.sem_alloc : memref<!tpu.dma_semaphore, #tpu.memory_space<semaphore_mem>>
          %dma_start3A_149 = tpu.memref_slice %arg3[%add3A_147] : memref<320000xi32, #tpu.memory_space<hbm>> -> memref<80xi32, #tpu.memory_space<hbm>>
          %dma_start3A_150 = tpu.memref_slice %arg3[%add3A_147] : memref<320000xi32, #tpu.memory_space<hbm>> -> memref<80xi32, #tpu.memory_space<hbm>>
          tpu.enqueue_dma source(%dma_start3A_150 : memref<80xi32, #tpu.memory_space<hbm>>) target(%arg8 : memref<80xi32, #tpu.memory_space<vmem>>) target_semaphore(%run_scoped3A_148 : memref<!tpu.dma_semaphore, #tpu.memory_space<semaphore_mem>>)
          %dma_wait3A_151 = tpu.memref_slice %arg3[%add3A_147] : memref<320000xi32, #tpu.memory_space<hbm>> -> memref<80xi32, #tpu.memory_space<hbm>>
          %dma_wait3A_152 = tpu.memref_slice %arg3[%add3A_147] : memref<320000xi32, #tpu.memory_space<hbm>> -> memref<80xi32, #tpu.memory_space<hbm>>
          tpu.wait_dma2 semaphore(%run_scoped3A_148 : memref<!tpu.dma_semaphore, #tpu.memory_space<semaphore_mem>>) src(%dma_wait3A_152 : memref<80xi32, #tpu.memory_space<hbm>>) dst(%arg8 : memref<80xi32, #tpu.memory_space<vmem>>)
          tpu.yield
        }) : () -> ()
      } else {
      }
      %dma_wait3A_105 = arith.constant 0 : i32
      %dma_wait3A_106 = tpu.memref_slice %arg6[%add3A_88, %dma_wait3A_105] : memref<125x80xi32, #tpu.memory_space<vmem>> -> memref<1x80xi32, #tpu.memory_space<vmem>>
      %dma_wait3A_107 = tpu.memref_squeeze %dma_wait3A_106 : memref<1x80xi32, #tpu.memory_space<vmem>> -> memref<80xi32, #tpu.memory_space<vmem>>
      %dma_wait3A_108 = arith.constant 0 : i32
      %dma_wait3A_109 = arith.constant 0 : i32
      %dma_wait3A_110 = tpu.memref_slice %arg13[%dma_wait3A_108, %dma_wait3A_109] : memref<10000x128xf32, #tpu.memory_space<vmem_shared>> -> memref<10000x128xf32, #tpu.memory_space<vmem_shared>>
      tpu.wait_indirect_dma semaphore(%arg18 : memref<!tpu.dma_semaphore, #tpu.memory_space<semaphore_mem>>) src(%arg11 : memref<80x128xf32, #tpu.memory_space<vmem>>) dst(%dma_wait3A_110 : memref<10000x128xf32, #tpu.memory_space<vmem_shared>>)
      %lt3A_111 = arith.constant 125 : i32
      %lt3A_112 = arith.cmpi slt, %add3A_99, %lt3A_111 : i32
      %convert_element_type3A_113 = arith.extui %lt3A_112 : i1 to i32
      %cond3A_114 = arith.constant 0 : i32
      %cond3A_115 = arith.cmpi ne, %convert_element_type3A_113, %cond3A_114 : i32
      scf.if %cond3A_115 {
        %dma_start3A_145 = arith.constant 0 : i32
        %dma_start3A_146 = arith.constant 0 : i32
        %dma_start3A_147 = tpu.memref_slice %arg2[%dma_start3A_145, %dma_start3A_146] : memref<10000x128xf32, #tpu.memory_space<hbm>> -> memref<10000x128xf32, #tpu.memory_space<hbm>>
        tpu.enqueue_indirect_dma source(%dma_start3A_147 : memref<10000x128xf32, #tpu.memory_space<hbm>>) target(%arg11 : memref<80x128xf32, #tpu.memory_space<vmem>>) offsets(%arg8 : memref<80xi32, #tpu.memory_space<vmem>>) semaphore(%arg15 : memref<!tpu.dma_semaphore, #tpu.memory_space<semaphore_mem>>)
      } else {
      }
      %add3A_116 = arith.constant 2 : i32
      %add3A_117 = arith.addi %add3A_58, %add3A_116 : i32
      %dma_wait3A_118 = arith.constant 0 : i32
      %dma_wait3A_119 = arith.constant 0 : i32
      %dma_wait3A_120 = tpu.memref_slice %arg2[%dma_wait3A_118, %dma_wait3A_119] : memref<10000x128xf32, #tpu.memory_space<hbm>> -> memref<10000x128xf32, #tpu.memory_space<hbm>>
      tpu.wait_indirect_dma semaphore(%arg16 : memref<!tpu.dma_semaphore, #tpu.memory_space<semaphore_mem>>) src(%dma_wait3A_120 : memref<10000x128xf32, #tpu.memory_space<hbm>>) dst(%arg12 : memref<80x128xf32, #tpu.memory_space<vmem>>)
      %dma_start3A_121 = arith.constant 0 : i32
      %dma_start3A_122 = tpu.memref_slice %arg6[%add3A_117, %dma_start3A_121] : memref<125x80xi32, #tpu.memory_space<vmem>> -> memref<1x80xi32, #tpu.memory_space<vmem>>
      %dma_start3A_123 = tpu.memref_squeeze %dma_start3A_122 : memref<1x80xi32, #tpu.memory_space<vmem>> -> memref<80xi32, #tpu.memory_space<vmem>>
      %dma_start3A_124 = arith.constant 0 : i32
      %dma_start3A_125 = arith.constant 0 : i32
      %dma_start3A_126 = tpu.memref_slice %arg13[%dma_start3A_124, %dma_start3A_125] : memref<10000x128xf32, #tpu.memory_space<vmem_shared>> -> memref<10000x128xf32, #tpu.memory_space<vmem_shared>>
      tpu.enqueue_indirect_dma source(%arg12 : memref<80x128xf32, #tpu.memory_space<vmem>>) target(%dma_start3A_126 : memref<10000x128xf32, #tpu.memory_space<vmem_shared>>) offsets(%dma_start3A_123 : memref<80xi32, #tpu.memory_space<vmem>>) semaphore(%arg19 : memref<!tpu.dma_semaphore, #tpu.memory_space<semaphore_mem>>) {add = true}
      %add3A_127 = arith.constant 3 : i32
      %add3A_128 = arith.addi %add3A_117, %add3A_127 : i32
      %lt3A_129 = arith.constant 125 : i32
      %lt3A_130 = arith.cmpi slt, %add3A_128, %lt3A_129 : i32
      %convert_element_type3A_131 = arith.extui %lt3A_130 : i1 to i32
      %cond3A_132 = arith.constant 0 : i32
      %cond3A_133 = arith.cmpi ne, %convert_element_type3A_131, %cond3A_132 : i32
      scf.if %cond3A_133 {
        %mul3A_145 = arith.constant 80 : i32
        %mul3A_146 = arith.muli %add3A_128, %mul3A_145 : i32
        %add3A_147 = arith.addi %mul3A_18, %mul3A_146 : i32
        "tpu.region"() ({
          %run_scoped3A_148 = tpu.sem_alloc : memref<!tpu.dma_semaphore, #tpu.memory_space<semaphore_mem>>
          %dma_start3A_149 = tpu.memref_slice %arg3[%add3A_147] : memref<320000xi32, #tpu.memory_space<hbm>> -> memref<80xi32, #tpu.memory_space<hbm>>
          %dma_start3A_150 = tpu.memref_slice %arg3[%add3A_147] : memref<320000xi32, #tpu.memory_space<hbm>> -> memref<80xi32, #tpu.memory_space<hbm>>
          tpu.enqueue_dma source(%dma_start3A_150 : memref<80xi32, #tpu.memory_space<hbm>>) target(%arg9 : memref<80xi32, #tpu.memory_space<vmem>>) target_semaphore(%run_scoped3A_148 : memref<!tpu.dma_semaphore, #tpu.memory_space<semaphore_mem>>)
          %dma_wait3A_151 = tpu.memref_slice %arg3[%add3A_147] : memref<320000xi32, #tpu.memory_space<hbm>> -> memref<80xi32, #tpu.memory_space<hbm>>
          %dma_wait3A_152 = tpu.memref_slice %arg3[%add3A_147] : memref<320000xi32, #tpu.memory_space<hbm>> -> memref<80xi32, #tpu.memory_space<hbm>>
          tpu.wait_dma2 semaphore(%run_scoped3A_148 : memref<!tpu.dma_semaphore, #tpu.memory_space<semaphore_mem>>) src(%dma_wait3A_152 : memref<80xi32, #tpu.memory_space<hbm>>) dst(%arg9 : memref<80xi32, #tpu.memory_space<vmem>>)
          tpu.yield
        }) : () -> ()
      } else {
      }
      %dma_wait3A_134 = arith.constant 0 : i32
      %dma_wait3A_135 = tpu.memref_slice %arg6[%add3A_117, %dma_wait3A_134] : memref<125x80xi32, #tpu.memory_space<vmem>> -> memref<1x80xi32, #tpu.memory_space<vmem>>
      %dma_wait3A_136 = tpu.memref_squeeze %dma_wait3A_135 : memref<1x80xi32, #tpu.memory_space<vmem>> -> memref<80xi32, #tpu.memory_space<vmem>>
      %dma_wait3A_137 = arith.constant 0 : i32
      %dma_wait3A_138 = arith.constant 0 : i32
      %dma_wait3A_139 = tpu.memref_slice %arg13[%dma_wait3A_137, %dma_wait3A_138] : memref<10000x128xf32, #tpu.memory_space<vmem_shared>> -> memref<10000x128xf32, #tpu.memory_space<vmem_shared>>
      tpu.wait_indirect_dma semaphore(%arg19 : memref<!tpu.dma_semaphore, #tpu.memory_space<semaphore_mem>>) src(%arg12 : memref<80x128xf32, #tpu.memory_space<vmem>>) dst(%dma_wait3A_139 : memref<10000x128xf32, #tpu.memory_space<vmem_shared>>)
      %lt3A_140 = arith.constant 125 : i32
      %lt3A_141 = arith.cmpi slt, %add3A_128, %lt3A_140 : i32
      %convert_element_type3A_142 = arith.extui %lt3A_141 : i1 to i32
      %cond3A_143 = arith.constant 0 : i32
      %cond3A_144 = arith.cmpi ne, %convert_element_type3A_142, %cond3A_143 : i32
      scf.if %cond3A_144 {
        %dma_start3A_145 = arith.constant 0 : i32
        %dma_start3A_146 = arith.constant 0 : i32
        %dma_start3A_147 = tpu.memref_slice %arg2[%dma_start3A_145, %dma_start3A_146] : memref<10000x128xf32, #tpu.memory_space<hbm>> -> memref<10000x128xf32, #tpu.memory_space<hbm>>
        tpu.enqueue_indirect_dma source(%dma_start3A_147 : memref<10000x128xf32, #tpu.memory_space<hbm>>) target(%arg12 : memref<80x128xf32, #tpu.memory_space<vmem>>) offsets(%arg9 : memref<80xi32, #tpu.memory_space<vmem>>) semaphore(%arg16 : memref<!tpu.dma_semaphore, #tpu.memory_space<semaphore_mem>>)
      } else {
      }
    }
    %scan3A_37 = arith.constant 41 : i32
    %dma_wait3A = arith.constant 0 : i32
    %dma_wait3A_38 = arith.constant 0 : i32
    %dma_wait3A_39 = tpu.memref_slice %arg2[%dma_wait3A, %dma_wait3A_38] : memref<10000x128xf32, #tpu.memory_space<hbm>> -> memref<10000x128xf32, #tpu.memory_space<hbm>>
    tpu.wait_indirect_dma semaphore(%arg14 : memref<!tpu.dma_semaphore, #tpu.memory_space<semaphore_mem>>) src(%dma_wait3A_39 : memref<10000x128xf32, #tpu.memory_space<hbm>>) dst(%arg10 : memref<80x128xf32, #tpu.memory_space<vmem>>)
    %run_scoped3A = arith.constant 123 : i32
    "tpu.region"() ({
      %run_scoped3A_54 = tpu.sem_alloc : memref<!tpu.dma_semaphore, #tpu.memory_space<semaphore_mem>>
      %dma_start3A_55 = arith.constant 0 : i32
      %dma_start3A_56 = tpu.memref_slice %arg6[%run_scoped3A, %dma_start3A_55] : memref<125x80xi32, #tpu.memory_space<vmem>> -> memref<1x80xi32, #tpu.memory_space<vmem>>
      %dma_start3A_57 = tpu.memref_squeeze %dma_start3A_56 : memref<1x80xi32, #tpu.memory_space<vmem>> -> memref<80xi32, #tpu.memory_space<vmem>>
      %dma_start3A_58 = arith.constant 0 : i32
      %dma_start3A_59 = arith.constant 0 : i32
      %dma_start3A_60 = tpu.memref_slice %arg13[%dma_start3A_58, %dma_start3A_59] : memref<10000x128xf32, #tpu.memory_space<vmem_shared>> -> memref<10000x128xf32, #tpu.memory_space<vmem_shared>>
      tpu.enqueue_indirect_dma source(%arg10 : memref<80x128xf32, #tpu.memory_space<vmem>>) target(%dma_start3A_60 : memref<10000x128xf32, #tpu.memory_space<vmem_shared>>) offsets(%dma_start3A_57 : memref<80xi32, #tpu.memory_space<vmem>>) semaphore(%run_scoped3A_54 : memref<!tpu.dma_semaphore, #tpu.memory_space<semaphore_mem>>) {add = true}
      %dma_wait3A_61 = arith.constant 0 : i32
      %dma_wait3A_62 = tpu.memref_slice %arg6[%run_scoped3A, %dma_wait3A_61] : memref<125x80xi32, #tpu.memory_space<vmem>> -> memref<1x80xi32, #tpu.memory_space<vmem>>
      %dma_wait3A_63 = tpu.memref_squeeze %dma_wait3A_62 : memref<1x80xi32, #tpu.memory_space<vmem>> -> memref<80xi32, #tpu.memory_space<vmem>>
      %dma_wait3A_64 = arith.constant 0 : i32
      %dma_wait3A_65 = arith.constant 0 : i32
      %dma_wait3A_66 = tpu.memref_slice %arg13[%dma_wait3A_64, %dma_wait3A_65] : memref<10000x128xf32, #tpu.memory_space<vmem_shared>> -> memref<10000x128xf32, #tpu.memory_space<vmem_shared>>
      tpu.wait_indirect_dma semaphore(%run_scoped3A_54 : memref<!tpu.dma_semaphore, #tpu.memory_space<semaphore_mem>>) src(%arg10 : memref<80x128xf32, #tpu.memory_space<vmem>>) dst(%dma_wait3A_66 : memref<10000x128xf32, #tpu.memory_space<vmem_shared>>)
      tpu.yield
    }) : () -> ()
    %dma_wait3A_40 = arith.constant 0 : i32
    %dma_wait3A_41 = arith.constant 0 : i32
    %dma_wait3A_42 = tpu.memref_slice %arg2[%dma_wait3A_40, %dma_wait3A_41] : memref<10000x128xf32, #tpu.memory_space<hbm>> -> memref<10000x128xf32, #tpu.memory_space<hbm>>
    tpu.wait_indirect_dma semaphore(%arg15 : memref<!tpu.dma_semaphore, #tpu.memory_space<semaphore_mem>>) src(%dma_wait3A_42 : memref<10000x128xf32, #tpu.memory_space<hbm>>) dst(%arg11 : memref<80x128xf32, #tpu.memory_space<vmem>>)
    %run_scoped3A_43 = arith.constant 124 : i32
    "tpu.region"() ({
      %run_scoped3A_54 = tpu.sem_alloc : memref<!tpu.dma_semaphore, #tpu.memory_space<semaphore_mem>>
      %dma_start3A_55 = arith.constant 0 : i32
      %dma_start3A_56 = tpu.memref_slice %arg6[%run_scoped3A_43, %dma_start3A_55] : memref<125x80xi32, #tpu.memory_space<vmem>> -> memref<1x80xi32, #tpu.memory_space<vmem>>
      %dma_start3A_57 = tpu.memref_squeeze %dma_start3A_56 : memref<1x80xi32, #tpu.memory_space<vmem>> -> memref<80xi32, #tpu.memory_space<vmem>>
      %dma_start3A_58 = arith.constant 0 : i32
      %dma_start3A_59 = arith.constant 0 : i32
      %dma_start3A_60 = tpu.memref_slice %arg13[%dma_start3A_58, %dma_start3A_59] : memref<10000x128xf32, #tpu.memory_space<vmem_shared>> -> memref<10000x128xf32, #tpu.memory_space<vmem_shared>>
      tpu.enqueue_indirect_dma source(%arg11 : memref<80x128xf32, #tpu.memory_space<vmem>>) target(%dma_start3A_60 : memref<10000x128xf32, #tpu.memory_space<vmem_shared>>) offsets(%dma_start3A_57 : memref<80xi32, #tpu.memory_space<vmem>>) semaphore(%run_scoped3A_54 : memref<!tpu.dma_semaphore, #tpu.memory_space<semaphore_mem>>) {add = true}
      %dma_wait3A_61 = arith.constant 0 : i32
      %dma_wait3A_62 = tpu.memref_slice %arg6[%run_scoped3A_43, %dma_wait3A_61] : memref<125x80xi32, #tpu.memory_space<vmem>> -> memref<1x80xi32, #tpu.memory_space<vmem>>
      %dma_wait3A_63 = tpu.memref_squeeze %dma_wait3A_62 : memref<1x80xi32, #tpu.memory_space<vmem>> -> memref<80xi32, #tpu.memory_space<vmem>>
      %dma_wait3A_64 = arith.constant 0 : i32
      %dma_wait3A_65 = arith.constant 0 : i32
      %dma_wait3A_66 = tpu.memref_slice %arg13[%dma_wait3A_64, %dma_wait3A_65] : memref<10000x128xf32, #tpu.memory_space<vmem_shared>> -> memref<10000x128xf32, #tpu.memory_space<vmem_shared>>
      tpu.wait_indirect_dma semaphore(%run_scoped3A_54 : memref<!tpu.dma_semaphore, #tpu.memory_space<semaphore_mem>>) src(%arg11 : memref<80x128xf32, #tpu.memory_space<vmem>>) dst(%dma_wait3A_66 : memref<10000x128xf32, #tpu.memory_space<vmem_shared>>)
      tpu.yield
    }) : () -> ()
    %barrier3A_44 = arith.constant 0 : index
    tpu.barrier barrier_id(%barrier3A_44)
    %mul3A_45 = arith.constant 624 : i32
    %mul3A_46 = arith.muli %arg1, %mul3A_45 : i32
    %mul3A_47 = arith.constant 624 : i32
    %mul3A_48 = arith.muli %arg1, %mul3A_47 : i32
    "tpu.region"() ({
      %run_scoped3A_54 = tpu.sem_alloc : memref<!tpu.dma_semaphore, #tpu.memory_space<semaphore_mem>>
      %dma_start3A_55 = arith.constant 0 : i32
      %dma_start3A_56 = arith.constant 0 : i32
      %dma_start3A_57 = tpu.memref_slice %arg5[%arg0, %dma_start3A_55, %dma_start3A_56] : memref<2x10000x128xf32, #tpu.memory_space<hbm>> -> memref<1x10000x128xf32, #tpu.memory_space<hbm>>
      %dma_start3A_58 = tpu.memref_squeeze %dma_start3A_57 : memref<1x10000x128xf32, #tpu.memory_space<hbm>> -> memref<10000x128xf32, #tpu.memory_space<hbm>>
      %dma_start3A_59 = arith.constant 0 : i32
      %dma_start3A_60 = tpu.memref_slice %dma_start3A_58[%mul3A_48, %dma_start3A_59] : memref<10000x128xf32, #tpu.memory_space<hbm>> -> memref<624x128xf32, #tpu.memory_space<hbm>>
      %dma_start3A_61 = arith.constant 0 : i32
      %dma_start3A_62 = tpu.memref_slice %arg13[%mul3A_46, %dma_start3A_61] : memref<10000x128xf32, #tpu.memory_space<vmem_shared>> -> memref<624x128xf32, #tpu.memory_space<vmem_shared>>
      tpu.enqueue_dma source(%dma_start3A_62 : memref<624x128xf32, #tpu.memory_space<vmem_shared>>) target(%dma_start3A_60 : memref<624x128xf32, #tpu.memory_space<hbm>>) target_semaphore(%run_scoped3A_54 : memref<!tpu.dma_semaphore, #tpu.memory_space<semaphore_mem>>)
      %dma_wait3A_63 = arith.constant 0 : i32
      %dma_wait3A_64 = arith.constant 0 : i32
      %dma_wait3A_65 = tpu.memref_slice %arg5[%arg0, %dma_wait3A_63, %dma_wait3A_64] : memref<2x10000x128xf32, #tpu.memory_space<hbm>> -> memref<1x10000x128xf32, #tpu.memory_space<hbm>>
      %dma_wait3A_66 = tpu.memref_squeeze %dma_wait3A_65 : memref<1x10000x128xf32, #tpu.memory_space<hbm>> -> memref<10000x128xf32, #tpu.memory_space<hbm>>
      %dma_wait3A_67 = arith.constant 0 : i32
      %dma_wait3A_68 = tpu.memref_slice %dma_wait3A_66[%mul3A_48, %dma_wait3A_67] : memref<10000x128xf32, #tpu.memory_space<hbm>> -> memref<624x128xf32, #tpu.memory_space<hbm>>
      %dma_wait3A_69 = arith.constant 0 : i32
      %dma_wait3A_70 = tpu.memref_slice %arg13[%mul3A_46, %dma_wait3A_69] : memref<10000x128xf32, #tpu.memory_space<vmem_shared>> -> memref<624x128xf32, #tpu.memory_space<vmem_shared>>
      tpu.wait_dma2 semaphore(%run_scoped3A_54 : memref<!tpu.dma_semaphore, #tpu.memory_space<semaphore_mem>>) src(%dma_wait3A_70 : memref<624x128xf32, #tpu.memory_space<vmem_shared>>) dst(%dma_wait3A_68 : memref<624x128xf32, #tpu.memory_space<hbm>>)
      tpu.yield
    }) : () -> ()
    %eq3A_49 = arith.constant 15 : i32
    %eq3A_50 = arith.cmpi eq, %arg1, %eq3A_49 : i32
    %convert_element_type3A_51 = arith.extui %eq3A_50 : i1 to i32
    %cond3A_52 = arith.constant 0 : i32
    %cond3A_53 = arith.cmpi ne, %convert_element_type3A_51, %cond3A_52 : i32
    scf.if %cond3A_53 {
      "tpu.region"() ({
        %run_scoped3A_54 = tpu.sem_alloc : memref<!tpu.dma_semaphore, #tpu.memory_space<semaphore_mem>>
        %dma_start3A_55 = arith.constant 0 : i32
        %dma_start3A_56 = arith.constant 0 : i32
        %dma_start3A_57 = tpu.memref_slice %arg5[%arg0, %dma_start3A_55, %dma_start3A_56] : memref<2x10000x128xf32, #tpu.memory_space<hbm>> -> memref<1x10000x128xf32, #tpu.memory_space<hbm>>
        %dma_start3A_58 = tpu.memref_squeeze %dma_start3A_57 : memref<1x10000x128xf32, #tpu.memory_space<hbm>> -> memref<10000x128xf32, #tpu.memory_space<hbm>>
        %dma_start3A_59 = arith.constant 9984 : i32
        %dma_start3A_60 = arith.constant 0 : i32
        %dma_start3A_61 = tpu.memref_slice %dma_start3A_58[%dma_start3A_59, %dma_start3A_60] : memref<10000x128xf32, #tpu.memory_space<hbm>> -> memref<16x128xf32, #tpu.memory_space<hbm>>
        %dma_start3A_62 = arith.constant 9984 : i32
        %dma_start3A_63 = arith.constant 0 : i32
        %dma_start3A_64 = tpu.memref_slice %arg13[%dma_start3A_62, %dma_start3A_63] : memref<10000x128xf32, #tpu.memory_space<vmem_shared>> -> memref<16x128xf32, #tpu.memory_space<vmem_shared>>
        tpu.enqueue_dma source(%dma_start3A_64 : memref<16x128xf32, #tpu.memory_space<vmem_shared>>) target(%dma_start3A_61 : memref<16x128xf32, #tpu.memory_space<hbm>>) target_semaphore(%run_scoped3A_54 : memref<!tpu.dma_semaphore, #tpu.memory_space<semaphore_mem>>)
        %dma_wait3A_65 = arith.constant 0 : i32
        %dma_wait3A_66 = arith.constant 0 : i32
        %dma_wait3A_67 = tpu.memref_slice %arg5[%arg0, %dma_wait3A_65, %dma_wait3A_66] : memref<2x10000x128xf32, #tpu.memory_space<hbm>> -> memref<1x10000x128xf32, #tpu.memory_space<hbm>>
        %dma_wait3A_68 = tpu.memref_squeeze %dma_wait3A_67 : memref<1x10000x128xf32, #tpu.memory_space<hbm>> -> memref<10000x128xf32, #tpu.memory_space<hbm>>
        %dma_wait3A_69 = arith.constant 9984 : i32
        %dma_wait3A_70 = arith.constant 0 : i32
        %dma_wait3A_71 = tpu.memref_slice %dma_wait3A_68[%dma_wait3A_69, %dma_wait3A_70] : memref<10000x128xf32, #tpu.memory_space<hbm>> -> memref<16x128xf32, #tpu.memory_space<hbm>>
        %dma_wait3A_72 = arith.constant 9984 : i32
        %dma_wait3A_73 = arith.constant 0 : i32
        %dma_wait3A_74 = tpu.memref_slice %arg13[%dma_wait3A_72, %dma_wait3A_73] : memref<10000x128xf32, #tpu.memory_space<vmem_shared>> -> memref<16x128xf32, #tpu.memory_space<vmem_shared>>
        tpu.wait_dma2 semaphore(%run_scoped3A_54 : memref<!tpu.dma_semaphore, #tpu.memory_space<semaphore_mem>>) src(%dma_wait3A_74 : memref<16x128xf32, #tpu.memory_space<vmem_shared>>) dst(%dma_wait3A_71 : memref<16x128xf32, #tpu.memory_space<hbm>>)
        tpu.yield
      }) : () -> ()
    } else {
    }
    return
  }
}

#map = affine_map<(d0, d1) -> (0, 0, 0)>
#map1 = affine_map<(d0, d1) -> (0)>
module attributes {stable_mosaic.version = 14 : i64} {
  func.func @_deg(%arg0: i32, %arg1: i32, %arg2: memref<32x125x80xi32, #tpu.memory_space<hbm>>, %arg3: memref<20000xf32, #tpu.memory_space<hbm>>, %arg4: memref<125x80xi32, #tpu.memory_space<vmem>>, %arg5: memref<10240xf32, #tpu.memory_space<vmem>>, %arg6: memref<640xf32, #tpu.memory_space<vmem>>, %arg7: memref<640xf32, #tpu.memory_space<vmem>>, %arg8: memref<16x10240xf32, #tpu.memory_space<vmem_shared>>) attributes {dimension_semantics = [#tpu.dimension_semantics<core_parallel>, #tpu.dimension_semantics<subcore_parallel>], iteration_bounds = array<i64: 2, 16>, scalar_prefetch = 0 : i64, scratch_operands = 5 : i64, tpu.core_type = #tpu.core_type<sc_vector_subcore>, window_params = [{transform_indices = #map}, {transform_indices = #map1}]} {
    %mul3A = arith.constant 16 : i32
    %mul3A_0 = arith.muli %arg0, %mul3A : i32
    %add3A = arith.addi %mul3A_0, %arg1 : i32
    "tpu.region"() ({
      %run_scoped3A_26 = tpu.sem_alloc : memref<!tpu.dma_semaphore, #tpu.memory_space<semaphore_mem>>
      %dma_start3A = arith.constant 0 : i32
      %dma_start3A_27 = arith.constant 0 : i32
      %dma_start3A_28 = tpu.memref_slice %arg2[%add3A, %dma_start3A, %dma_start3A_27] : memref<32x125x80xi32, #tpu.memory_space<hbm>> -> memref<1x125x80xi32, #tpu.memory_space<hbm>>
      %dma_start3A_29 = tpu.memref_squeeze %dma_start3A_28 : memref<1x125x80xi32, #tpu.memory_space<hbm>> -> memref<125x80xi32, #tpu.memory_space<hbm>>
      %dma_start3A_30 = arith.constant 0 : i32
      %dma_start3A_31 = arith.constant 0 : i32
      %dma_start3A_32 = tpu.memref_slice %arg2[%add3A, %dma_start3A_30, %dma_start3A_31] : memref<32x125x80xi32, #tpu.memory_space<hbm>> -> memref<1x125x80xi32, #tpu.memory_space<hbm>>
      %dma_start3A_33 = tpu.memref_squeeze %dma_start3A_32 : memref<1x125x80xi32, #tpu.memory_space<hbm>> -> memref<125x80xi32, #tpu.memory_space<hbm>>
      tpu.enqueue_dma source(%dma_start3A_33 : memref<125x80xi32, #tpu.memory_space<hbm>>) target(%arg4 : memref<125x80xi32, #tpu.memory_space<vmem>>) target_semaphore(%run_scoped3A_26 : memref<!tpu.dma_semaphore, #tpu.memory_space<semaphore_mem>>)
      %dma_wait3A = arith.constant 0 : i32
      %dma_wait3A_34 = arith.constant 0 : i32
      %dma_wait3A_35 = tpu.memref_slice %arg2[%add3A, %dma_wait3A, %dma_wait3A_34] : memref<32x125x80xi32, #tpu.memory_space<hbm>> -> memref<1x125x80xi32, #tpu.memory_space<hbm>>
      %dma_wait3A_36 = tpu.memref_squeeze %dma_wait3A_35 : memref<1x125x80xi32, #tpu.memory_space<hbm>> -> memref<125x80xi32, #tpu.memory_space<hbm>>
      %dma_wait3A_37 = arith.constant 0 : i32
      %dma_wait3A_38 = arith.constant 0 : i32
      %dma_wait3A_39 = tpu.memref_slice %arg2[%add3A, %dma_wait3A_37, %dma_wait3A_38] : memref<32x125x80xi32, #tpu.memory_space<hbm>> -> memref<1x125x80xi32, #tpu.memory_space<hbm>>
      %dma_wait3A_40 = tpu.memref_squeeze %dma_wait3A_39 : memref<1x125x80xi32, #tpu.memory_space<hbm>> -> memref<125x80xi32, #tpu.memory_space<hbm>>
      tpu.wait_dma2 semaphore(%run_scoped3A_26 : memref<!tpu.dma_semaphore, #tpu.memory_space<semaphore_mem>>) src(%dma_wait3A_40 : memref<125x80xi32, #tpu.memory_space<hbm>>) dst(%arg4 : memref<125x80xi32, #tpu.memory_space<vmem>>)
      tpu.yield
    }) : () -> ()
    %broadcast_in_dim3A = arith.constant 0.000000e+00 : f32
    %broadcast_in_dim3A_1 = vector.broadcast %broadcast_in_dim3A : f32 to vector<16xf32>
    %scan3A = arith.constant 0 : i32
    %scan3A_2 = arith.constant 640 : i32
    %scan3A_3 = arith.addi %scan3A, %scan3A_2 : i32
    %scan3A_4 = arith.constant 1 : i32
    scf.for %scan3A_26 = %scan3A to %scan3A_3 step %scan3A_4  : i32 {
      %mul3A_27 = arith.constant 16 : i32
      %mul3A_28 = arith.muli %scan3A_26, %mul3A_27 : i32
      %add3A_29 = arith.constant 0 : i32
      %add3A_30 = arith.addi %add3A_29, %mul3A_28 : i32
      %swap3A = arith.index_cast %add3A_30 : i32 to index
      %swap3A_31 = tpu.vector_load %arg5[%swap3A] {strides = array<i32>} : memref<10240xf32, #tpu.memory_space<vmem>>, vector<16xf32>,
      tpu.vector_store %arg5[%swap3A], %broadcast_in_dim3A_1 {strides = array<i32>} : memref<10240xf32, #tpu.memory_space<vmem>>, vector<16xf32>,
    }
    %scan3A_5 = arith.constant 640 : i32
    %broadcast_in_dim3A_6 = arith.constant 1.000000e+00 : f32
    %broadcast_in_dim3A_7 = vector.broadcast %broadcast_in_dim3A_6 : f32 to vector<16xf32>
    %scan3A_8 = arith.constant 0 : i32
    %scan3A_9 = arith.constant 125 : i32
    %scan3A_10 = arith.addi %scan3A_8, %scan3A_9 : i32
    %scan3A_11 = arith.constant 1 : i32
    scf.for %scan3A_26 = %scan3A_8 to %scan3A_10 step %scan3A_11  : i32 {
      %mul3A_27 = arith.constant 1 : i32
      %mul3A_28 = arith.muli %scan3A_26, %mul3A_27 : i32
      %add3A_29 = arith.constant 0 : i32
      %add3A_30 = arith.addi %add3A_29, %mul3A_28 : i32
      %scan3A_31 = arith.constant 0 : i32
      %scan3A_32 = arith.constant 5 : i32
      %scan3A_33 = arith.addi %scan3A_31, %scan3A_32 : i32
      %scan3A_34 = arith.constant 1 : i32
      scf.for %scan3A_36 = %scan3A_31 to %scan3A_33 step %scan3A_34  : i32 {
        %mul3A_37 = arith.constant 16 : i32
        %mul3A_38 = arith.muli %scan3A_36, %mul3A_37 : i32
        %add3A_39 = arith.constant 0 : i32
        %add3A_40 = arith.addi %add3A_39, %mul3A_38 : i32
        %get3A = arith.index_cast %add3A_30 : i32 to index
        %get3A_41 = arith.index_cast %add3A_40 : i32 to index
        %get3A_42 = tpu.vector_load %arg4[%get3A, %get3A_41] {strides = array<i32>} : memref<125x80xi32, #tpu.memory_space<vmem>>, vector<16xi32>,
        tpu.vector_store_idx %arg5[%get3A_42], %broadcast_in_dim3A_7 {add = true} : memref<10240xf32, #tpu.memory_space<vmem>>[vector<16xi32>], vector<16xf32>,
      }
      %scan3A_35 = arith.constant 5 : i32
    }
    %scan3A_12 = arith.constant 125 : i32
    "tpu.region"() ({
      %run_scoped3A_26 = tpu.sem_alloc : memref<!tpu.dma_semaphore, #tpu.memory_space<semaphore_mem>>
      %dma_start3A = arith.constant 0 : i32
      %dma_start3A_27 = tpu.memref_slice %arg8[%arg1, %dma_start3A] : memref<16x10240xf32, #tpu.memory_space<vmem_shared>> -> memref<1x10240xf32, #tpu.memory_space<vmem_shared>>
      %dma_start3A_28 = tpu.memref_squeeze %dma_start3A_27 : memref<1x10240xf32, #tpu.memory_space<vmem_shared>> -> memref<10240xf32, #tpu.memory_space<vmem_shared>>
      %dma_start3A_29 = arith.constant 0 : i32
      %dma_start3A_30 = tpu.memref_slice %arg8[%arg1, %dma_start3A_29] : memref<16x10240xf32, #tpu.memory_space<vmem_shared>> -> memref<1x10240xf32, #tpu.memory_space<vmem_shared>>
      %dma_start3A_31 = tpu.memref_squeeze %dma_start3A_30 : memref<1x10240xf32, #tpu.memory_space<vmem_shared>> -> memref<10240xf32, #tpu.memory_space<vmem_shared>>
      tpu.enqueue_dma source(%arg5 : memref<10240xf32, #tpu.memory_space<vmem>>) target(%dma_start3A_31 : memref<10240xf32, #tpu.memory_space<vmem_shared>>) target_semaphore(%run_scoped3A_26 : memref<!tpu.dma_semaphore, #tpu.memory_space<semaphore_mem>>)
      %dma_wait3A = arith.constant 0 : i32
      %dma_wait3A_32 = tpu.memref_slice %arg8[%arg1, %dma_wait3A] : memref<16x10240xf32, #tpu.memory_space<vmem_shared>> -> memref<1x10240xf32, #tpu.memory_space<vmem_shared>>
      %dma_wait3A_33 = tpu.memref_squeeze %dma_wait3A_32 : memref<1x10240xf32, #tpu.memory_space<vmem_shared>> -> memref<10240xf32, #tpu.memory_space<vmem_shared>>
      %dma_wait3A_34 = arith.constant 0 : i32
      %dma_wait3A_35 = tpu.memref_slice %arg8[%arg1, %dma_wait3A_34] : memref<16x10240xf32, #tpu.memory_space<vmem_shared>> -> memref<1x10240xf32, #tpu.memory_space<vmem_shared>>
      %dma_wait3A_36 = tpu.memref_squeeze %dma_wait3A_35 : memref<1x10240xf32, #tpu.memory_space<vmem_shared>> -> memref<10240xf32, #tpu.memory_space<vmem_shared>>
      tpu.wait_dma2 semaphore(%run_scoped3A_26 : memref<!tpu.dma_semaphore, #tpu.memory_space<semaphore_mem>>) src(%arg5 : memref<10240xf32, #tpu.memory_space<vmem>>) dst(%dma_wait3A_36 : memref<10240xf32, #tpu.memory_space<vmem_shared>>)
      tpu.yield
    }) : () -> ()
    %barrier3A = arith.constant 0 : index
    tpu.barrier barrier_id(%barrier3A)
    %mul3A_13 = arith.constant 640 : i32
    %mul3A_14 = arith.muli %arg1, %mul3A_13 : i32
    %run_scoped3A = arith.constant 0 : i32
    "tpu.region"() ({
      %run_scoped3A_26 = tpu.sem_alloc : memref<!tpu.dma_semaphore, #tpu.memory_space<semaphore_mem>>
      %dma_start3A = arith.constant 0 : i32
      %dma_start3A_27 = tpu.memref_slice %arg8[%run_scoped3A, %dma_start3A] : memref<16x10240xf32, #tpu.memory_space<vmem_shared>> -> memref<1x10240xf32, #tpu.memory_space<vmem_shared>>
      %dma_start3A_28 = tpu.memref_squeeze %dma_start3A_27 : memref<1x10240xf32, #tpu.memory_space<vmem_shared>> -> memref<10240xf32, #tpu.memory_space<vmem_shared>>
      %dma_start3A_29 = tpu.memref_slice %dma_start3A_28[%mul3A_14] : memref<10240xf32, #tpu.memory_space<vmem_shared>> -> memref<640xf32, #tpu.memory_space<vmem_shared>>
      %dma_start3A_30 = arith.constant 0 : i32
      %dma_start3A_31 = tpu.memref_slice %arg8[%run_scoped3A, %dma_start3A_30] : memref<16x10240xf32, #tpu.memory_space<vmem_shared>> -> memref<1x10240xf32, #tpu.memory_space<vmem_shared>>
      %dma_start3A_32 = tpu.memref_squeeze %dma_start3A_31 : memref<1x10240xf32, #tpu.memory_space<vmem_shared>> -> memref<10240xf32, #tpu.memory_space<vmem_shared>>
      %dma_start3A_33 = tpu.memref_slice %dma_start3A_32[%mul3A_14] : memref<10240xf32, #tpu.memory_space<vmem_shared>> -> memref<640xf32, #tpu.memory_space<vmem_shared>>
      tpu.enqueue_dma source(%dma_start3A_33 : memref<640xf32, #tpu.memory_space<vmem_shared>>) target(%arg6 : memref<640xf32, #tpu.memory_space<vmem>>) target_semaphore(%run_scoped3A_26 : memref<!tpu.dma_semaphore, #tpu.memory_space<semaphore_mem>>)
      %dma_wait3A = arith.constant 0 : i32
      %dma_wait3A_34 = tpu.memref_slice %arg8[%run_scoped3A, %dma_wait3A] : memref<16x10240xf32, #tpu.memory_space<vmem_shared>> -> memref<1x10240xf32, #tpu.memory_space<vmem_shared>>
      %dma_wait3A_35 = tpu.memref_squeeze %dma_wait3A_34 : memref<1x10240xf32, #tpu.memory_space<vmem_shared>> -> memref<10240xf32, #tpu.memory_space<vmem_shared>>
      %dma_wait3A_36 = tpu.memref_slice %dma_wait3A_35[%mul3A_14] : memref<10240xf32, #tpu.memory_space<vmem_shared>> -> memref<640xf32, #tpu.memory_space<vmem_shared>>
      %dma_wait3A_37 = arith.constant 0 : i32
      %dma_wait3A_38 = tpu.memref_slice %arg8[%run_scoped3A, %dma_wait3A_37] : memref<16x10240xf32, #tpu.memory_space<vmem_shared>> -> memref<1x10240xf32, #tpu.memory_space<vmem_shared>>
      %dma_wait3A_39 = tpu.memref_squeeze %dma_wait3A_38 : memref<1x10240xf32, #tpu.memory_space<vmem_shared>> -> memref<10240xf32, #tpu.memory_space<vmem_shared>>
      %dma_wait3A_40 = tpu.memref_slice %dma_wait3A_39[%mul3A_14] : memref<10240xf32, #tpu.memory_space<vmem_shared>> -> memref<640xf32, #tpu.memory_space<vmem_shared>>
      tpu.wait_dma2 semaphore(%run_scoped3A_26 : memref<!tpu.dma_semaphore, #tpu.memory_space<semaphore_mem>>) src(%dma_wait3A_40 : memref<640xf32, #tpu.memory_space<vmem_shared>>) dst(%arg6 : memref<640xf32, #tpu.memory_space<vmem>>)
      tpu.yield
    }) : () -> ()
    %scan3A_15 = arith.constant 0 : i32
    %scan3A_16 = arith.constant 15 : i32
    %scan3A_17 = arith.addi %scan3A_15, %scan3A_16 : i32
    %scan3A_18 = arith.constant 1 : i32
    scf.for %scan3A_26 = %scan3A_15 to %scan3A_17 step %scan3A_18  : i32 {
      %mul3A_27 = arith.constant 1 : i32
      %mul3A_28 = arith.muli %scan3A_26, %mul3A_27 : i32
      %add3A_29 = arith.constant 1 : i32
      %add3A_30 = arith.addi %add3A_29, %mul3A_28 : i32
      "tpu.region"() ({
        %run_scoped3A_36 = tpu.sem_alloc : memref<!tpu.dma_semaphore, #tpu.memory_space<semaphore_mem>>
        %dma_start3A = arith.constant 0 : i32
        %dma_start3A_37 = tpu.memref_slice %arg8[%add3A_30, %dma_start3A] : memref<16x10240xf32, #tpu.memory_space<vmem_shared>> -> memref<1x10240xf32, #tpu.memory_space<vmem_shared>>
        %dma_start3A_38 = tpu.memref_squeeze %dma_start3A_37 : memref<1x10240xf32, #tpu.memory_space<vmem_shared>> -> memref<10240xf32, #tpu.memory_space<vmem_shared>>
        %dma_start3A_39 = tpu.memref_slice %dma_start3A_38[%mul3A_14] : memref<10240xf32, #tpu.memory_space<vmem_shared>> -> memref<640xf32, #tpu.memory_space<vmem_shared>>
        %dma_start3A_40 = arith.constant 0 : i32
        %dma_start3A_41 = tpu.memref_slice %arg8[%add3A_30, %dma_start3A_40] : memref<16x10240xf32, #tpu.memory_space<vmem_shared>> -> memref<1x10240xf32, #tpu.memory_space<vmem_shared>>
        %dma_start3A_42 = tpu.memref_squeeze %dma_start3A_41 : memref<1x10240xf32, #tpu.memory_space<vmem_shared>> -> memref<10240xf32, #tpu.memory_space<vmem_shared>>
        %dma_start3A_43 = tpu.memref_slice %dma_start3A_42[%mul3A_14] : memref<10240xf32, #tpu.memory_space<vmem_shared>> -> memref<640xf32, #tpu.memory_space<vmem_shared>>
        tpu.enqueue_dma source(%dma_start3A_43 : memref<640xf32, #tpu.memory_space<vmem_shared>>) target(%arg7 : memref<640xf32, #tpu.memory_space<vmem>>) target_semaphore(%run_scoped3A_36 : memref<!tpu.dma_semaphore, #tpu.memory_space<semaphore_mem>>)
        %dma_wait3A = arith.constant 0 : i32
        %dma_wait3A_44 = tpu.memref_slice %arg8[%add3A_30, %dma_wait3A] : memref<16x10240xf32, #tpu.memory_space<vmem_shared>> -> memref<1x10240xf32, #tpu.memory_space<vmem_shared>>
        %dma_wait3A_45 = tpu.memref_squeeze %dma_wait3A_44 : memref<1x10240xf32, #tpu.memory_space<vmem_shared>> -> memref<10240xf32, #tpu.memory_space<vmem_shared>>
        %dma_wait3A_46 = tpu.memref_slice %dma_wait3A_45[%mul3A_14] : memref<10240xf32, #tpu.memory_space<vmem_shared>> -> memref<640xf32, #tpu.memory_space<vmem_shared>>
        %dma_wait3A_47 = arith.constant 0 : i32
        %dma_wait3A_48 = tpu.memref_slice %arg8[%add3A_30, %dma_wait3A_47] : memref<16x10240xf32, #tpu.memory_space<vmem_shared>> -> memref<1x10240xf32, #tpu.memory_space<vmem_shared>>
        %dma_wait3A_49 = tpu.memref_squeeze %dma_wait3A_48 : memref<1x10240xf32, #tpu.memory_space<vmem_shared>> -> memref<10240xf32, #tpu.memory_space<vmem_shared>>
        %dma_wait3A_50 = tpu.memref_slice %dma_wait3A_49[%mul3A_14] : memref<10240xf32, #tpu.memory_space<vmem_shared>> -> memref<640xf32, #tpu.memory_space<vmem_shared>>
        tpu.wait_dma2 semaphore(%run_scoped3A_36 : memref<!tpu.dma_semaphore, #tpu.memory_space<semaphore_mem>>) src(%dma_wait3A_50 : memref<640xf32, #tpu.memory_space<vmem_shared>>) dst(%arg7 : memref<640xf32, #tpu.memory_space<vmem>>)
        tpu.yield
      }) : () -> ()
      %scan3A_31 = arith.constant 0 : i32
      %scan3A_32 = arith.constant 40 : i32
      %scan3A_33 = arith.addi %scan3A_31, %scan3A_32 : i32
      %scan3A_34 = arith.constant 1 : i32
      scf.for %scan3A_36 = %scan3A_31 to %scan3A_33 step %scan3A_34  : i32 {
        %mul3A_37 = arith.constant 16 : i32
        %mul3A_38 = arith.muli %scan3A_36, %mul3A_37 : i32
        %add3A_39 = arith.constant 0 : i32
        %add3A_40 = arith.addi %add3A_39, %mul3A_38 : i32
        %get3A = arith.index_cast %add3A_40 : i32 to index
        %get3A_41 = tpu.vector_load %arg6[%get3A] {strides = array<i32>} : memref<640xf32, #tpu.memory_space<vmem>>, vector<16xf32>,
        %get3A_42 = arith.index_cast %add3A_40 : i32 to index
        %get3A_43 = tpu.vector_load %arg7[%get3A_42] {strides = array<i32>} : memref<640xf32, #tpu.memory_space<vmem>>, vector<16xf32>,
        %add3A_44 = arith.addf %get3A_41, %get3A_43 : vector<16xf32>
        %swap3A = arith.index_cast %add3A_40 : i32 to index
        %swap3A_45 = tpu.vector_load %arg6[%swap3A] {strides = array<i32>} : memref<640xf32, #tpu.memory_space<vmem>>, vector<16xf32>,
        tpu.vector_store %arg6[%swap3A], %add3A_44 {strides = array<i32>} : memref<640xf32, #tpu.memory_space<vmem>>, vector<16xf32>,
      }
      %scan3A_35 = arith.constant 40 : i32
    }
    %scan3A_19 = arith.constant 15 : i32
    %lt3A = arith.constant 15 : i32
    %lt3A_20 = arith.cmpi slt, %arg1, %lt3A : i32
    %convert_element_type3A = arith.extui %lt3A_20 : i1 to i32
    %cond3A = arith.constant 0 : i32
    %cond3A_21 = arith.cmpi ne, %convert_element_type3A, %cond3A : i32
    scf.if %cond3A_21 {
      %mul3A_26 = arith.constant 10000 : i32
      %mul3A_27 = arith.muli %arg0, %mul3A_26 : i32
      %add3A_28 = arith.addi %mul3A_27, %mul3A_14 : i32
      "tpu.region"() ({
        %run_scoped3A_29 = tpu.sem_alloc : memref<!tpu.dma_semaphore, #tpu.memory_space<semaphore_mem>>
        %dma_start3A = tpu.memref_slice %arg3[%add3A_28] : memref<20000xf32, #tpu.memory_space<hbm>> -> memref<640xf32, #tpu.memory_space<hbm>>
        %dma_start3A_30 = tpu.memref_slice %arg3[%add3A_28] : memref<20000xf32, #tpu.memory_space<hbm>> -> memref<640xf32, #tpu.memory_space<hbm>>
        tpu.enqueue_dma source(%arg6 : memref<640xf32, #tpu.memory_space<vmem>>) target(%dma_start3A_30 : memref<640xf32, #tpu.memory_space<hbm>>) target_semaphore(%run_scoped3A_29 : memref<!tpu.dma_semaphore, #tpu.memory_space<semaphore_mem>>)
        %dma_wait3A = tpu.memref_slice %arg3[%add3A_28] : memref<20000xf32, #tpu.memory_space<hbm>> -> memref<640xf32, #tpu.memory_space<hbm>>
        %dma_wait3A_31 = tpu.memref_slice %arg3[%add3A_28] : memref<20000xf32, #tpu.memory_space<hbm>> -> memref<640xf32, #tpu.memory_space<hbm>>
        tpu.wait_dma2 semaphore(%run_scoped3A_29 : memref<!tpu.dma_semaphore, #tpu.memory_space<semaphore_mem>>) src(%arg6 : memref<640xf32, #tpu.memory_space<vmem>>) dst(%dma_wait3A_31 : memref<640xf32, #tpu.memory_space<hbm>>)
        tpu.yield
      }) : () -> ()
    } else {
    }
    %eq3A = arith.constant 15 : i32
    %eq3A_22 = arith.cmpi eq, %arg1, %eq3A : i32
    %convert_element_type3A_23 = arith.extui %eq3A_22 : i1 to i32
    %cond3A_24 = arith.constant 0 : i32
    %cond3A_25 = arith.cmpi ne, %convert_element_type3A_23, %cond3A_24 : i32
    scf.if %cond3A_25 {
      %mul3A_26 = arith.constant 10000 : i32
      %mul3A_27 = arith.muli %arg0, %mul3A_26 : i32
      %add3A_28 = arith.addi %mul3A_27, %mul3A_14 : i32
      "tpu.region"() ({
        %run_scoped3A_29 = tpu.sem_alloc : memref<!tpu.dma_semaphore, #tpu.memory_space<semaphore_mem>>
        %dma_start3A = arith.constant 0 : i32
        %dma_start3A_30 = tpu.memref_slice %arg6[%dma_start3A] : memref<640xf32, #tpu.memory_space<vmem>> -> memref<400xf32, #tpu.memory_space<vmem>>
        %dma_start3A_31 = tpu.memref_slice %arg3[%add3A_28] : memref<20000xf32, #tpu.memory_space<hbm>> -> memref<400xf32, #tpu.memory_space<hbm>>
        %dma_start3A_32 = tpu.memref_slice %arg3[%add3A_28] : memref<20000xf32, #tpu.memory_space<hbm>> -> memref<400xf32, #tpu.memory_space<hbm>>
        %dma_start3A_33 = arith.constant 0 : i32
        %dma_start3A_34 = tpu.memref_slice %arg6[%dma_start3A_33] : memref<640xf32, #tpu.memory_space<vmem>> -> memref<400xf32, #tpu.memory_space<vmem>>
        tpu.enqueue_dma source(%dma_start3A_34 : memref<400xf32, #tpu.memory_space<vmem>>) target(%dma_start3A_32 : memref<400xf32, #tpu.memory_space<hbm>>) target_semaphore(%run_scoped3A_29 : memref<!tpu.dma_semaphore, #tpu.memory_space<semaphore_mem>>)
        %dma_wait3A = arith.constant 0 : i32
        %dma_wait3A_35 = tpu.memref_slice %arg6[%dma_wait3A] : memref<640xf32, #tpu.memory_space<vmem>> -> memref<400xf32, #tpu.memory_space<vmem>>
        %dma_wait3A_36 = tpu.memref_slice %arg3[%add3A_28] : memref<20000xf32, #tpu.memory_space<hbm>> -> memref<400xf32, #tpu.memory_space<hbm>>
        %dma_wait3A_37 = tpu.memref_slice %arg3[%add3A_28] : memref<20000xf32, #tpu.memory_space<hbm>> -> memref<400xf32, #tpu.memory_space<hbm>>
        %dma_wait3A_38 = arith.constant 0 : i32
        %dma_wait3A_39 = tpu.memref_slice %arg6[%dma_wait3A_38] : memref<640xf32, #tpu.memory_space<vmem>> -> memref<400xf32, #tpu.memory_space<vmem>>
        tpu.wait_dma2 semaphore(%run_scoped3A_29 : memref<!tpu.dma_semaphore, #tpu.memory_space<semaphore_mem>>) src(%dma_wait3A_39 : memref<400xf32, #tpu.memory_space<vmem>>) dst(%dma_wait3A_37 : memref<400xf32, #tpu.memory_space<hbm>>)
        tpu.yield
      }) : () -> ()
    } else {
    }
    return
  }
}

#map = affine_map<(d0, d1) -> (0, 0)>
#map1 = affine_map<(d0, d1) -> (0)>
#map2 = affine_map<(d0, d1) -> (0, 0, 0)>
module attributes {stable_mosaic.version = 14 : i64} {
  func.func @_agg(%arg0: i32, %arg1: i32, %arg2: memref<10000x128xf32, #tpu.memory_space<hbm>>, %arg3: memref<320000xi32, #tpu.memory_space<hbm>>, %arg4: memref<32x125x80xi32, #tpu.memory_space<hbm>>, %arg5: memref<2x10000x128xf32, #tpu.memory_space<hbm>>, %arg6: memref<125x80xi32, #tpu.memory_space<vmem>>, %arg7: memref<80xi32, #tpu.memory_space<vmem>>, %arg8: memref<80xi32, #tpu.memory_space<vmem>>, %arg9: memref<80xi32, #tpu.memory_space<vmem>>, %arg10: memref<80x128xf32, #tpu.memory_space<vmem>>, %arg11: memref<80x128xf32, #tpu.memory_space<vmem>>, %arg12: memref<80x128xf32, #tpu.memory_space<vmem>>, %arg13: memref<10000x128xf32, #tpu.memory_space<vmem_shared>>, %arg14: memref<!tpu.dma_semaphore, #tpu.memory_space<semaphore_mem>>, %arg15: memref<!tpu.dma_semaphore, #tpu.memory_space<semaphore_mem>>, %arg16: memref<!tpu.dma_semaphore, #tpu.memory_space<semaphore_mem>>, %arg17: memref<!tpu.dma_semaphore, #tpu.memory_space<semaphore_mem>>, %arg18: memref<!tpu.dma_semaphore, #tpu.memory_space<semaphore_mem>>, %arg19: memref<!tpu.dma_semaphore, #tpu.memory_space<semaphore_mem>>) attributes {dimension_semantics = [#tpu.dimension_semantics<core_parallel>, #tpu.dimension_semantics<subcore_parallel>], iteration_bounds = array<i64: 2, 16>, scalar_prefetch = 0 : i64, scratch_operands = 14 : i64, tpu.core_type = #tpu.core_type<sc_vector_subcore>, window_params = [{transform_indices = #map}, {transform_indices = #map1}, {transform_indices = #map2}, {transform_indices = #map2}]} {
    %mul3A = arith.constant 16 : i32
    %mul3A_0 = arith.muli %arg0, %mul3A : i32
    %add3A = arith.addi %mul3A_0, %arg1 : i32
    "tpu.region"() ({
      %run_scoped3A_54 = tpu.sem_alloc : memref<!tpu.dma_semaphore, #tpu.memory_space<semaphore_mem>>
      %dma_start3A_55 = arith.constant 0 : i32
      %dma_start3A_56 = arith.constant 0 : i32
      %dma_start3A_57 = tpu.memref_slice %arg4[%add3A, %dma_start3A_55, %dma_start3A_56] : memref<32x125x80xi32, #tpu.memory_space<hbm>> -> memref<1x125x80xi32, #tpu.memory_space<hbm>>
      %dma_start3A_58 = tpu.memref_squeeze %dma_start3A_57 : memref<1x125x80xi32, #tpu.memory_space<hbm>> -> memref<125x80xi32, #tpu.memory_space<hbm>>
      %dma_start3A_59 = arith.constant 0 : i32
      %dma_start3A_60 = arith.constant 0 : i32
      %dma_start3A_61 = tpu.memref_slice %arg4[%add3A, %dma_start3A_59, %dma_start3A_60] : memref<32x125x80xi32, #tpu.memory_space<hbm>> -> memref<1x125x80xi32, #tpu.memory_space<hbm>>
      %dma_start3A_62 = tpu.memref_squeeze %dma_start3A_61 : memref<1x125x80xi32, #tpu.memory_space<hbm>> -> memref<125x80xi32, #tpu.memory_space<hbm>>
      tpu.enqueue_dma source(%dma_start3A_62 : memref<125x80xi32, #tpu.memory_space<hbm>>) target(%arg6 : memref<125x80xi32, #tpu.memory_space<vmem>>) target_semaphore(%run_scoped3A_54 : memref<!tpu.dma_semaphore, #tpu.memory_space<semaphore_mem>>)
      %dma_wait3A_63 = arith.constant 0 : i32
      %dma_wait3A_64 = arith.constant 0 : i32
      %dma_wait3A_65 = tpu.memref_slice %arg4[%add3A, %dma_wait3A_63, %dma_wait3A_64] : memref<32x125x80xi32, #tpu.memory_space<hbm>> -> memref<1x125x80xi32, #tpu.memory_space<hbm>>
      %dma_wait3A_66 = tpu.memref_squeeze %dma_wait3A_65 : memref<1x125x80xi32, #tpu.memory_space<hbm>> -> memref<125x80xi32, #tpu.memory_space<hbm>>
      %dma_wait3A_67 = arith.constant 0 : i32
      %dma_wait3A_68 = arith.constant 0 : i32
      %dma_wait3A_69 = tpu.memref_slice %arg4[%add3A, %dma_wait3A_67, %dma_wait3A_68] : memref<32x125x80xi32, #tpu.memory_space<hbm>> -> memref<1x125x80xi32, #tpu.memory_space<hbm>>
      %dma_wait3A_70 = tpu.memref_squeeze %dma_wait3A_69 : memref<1x125x80xi32, #tpu.memory_space<hbm>> -> memref<125x80xi32, #tpu.memory_space<hbm>>
      tpu.wait_dma2 semaphore(%run_scoped3A_54 : memref<!tpu.dma_semaphore, #tpu.memory_space<semaphore_mem>>) src(%dma_wait3A_70 : memref<125x80xi32, #tpu.memory_space<hbm>>) dst(%arg6 : memref<125x80xi32, #tpu.memory_space<vmem>>)
      tpu.yield
    }) : () -> ()
    %broadcast_in_dim3A = arith.constant 0.000000e+00 : f32
    %broadcast_in_dim3A_1 = vector.broadcast %broadcast_in_dim3A : f32 to vector<16xf32>
    %scan3A = arith.constant 0 : i32
    %scan3A_2 = arith.constant 80 : i32
    %scan3A_3 = arith.addi %scan3A, %scan3A_2 : i32
    %scan3A_4 = arith.constant 1 : i32
    scf.for %scan3A_54 = %scan3A to %scan3A_3 step %scan3A_4  : i32 {
      %mul3A_55 = arith.constant 1 : i32
      %mul3A_56 = arith.muli %scan3A_54, %mul3A_55 : i32
      %add3A_57 = arith.constant 0 : i32
      %add3A_58 = arith.addi %add3A_57, %mul3A_56 : i32
      %scan3A_59 = arith.constant 0 : i32
      %scan3A_60 = arith.constant 8 : i32
      %scan3A_61 = arith.addi %scan3A_59, %scan3A_60 : i32
      %scan3A_62 = arith.constant 1 : i32
      scf.for %scan3A_64 = %scan3A_59 to %scan3A_61 step %scan3A_62  : i32 {
        %mul3A_65 = arith.constant 16 : i32
        %mul3A_66 = arith.muli %scan3A_64, %mul3A_65 : i32
        %add3A_67 = arith.constant 0 : i32
        %add3A_68 = arith.addi %add3A_67, %mul3A_66 : i32
        %swap3A = arith.index_cast %add3A_58 : i32 to index
        %swap3A_69 = arith.index_cast %add3A_68 : i32 to index
        %swap3A_70 = tpu.vector_load %arg10[%swap3A, %swap3A_69] {strides = array<i32>} : memref<80x128xf32, #tpu.memory_space<vmem>>, vector<1x16xf32>,
        %swap3A_71 = vector.shape_cast %swap3A_70 : vector<1x16xf32> to vector<16xf32>
        %swap3A_72 = vector.shape_cast %broadcast_in_dim3A_1 : vector<16xf32> to vector<1x16xf32>
        tpu.vector_store %arg10[%swap3A, %swap3A_69], %swap3A_72 {strides = array<i32>} : memref<80x128xf32, #tpu.memory_space<vmem>>, vector<1x16xf32>,
      }
      %scan3A_63 = arith.constant 8 : i32
    }
    %scan3A_5 = arith.constant 80 : i32
    %scan3A_6 = arith.constant 0 : i32
    %scan3A_7 = arith.constant 7 : i32
    %scan3A_8 = arith.addi %scan3A_6, %scan3A_7 : i32
    %scan3A_9 = arith.constant 1 : i32
    scf.for %scan3A_54 = %scan3A_6 to %scan3A_8 step %scan3A_9  : i32 {
      %mul3A_55 = arith.constant 1 : i32
      %mul3A_56 = arith.muli %scan3A_54, %mul3A_55 : i32
      %add3A_57 = arith.constant 0 : i32
      %add3A_58 = arith.addi %add3A_57, %mul3A_56 : i32
      %mul3A_59 = arith.constant 624 : i32
      %mul3A_60 = arith.muli %arg1, %mul3A_59 : i32
      %mul3A_61 = arith.constant 80 : i32
      %mul3A_62 = arith.muli %add3A_58, %mul3A_61 : i32
      %add3A_63 = arith.addi %mul3A_60, %mul3A_62 : i32
      "tpu.region"() ({
        %run_scoped3A_64 = tpu.sem_alloc : memref<!tpu.dma_semaphore, #tpu.memory_space<semaphore_mem>>
        %dma_start3A_65 = arith.constant 0 : i32
        %dma_start3A_66 = tpu.memref_slice %arg13[%add3A_63, %dma_start3A_65] : memref<10000x128xf32, #tpu.memory_space<vmem_shared>> -> memref<80x128xf32, #tpu.memory_space<vmem_shared>>
        %dma_start3A_67 = arith.constant 0 : i32
        %dma_start3A_68 = tpu.memref_slice %arg13[%add3A_63, %dma_start3A_67] : memref<10000x128xf32, #tpu.memory_space<vmem_shared>> -> memref<80x128xf32, #tpu.memory_space<vmem_shared>>
        tpu.enqueue_dma source(%arg10 : memref<80x128xf32, #tpu.memory_space<vmem>>) target(%dma_start3A_68 : memref<80x128xf32, #tpu.memory_space<vmem_shared>>) target_semaphore(%run_scoped3A_64 : memref<!tpu.dma_semaphore, #tpu.memory_space<semaphore_mem>>)
        %dma_wait3A_69 = arith.constant 0 : i32
        %dma_wait3A_70 = tpu.memref_slice %arg13[%add3A_63, %dma_wait3A_69] : memref<10000x128xf32, #tpu.memory_space<vmem_shared>> -> memref<80x128xf32, #tpu.memory_space<vmem_shared>>
        %dma_wait3A_71 = arith.constant 0 : i32
        %dma_wait3A_72 = tpu.memref_slice %arg13[%add3A_63, %dma_wait3A_71] : memref<10000x128xf32, #tpu.memory_space<vmem_shared>> -> memref<80x128xf32, #tpu.memory_space<vmem_shared>>
        tpu.wait_dma2 semaphore(%run_scoped3A_64 : memref<!tpu.dma_semaphore, #tpu.memory_space<semaphore_mem>>) src(%arg10 : memref<80x128xf32, #tpu.memory_space<vmem>>) dst(%dma_wait3A_72 : memref<80x128xf32, #tpu.memory_space<vmem_shared>>)
        tpu.yield
      }) : () -> ()
    }
    %scan3A_10 = arith.constant 7 : i32
    %mul3A_11 = arith.constant 624 : i32
    %mul3A_12 = arith.muli %arg1, %mul3A_11 : i32
    %add3A_13 = arith.constant 560 : i32
    %add3A_14 = arith.addi %mul3A_12, %add3A_13 : i32
    "tpu.region"() ({
      %run_scoped3A_54 = tpu.sem_alloc : memref<!tpu.dma_semaphore, #tpu.memory_space<semaphore_mem>>
      %dma_start3A_55 = arith.constant 0 : i32
      %dma_start3A_56 = arith.constant 0 : i32
      %dma_start3A_57 = tpu.memref_slice %arg10[%dma_start3A_55, %dma_start3A_56] : memref<80x128xf32, #tpu.memory_space<vmem>> -> memref<64x128xf32, #tpu.memory_space<vmem>>
      %dma_start3A_58 = arith.constant 0 : i32
      %dma_start3A_59 = tpu.memref_slice %arg13[%add3A_14, %dma_start3A_58] : memref<10000x128xf32, #tpu.memory_space<vmem_shared>> -> memref<64x128xf32, #tpu.memory_space<vmem_shared>>
      %dma_start3A_60 = arith.constant 0 : i32
      %dma_start3A_61 = tpu.memref_slice %arg13[%add3A_14, %dma_start3A_60] : memref<10000x128xf32, #tpu.memory_space<vmem_shared>> -> memref<64x128xf32, #tpu.memory_space<vmem_shared>>
      %dma_start3A_62 = arith.constant 0 : i32
      %dma_start3A_63 = arith.constant 0 : i32
      %dma_start3A_64 = tpu.memref_slice %arg10[%dma_start3A_62, %dma_start3A_63] : memref<80x128xf32, #tpu.memory_space<vmem>> -> memref<64x128xf32, #tpu.memory_space<vmem>>
      tpu.enqueue_dma source(%dma_start3A_64 : memref<64x128xf32, #tpu.memory_space<vmem>>) target(%dma_start3A_61 : memref<64x128xf32, #tpu.memory_space<vmem_shared>>) target_semaphore(%run_scoped3A_54 : memref<!tpu.dma_semaphore, #tpu.memory_space<semaphore_mem>>)
      %dma_wait3A_65 = arith.constant 0 : i32
      %dma_wait3A_66 = arith.constant 0 : i32
      %dma_wait3A_67 = tpu.memref_slice %arg10[%dma_wait3A_65, %dma_wait3A_66] : memref<80x128xf32, #tpu.memory_space<vmem>> -> memref<64x128xf32, #tpu.memory_space<vmem>>
      %dma_wait3A_68 = arith.constant 0 : i32
      %dma_wait3A_69 = tpu.memref_slice %arg13[%add3A_14, %dma_wait3A_68] : memref<10000x128xf32, #tpu.memory_space<vmem_shared>> -> memref<64x128xf32, #tpu.memory_space<vmem_shared>>
      %dma_wait3A_70 = arith.constant 0 : i32
      %dma_wait3A_71 = tpu.memref_slice %arg13[%add3A_14, %dma_wait3A_70] : memref<10000x128xf32, #tpu.memory_space<vmem_shared>> -> memref<64x128xf32, #tpu.memory_space<vmem_shared>>
      %dma_wait3A_72 = arith.constant 0 : i32
      %dma_wait3A_73 = arith.constant 0 : i32
      %dma_wait3A_74 = tpu.memref_slice %arg10[%dma_wait3A_72, %dma_wait3A_73] : memref<80x128xf32, #tpu.memory_space<vmem>> -> memref<64x128xf32, #tpu.memory_space<vmem>>
      tpu.wait_dma2 semaphore(%run_scoped3A_54 : memref<!tpu.dma_semaphore, #tpu.memory_space<semaphore_mem>>) src(%dma_wait3A_74 : memref<64x128xf32, #tpu.memory_space<vmem>>) dst(%dma_wait3A_71 : memref<64x128xf32, #tpu.memory_space<vmem_shared>>)
      tpu.yield
    }) : () -> ()
    %eq3A = arith.constant 15 : i32
    %eq3A_15 = arith.cmpi eq, %arg1, %eq3A : i32
    %convert_element_type3A = arith.extui %eq3A_15 : i1 to i32
    %cond3A = arith.constant 0 : i32
    %cond3A_16 = arith.cmpi ne, %convert_element_type3A, %cond3A : i32
    scf.if %cond3A_16 {
      "tpu.region"() ({
        %run_scoped3A_54 = tpu.sem_alloc : memref<!tpu.dma_semaphore, #tpu.memory_space<semaphore_mem>>
        %dma_start3A_55 = arith.constant 0 : i32
        %dma_start3A_56 = arith.constant 0 : i32
        %dma_start3A_57 = tpu.memref_slice %arg10[%dma_start3A_55, %dma_start3A_56] : memref<80x128xf32, #tpu.memory_space<vmem>> -> memref<16x128xf32, #tpu.memory_space<vmem>>
        %dma_start3A_58 = arith.constant 9984 : i32
        %dma_start3A_59 = arith.constant 0 : i32
        %dma_start3A_60 = tpu.memref_slice %arg13[%dma_start3A_58, %dma_start3A_59] : memref<10000x128xf32, #tpu.memory_space<vmem_shared>> -> memref<16x128xf32, #tpu.memory_space<vmem_shared>>
        %dma_start3A_61 = arith.constant 9984 : i32
        %dma_start3A_62 = arith.constant 0 : i32
        %dma_start3A_63 = tpu.memref_slice %arg13[%dma_start3A_61, %dma_start3A_62] : memref<10000x128xf32, #tpu.memory_space<vmem_shared>> -> memref<16x128xf32, #tpu.memory_space<vmem_shared>>
        %dma_start3A_64 = arith.constant 0 : i32
        %dma_start3A_65 = arith.constant 0 : i32
        %dma_start3A_66 = tpu.memref_slice %arg10[%dma_start3A_64, %dma_start3A_65] : memref<80x128xf32, #tpu.memory_space<vmem>> -> memref<16x128xf32, #tpu.memory_space<vmem>>
        tpu.enqueue_dma source(%dma_start3A_66 : memref<16x128xf32, #tpu.memory_space<vmem>>) target(%dma_start3A_63 : memref<16x128xf32, #tpu.memory_space<vmem_shared>>) target_semaphore(%run_scoped3A_54 : memref<!tpu.dma_semaphore, #tpu.memory_space<semaphore_mem>>)
        %dma_wait3A_67 = arith.constant 0 : i32
        %dma_wait3A_68 = arith.constant 0 : i32
        %dma_wait3A_69 = tpu.memref_slice %arg10[%dma_wait3A_67, %dma_wait3A_68] : memref<80x128xf32, #tpu.memory_space<vmem>> -> memref<16x128xf32, #tpu.memory_space<vmem>>
        %dma_wait3A_70 = arith.constant 9984 : i32
        %dma_wait3A_71 = arith.constant 0 : i32
        %dma_wait3A_72 = tpu.memref_slice %arg13[%dma_wait3A_70, %dma_wait3A_71] : memref<10000x128xf32, #tpu.memory_space<vmem_shared>> -> memref<16x128xf32, #tpu.memory_space<vmem_shared>>
        %dma_wait3A_73 = arith.constant 9984 : i32
        %dma_wait3A_74 = arith.constant 0 : i32
        %dma_wait3A_75 = tpu.memref_slice %arg13[%dma_wait3A_73, %dma_wait3A_74] : memref<10000x128xf32, #tpu.memory_space<vmem_shared>> -> memref<16x128xf32, #tpu.memory_space<vmem_shared>>
        %dma_wait3A_76 = arith.constant 0 : i32
        %dma_wait3A_77 = arith.constant 0 : i32
        %dma_wait3A_78 = tpu.memref_slice %arg10[%dma_wait3A_76, %dma_wait3A_77] : memref<80x128xf32, #tpu.memory_space<vmem>> -> memref<16x128xf32, #tpu.memory_space<vmem>>
        tpu.wait_dma2 semaphore(%run_scoped3A_54 : memref<!tpu.dma_semaphore, #tpu.memory_space<semaphore_mem>>) src(%dma_wait3A_78 : memref<16x128xf32, #tpu.memory_space<vmem>>) dst(%dma_wait3A_75 : memref<16x128xf32, #tpu.memory_space<vmem_shared>>)
        tpu.yield
      }) : () -> ()
    } else {
    }
    %barrier3A = arith.constant 0 : index
    tpu.barrier barrier_id(%barrier3A)
    %mul3A_17 = arith.constant 10000 : i32
    %mul3A_18 = arith.muli %add3A, %mul3A_17 : i32
    %add3A_19 = arith.constant 0 : i32
    %add3A_20 = arith.addi %mul3A_18, %add3A_19 : i32
    "tpu.region"() ({
      %run_scoped3A_54 = tpu.sem_alloc : memref<!tpu.dma_semaphore, #tpu.memory_space<semaphore_mem>>
      %dma_start3A_55 = tpu.memref_slice %arg3[%add3A_20] : memref<320000xi32, #tpu.memory_space<hbm>> -> memref<80xi32, #tpu.memory_space<hbm>>
      %dma_start3A_56 = tpu.memref_slice %arg3[%add3A_20] : memref<320000xi32, #tpu.memory_space<hbm>> -> memref<80xi32, #tpu.memory_space<hbm>>
      tpu.enqueue_dma source(%dma_start3A_56 : memref<80xi32, #tpu.memory_space<hbm>>) target(%arg7 : memref<80xi32, #tpu.memory_space<vmem>>) target_semaphore(%run_scoped3A_54 : memref<!tpu.dma_semaphore, #tpu.memory_space<semaphore_mem>>)
      %dma_wait3A_57 = tpu.memref_slice %arg3[%add3A_20] : memref<320000xi32, #tpu.memory_space<hbm>> -> memref<80xi32, #tpu.memory_space<hbm>>
      %dma_wait3A_58 = tpu.memref_slice %arg3[%add3A_20] : memref<320000xi32, #tpu.memory_space<hbm>> -> memref<80xi32, #tpu.memory_space<hbm>>
      tpu.wait_dma2 semaphore(%run_scoped3A_54 : memref<!tpu.dma_semaphore, #tpu.memory_space<semaphore_mem>>) src(%dma_wait3A_58 : memref<80xi32, #tpu.memory_space<hbm>>) dst(%arg7 : memref<80xi32, #tpu.memory_space<vmem>>)
      tpu.yield
    }) : () -> ()
    %dma_start3A = arith.constant 0 : i32
    %dma_start3A_21 = arith.constant 0 : i32
    %dma_start3A_22 = tpu.memref_slice %arg2[%dma_start3A, %dma_start3A_21] : memref<10000x128xf32, #tpu.memory_space<hbm>> -> memref<10000x128xf32, #tpu.memory_space<hbm>>
    tpu.enqueue_indirect_dma source(%dma_start3A_22 : memref<10000x128xf32, #tpu.memory_space<hbm>>) target(%arg10 : memref<80x128xf32, #tpu.memory_space<vmem>>) offsets(%arg7 : memref<80xi32, #tpu.memory_space<vmem>>) semaphore(%arg14 : memref<!tpu.dma_semaphore, #tpu.memory_space<semaphore_mem>>)
    %add3A_23 = arith.constant 80 : i32
    %add3A_24 = arith.addi %mul3A_18, %add3A_23 : i32
    "tpu.region"() ({
      %run_scoped3A_54 = tpu.sem_alloc : memref<!tpu.dma_semaphore, #tpu.memory_space<semaphore_mem>>
      %dma_start3A_55 = tpu.memref_slice %arg3[%add3A_24] : memref<320000xi32, #tpu.memory_space<hbm>> -> memref<80xi32, #tpu.memory_space<hbm>>
      %dma_start3A_56 = tpu.memref_slice %arg3[%add3A_24] : memref<320000xi32, #tpu.memory_space<hbm>> -> memref<80xi32, #tpu.memory_space<hbm>>
      tpu.enqueue_dma source(%dma_start3A_56 : memref<80xi32, #tpu.memory_space<hbm>>) target(%arg8 : memref<80xi32, #tpu.memory_space<vmem>>) target_semaphore(%run_scoped3A_54 : memref<!tpu.dma_semaphore, #tpu.memory_space<semaphore_mem>>)
      %dma_wait3A_57 = tpu.memref_slice %arg3[%add3A_24] : memref<320000xi32, #tpu.memory_space<hbm>> -> memref<80xi32, #tpu.memory_space<hbm>>
      %dma_wait3A_58 = tpu.memref_slice %arg3[%add3A_24] : memref<320000xi32, #tpu.memory_space<hbm>> -> memref<80xi32, #tpu.memory_space<hbm>>
      tpu.wait_dma2 semaphore(%run_scoped3A_54 : memref<!tpu.dma_semaphore, #tpu.memory_space<semaphore_mem>>) src(%dma_wait3A_58 : memref<80xi32, #tpu.memory_space<hbm>>) dst(%arg8 : memref<80xi32, #tpu.memory_space<vmem>>)
      tpu.yield
    }) : () -> ()
    %dma_start3A_25 = arith.constant 0 : i32
    %dma_start3A_26 = arith.constant 0 : i32
    %dma_start3A_27 = tpu.memref_slice %arg2[%dma_start3A_25, %dma_start3A_26] : memref<10000x128xf32, #tpu.memory_space<hbm>> -> memref<10000x128xf32, #tpu.memory_space<hbm>>
    tpu.enqueue_indirect_dma source(%dma_start3A_27 : memref<10000x128xf32, #tpu.memory_space<hbm>>) target(%arg11 : memref<80x128xf32, #tpu.memory_space<vmem>>) offsets(%arg8 : memref<80xi32, #tpu.memory_space<vmem>>) semaphore(%arg15 : memref<!tpu.dma_semaphore, #tpu.memory_space<semaphore_mem>>)
    %add3A_28 = arith.constant 160 : i32
    %add3A_29 = arith.addi %mul3A_18, %add3A_28 : i32
    "tpu.region"() ({
      %run_scoped3A_54 = tpu.sem_alloc : memref<!tpu.dma_semaphore, #tpu.memory_space<semaphore_mem>>
      %dma_start3A_55 = tpu.memref_slice %arg3[%add3A_29] : memref<320000xi32, #tpu.memory_space<hbm>> -> memref<80xi32, #tpu.memory_space<hbm>>
      %dma_start3A_56 = tpu.memref_slice %arg3[%add3A_29] : memref<320000xi32, #tpu.memory_space<hbm>> -> memref<80xi32, #tpu.memory_space<hbm>>
      tpu.enqueue_dma source(%dma_start3A_56 : memref<80xi32, #tpu.memory_space<hbm>>) target(%arg9 : memref<80xi32, #tpu.memory_space<vmem>>) target_semaphore(%run_scoped3A_54 : memref<!tpu.dma_semaphore, #tpu.memory_space<semaphore_mem>>)
      %dma_wait3A_57 = tpu.memref_slice %arg3[%add3A_29] : memref<320000xi32, #tpu.memory_space<hbm>> -> memref<80xi32, #tpu.memory_space<hbm>>
      %dma_wait3A_58 = tpu.memref_slice %arg3[%add3A_29] : memref<320000xi32, #tpu.memory_space<hbm>> -> memref<80xi32, #tpu.memory_space<hbm>>
      tpu.wait_dma2 semaphore(%run_scoped3A_54 : memref<!tpu.dma_semaphore, #tpu.memory_space<semaphore_mem>>) src(%dma_wait3A_58 : memref<80xi32, #tpu.memory_space<hbm>>) dst(%arg9 : memref<80xi32, #tpu.memory_space<vmem>>)
      tpu.yield
    }) : () -> ()
    %dma_start3A_30 = arith.constant 0 : i32
    %dma_start3A_31 = arith.constant 0 : i32
    %dma_start3A_32 = tpu.memref_slice %arg2[%dma_start3A_30, %dma_start3A_31] : memref<10000x128xf32, #tpu.memory_space<hbm>> -> memref<10000x128xf32, #tpu.memory_space<hbm>>
    tpu.enqueue_indirect_dma source(%dma_start3A_32 : memref<10000x128xf32, #tpu.memory_space<hbm>>) target(%arg12 : memref<80x128xf32, #tpu.memory_space<vmem>>) offsets(%arg9 : memref<80xi32, #tpu.memory_space<vmem>>) semaphore(%arg16 : memref<!tpu.dma_semaphore, #tpu.memory_space<semaphore_mem>>)
    %scan3A_33 = arith.constant 0 : i32
    %scan3A_34 = arith.constant 41 : i32
    %scan3A_35 = arith.addi %scan3A_33, %scan3A_34 : i32
    %scan3A_36 = arith.constant 1 : i32
    scf.for %scan3A_54 = %scan3A_33 to %scan3A_35 step %scan3A_36  : i32 {
      %mul3A_55 = arith.constant 3 : i32
      %mul3A_56 = arith.muli %scan3A_54, %mul3A_55 : i32
      %add3A_57 = arith.constant 0 : i32
      %add3A_58 = arith.addi %add3A_57, %mul3A_56 : i32
      %add3A_59 = arith.constant 0 : i32
      %add3A_60 = arith.addi %add3A_58, %add3A_59 : i32
      %dma_wait3A_61 = arith.constant 0 : i32
      %dma_wait3A_62 = arith.constant 0 : i32
      %dma_wait3A_63 = tpu.memref_slice %arg2[%dma_wait3A_61, %dma_wait3A_62] : memref<10000x128xf32, #tpu.memory_space<hbm>> -> memref<10000x128xf32, #tpu.memory_space<hbm>>
      tpu.wait_indirect_dma semaphore(%arg14 : memref<!tpu.dma_semaphore, #tpu.memory_space<semaphore_mem>>) src(%dma_wait3A_63 : memref<10000x128xf32, #tpu.memory_space<hbm>>) dst(%arg10 : memref<80x128xf32, #tpu.memory_space<vmem>>)
      %dma_start3A_64 = arith.constant 0 : i32
      %dma_start3A_65 = tpu.memref_slice %arg6[%add3A_60, %dma_start3A_64] : memref<125x80xi32, #tpu.memory_space<vmem>> -> memref<1x80xi32, #tpu.memory_space<vmem>>
      %dma_start3A_66 = tpu.memref_squeeze %dma_start3A_65 : memref<1x80xi32, #tpu.memory_space<vmem>> -> memref<80xi32, #tpu.memory_space<vmem>>
      %dma_start3A_67 = arith.constant 0 : i32
      %dma_start3A_68 = arith.constant 0 : i32
      %dma_start3A_69 = tpu.memref_slice %arg13[%dma_start3A_67, %dma_start3A_68] : memref<10000x128xf32, #tpu.memory_space<vmem_shared>> -> memref<10000x128xf32, #tpu.memory_space<vmem_shared>>
      tpu.enqueue_indirect_dma source(%arg10 : memref<80x128xf32, #tpu.memory_space<vmem>>) target(%dma_start3A_69 : memref<10000x128xf32, #tpu.memory_space<vmem_shared>>) offsets(%dma_start3A_66 : memref<80xi32, #tpu.memory_space<vmem>>) semaphore(%arg17 : memref<!tpu.dma_semaphore, #tpu.memory_space<semaphore_mem>>) {add = true}
      %add3A_70 = arith.constant 3 : i32
      %add3A_71 = arith.addi %add3A_60, %add3A_70 : i32
      %lt3A = arith.constant 125 : i32
      %lt3A_72 = arith.cmpi slt, %add3A_71, %lt3A : i32
      %convert_element_type3A_73 = arith.extui %lt3A_72 : i1 to i32
      %cond3A_74 = arith.constant 0 : i32
      %cond3A_75 = arith.cmpi ne, %convert_element_type3A_73, %cond3A_74 : i32
      scf.if %cond3A_75 {
        %mul3A_145 = arith.constant 80 : i32
        %mul3A_146 = arith.muli %add3A_71, %mul3A_145 : i32
        %add3A_147 = arith.addi %mul3A_18, %mul3A_146 : i32
        "tpu.region"() ({
          %run_scoped3A_148 = tpu.sem_alloc : memref<!tpu.dma_semaphore, #tpu.memory_space<semaphore_mem>>
          %dma_start3A_149 = tpu.memref_slice %arg3[%add3A_147] : memref<320000xi32, #tpu.memory_space<hbm>> -> memref<80xi32, #tpu.memory_space<hbm>>
          %dma_start3A_150 = tpu.memref_slice %arg3[%add3A_147] : memref<320000xi32, #tpu.memory_space<hbm>> -> memref<80xi32, #tpu.memory_space<hbm>>
          tpu.enqueue_dma source(%dma_start3A_150 : memref<80xi32, #tpu.memory_space<hbm>>) target(%arg7 : memref<80xi32, #tpu.memory_space<vmem>>) target_semaphore(%run_scoped3A_148 : memref<!tpu.dma_semaphore, #tpu.memory_space<semaphore_mem>>)
          %dma_wait3A_151 = tpu.memref_slice %arg3[%add3A_147] : memref<320000xi32, #tpu.memory_space<hbm>> -> memref<80xi32, #tpu.memory_space<hbm>>
          %dma_wait3A_152 = tpu.memref_slice %arg3[%add3A_147] : memref<320000xi32, #tpu.memory_space<hbm>> -> memref<80xi32, #tpu.memory_space<hbm>>
          tpu.wait_dma2 semaphore(%run_scoped3A_148 : memref<!tpu.dma_semaphore, #tpu.memory_space<semaphore_mem>>) src(%dma_wait3A_152 : memref<80xi32, #tpu.memory_space<hbm>>) dst(%arg7 : memref<80xi32, #tpu.memory_space<vmem>>)
          tpu.yield
        }) : () -> ()
      } else {
      }
      %dma_wait3A_76 = arith.constant 0 : i32
      %dma_wait3A_77 = tpu.memref_slice %arg6[%add3A_60, %dma_wait3A_76] : memref<125x80xi32, #tpu.memory_space<vmem>> -> memref<1x80xi32, #tpu.memory_space<vmem>>
      %dma_wait3A_78 = tpu.memref_squeeze %dma_wait3A_77 : memref<1x80xi32, #tpu.memory_space<vmem>> -> memref<80xi32, #tpu.memory_space<vmem>>
      %dma_wait3A_79 = arith.constant 0 : i32
      %dma_wait3A_80 = arith.constant 0 : i32
      %dma_wait3A_81 = tpu.memref_slice %arg13[%dma_wait3A_79, %dma_wait3A_80] : memref<10000x128xf32, #tpu.memory_space<vmem_shared>> -> memref<10000x128xf32, #tpu.memory_space<vmem_shared>>
      tpu.wait_indirect_dma semaphore(%arg17 : memref<!tpu.dma_semaphore, #tpu.memory_space<semaphore_mem>>) src(%arg10 : memref<80x128xf32, #tpu.memory_space<vmem>>) dst(%dma_wait3A_81 : memref<10000x128xf32, #tpu.memory_space<vmem_shared>>)
      %lt3A_82 = arith.constant 125 : i32
      %lt3A_83 = arith.cmpi slt, %add3A_71, %lt3A_82 : i32
      %convert_element_type3A_84 = arith.extui %lt3A_83 : i1 to i32
      %cond3A_85 = arith.constant 0 : i32
      %cond3A_86 = arith.cmpi ne, %convert_element_type3A_84, %cond3A_85 : i32
      scf.if %cond3A_86 {
        %dma_start3A_145 = arith.constant 0 : i32
        %dma_start3A_146 = arith.constant 0 : i32
        %dma_start3A_147 = tpu.memref_slice %arg2[%dma_start3A_145, %dma_start3A_146] : memref<10000x128xf32, #tpu.memory_space<hbm>> -> memref<10000x128xf32, #tpu.memory_space<hbm>>
        tpu.enqueue_indirect_dma source(%dma_start3A_147 : memref<10000x128xf32, #tpu.memory_space<hbm>>) target(%arg10 : memref<80x128xf32, #tpu.memory_space<vmem>>) offsets(%arg7 : memref<80xi32, #tpu.memory_space<vmem>>) semaphore(%arg14 : memref<!tpu.dma_semaphore, #tpu.memory_space<semaphore_mem>>)
      } else {
      }
      %add3A_87 = arith.constant 1 : i32
      %add3A_88 = arith.addi %add3A_58, %add3A_87 : i32
      %dma_wait3A_89 = arith.constant 0 : i32
      %dma_wait3A_90 = arith.constant 0 : i32
      %dma_wait3A_91 = tpu.memref_slice %arg2[%dma_wait3A_89, %dma_wait3A_90] : memref<10000x128xf32, #tpu.memory_space<hbm>> -> memref<10000x128xf32, #tpu.memory_space<hbm>>
      tpu.wait_indirect_dma semaphore(%arg15 : memref<!tpu.dma_semaphore, #tpu.memory_space<semaphore_mem>>) src(%dma_wait3A_91 : memref<10000x128xf32, #tpu.memory_space<hbm>>) dst(%arg11 : memref<80x128xf32, #tpu.memory_space<vmem>>)
      %dma_start3A_92 = arith.constant 0 : i32
      %dma_start3A_93 = tpu.memref_slice %arg6[%add3A_88, %dma_start3A_92] : memref<125x80xi32, #tpu.memory_space<vmem>> -> memref<1x80xi32, #tpu.memory_space<vmem>>
      %dma_start3A_94 = tpu.memref_squeeze %dma_start3A_93 : memref<1x80xi32, #tpu.memory_space<vmem>> -> memref<80xi32, #tpu.memory_space<vmem>>
      %dma_start3A_95 = arith.constant 0 : i32
      %dma_start3A_96 = arith.constant 0 : i32
      %dma_start3A_97 = tpu.memref_slice %arg13[%dma_start3A_95, %dma_start3A_96] : memref<10000x128xf32, #tpu.memory_space<vmem_shared>> -> memref<10000x128xf32, #tpu.memory_space<vmem_shared>>
      tpu.enqueue_indirect_dma source(%arg11 : memref<80x128xf32, #tpu.memory_space<vmem>>) target(%dma_start3A_97 : memref<10000x128xf32, #tpu.memory_space<vmem_shared>>) offsets(%dma_start3A_94 : memref<80xi32, #tpu.memory_space<vmem>>) semaphore(%arg18 : memref<!tpu.dma_semaphore, #tpu.memory_space<semaphore_mem>>) {add = true}
      %add3A_98 = arith.constant 3 : i32
      %add3A_99 = arith.addi %add3A_88, %add3A_98 : i32
      %lt3A_100 = arith.constant 125 : i32
      %lt3A_101 = arith.cmpi slt, %add3A_99, %lt3A_100 : i32
      %convert_element_type3A_102 = arith.extui %lt3A_101 : i1 to i32
      %cond3A_103 = arith.constant 0 : i32
      %cond3A_104 = arith.cmpi ne, %convert_element_type3A_102, %cond3A_103 : i32
      scf.if %cond3A_104 {
        %mul3A_145 = arith.constant 80 : i32
        %mul3A_146 = arith.muli %add3A_99, %mul3A_145 : i32
        %add3A_147 = arith.addi %mul3A_18, %mul3A_146 : i32
        "tpu.region"() ({
          %run_scoped3A_148 = tpu.sem_alloc : memref<!tpu.dma_semaphore, #tpu.memory_space<semaphore_mem>>
          %dma_start3A_149 = tpu.memref_slice %arg3[%add3A_147] : memref<320000xi32, #tpu.memory_space<hbm>> -> memref<80xi32, #tpu.memory_space<hbm>>
          %dma_start3A_150 = tpu.memref_slice %arg3[%add3A_147] : memref<320000xi32, #tpu.memory_space<hbm>> -> memref<80xi32, #tpu.memory_space<hbm>>
          tpu.enqueue_dma source(%dma_start3A_150 : memref<80xi32, #tpu.memory_space<hbm>>) target(%arg8 : memref<80xi32, #tpu.memory_space<vmem>>) target_semaphore(%run_scoped3A_148 : memref<!tpu.dma_semaphore, #tpu.memory_space<semaphore_mem>>)
          %dma_wait3A_151 = tpu.memref_slice %arg3[%add3A_147] : memref<320000xi32, #tpu.memory_space<hbm>> -> memref<80xi32, #tpu.memory_space<hbm>>
          %dma_wait3A_152 = tpu.memref_slice %arg3[%add3A_147] : memref<320000xi32, #tpu.memory_space<hbm>> -> memref<80xi32, #tpu.memory_space<hbm>>
          tpu.wait_dma2 semaphore(%run_scoped3A_148 : memref<!tpu.dma_semaphore, #tpu.memory_space<semaphore_mem>>) src(%dma_wait3A_152 : memref<80xi32, #tpu.memory_space<hbm>>) dst(%arg8 : memref<80xi32, #tpu.memory_space<vmem>>)
          tpu.yield
        }) : () -> ()
      } else {
      }
      %dma_wait3A_105 = arith.constant 0 : i32
      %dma_wait3A_106 = tpu.memref_slice %arg6[%add3A_88, %dma_wait3A_105] : memref<125x80xi32, #tpu.memory_space<vmem>> -> memref<1x80xi32, #tpu.memory_space<vmem>>
      %dma_wait3A_107 = tpu.memref_squeeze %dma_wait3A_106 : memref<1x80xi32, #tpu.memory_space<vmem>> -> memref<80xi32, #tpu.memory_space<vmem>>
      %dma_wait3A_108 = arith.constant 0 : i32
      %dma_wait3A_109 = arith.constant 0 : i32
      %dma_wait3A_110 = tpu.memref_slice %arg13[%dma_wait3A_108, %dma_wait3A_109] : memref<10000x128xf32, #tpu.memory_space<vmem_shared>> -> memref<10000x128xf32, #tpu.memory_space<vmem_shared>>
      tpu.wait_indirect_dma semaphore(%arg18 : memref<!tpu.dma_semaphore, #tpu.memory_space<semaphore_mem>>) src(%arg11 : memref<80x128xf32, #tpu.memory_space<vmem>>) dst(%dma_wait3A_110 : memref<10000x128xf32, #tpu.memory_space<vmem_shared>>)
      %lt3A_111 = arith.constant 125 : i32
      %lt3A_112 = arith.cmpi slt, %add3A_99, %lt3A_111 : i32
      %convert_element_type3A_113 = arith.extui %lt3A_112 : i1 to i32
      %cond3A_114 = arith.constant 0 : i32
      %cond3A_115 = arith.cmpi ne, %convert_element_type3A_113, %cond3A_114 : i32
      scf.if %cond3A_115 {
        %dma_start3A_145 = arith.constant 0 : i32
        %dma_start3A_146 = arith.constant 0 : i32
        %dma_start3A_147 = tpu.memref_slice %arg2[%dma_start3A_145, %dma_start3A_146] : memref<10000x128xf32, #tpu.memory_space<hbm>> -> memref<10000x128xf32, #tpu.memory_space<hbm>>
        tpu.enqueue_indirect_dma source(%dma_start3A_147 : memref<10000x128xf32, #tpu.memory_space<hbm>>) target(%arg11 : memref<80x128xf32, #tpu.memory_space<vmem>>) offsets(%arg8 : memref<80xi32, #tpu.memory_space<vmem>>) semaphore(%arg15 : memref<!tpu.dma_semaphore, #tpu.memory_space<semaphore_mem>>)
      } else {
      }
      %add3A_116 = arith.constant 2 : i32
      %add3A_117 = arith.addi %add3A_58, %add3A_116 : i32
      %dma_wait3A_118 = arith.constant 0 : i32
      %dma_wait3A_119 = arith.constant 0 : i32
      %dma_wait3A_120 = tpu.memref_slice %arg2[%dma_wait3A_118, %dma_wait3A_119] : memref<10000x128xf32, #tpu.memory_space<hbm>> -> memref<10000x128xf32, #tpu.memory_space<hbm>>
      tpu.wait_indirect_dma semaphore(%arg16 : memref<!tpu.dma_semaphore, #tpu.memory_space<semaphore_mem>>) src(%dma_wait3A_120 : memref<10000x128xf32, #tpu.memory_space<hbm>>) dst(%arg12 : memref<80x128xf32, #tpu.memory_space<vmem>>)
      %dma_start3A_121 = arith.constant 0 : i32
      %dma_start3A_122 = tpu.memref_slice %arg6[%add3A_117, %dma_start3A_121] : memref<125x80xi32, #tpu.memory_space<vmem>> -> memref<1x80xi32, #tpu.memory_space<vmem>>
      %dma_start3A_123 = tpu.memref_squeeze %dma_start3A_122 : memref<1x80xi32, #tpu.memory_space<vmem>> -> memref<80xi32, #tpu.memory_space<vmem>>
      %dma_start3A_124 = arith.constant 0 : i32
      %dma_start3A_125 = arith.constant 0 : i32
      %dma_start3A_126 = tpu.memref_slice %arg13[%dma_start3A_124, %dma_start3A_125] : memref<10000x128xf32, #tpu.memory_space<vmem_shared>> -> memref<10000x128xf32, #tpu.memory_space<vmem_shared>>
      tpu.enqueue_indirect_dma source(%arg12 : memref<80x128xf32, #tpu.memory_space<vmem>>) target(%dma_start3A_126 : memref<10000x128xf32, #tpu.memory_space<vmem_shared>>) offsets(%dma_start3A_123 : memref<80xi32, #tpu.memory_space<vmem>>) semaphore(%arg19 : memref<!tpu.dma_semaphore, #tpu.memory_space<semaphore_mem>>) {add = true}
      %add3A_127 = arith.constant 3 : i32
      %add3A_128 = arith.addi %add3A_117, %add3A_127 : i32
      %lt3A_129 = arith.constant 125 : i32
      %lt3A_130 = arith.cmpi slt, %add3A_128, %lt3A_129 : i32
      %convert_element_type3A_131 = arith.extui %lt3A_130 : i1 to i32
      %cond3A_132 = arith.constant 0 : i32
      %cond3A_133 = arith.cmpi ne, %convert_element_type3A_131, %cond3A_132 : i32
      scf.if %cond3A_133 {
        %mul3A_145 = arith.constant 80 : i32
        %mul3A_146 = arith.muli %add3A_128, %mul3A_145 : i32
        %add3A_147 = arith.addi %mul3A_18, %mul3A_146 : i32
        "tpu.region"() ({
          %run_scoped3A_148 = tpu.sem_alloc : memref<!tpu.dma_semaphore, #tpu.memory_space<semaphore_mem>>
          %dma_start3A_149 = tpu.memref_slice %arg3[%add3A_147] : memref<320000xi32, #tpu.memory_space<hbm>> -> memref<80xi32, #tpu.memory_space<hbm>>
          %dma_start3A_150 = tpu.memref_slice %arg3[%add3A_147] : memref<320000xi32, #tpu.memory_space<hbm>> -> memref<80xi32, #tpu.memory_space<hbm>>
          tpu.enqueue_dma source(%dma_start3A_150 : memref<80xi32, #tpu.memory_space<hbm>>) target(%arg9 : memref<80xi32, #tpu.memory_space<vmem>>) target_semaphore(%run_scoped3A_148 : memref<!tpu.dma_semaphore, #tpu.memory_space<semaphore_mem>>)
          %dma_wait3A_151 = tpu.memref_slice %arg3[%add3A_147] : memref<320000xi32, #tpu.memory_space<hbm>> -> memref<80xi32, #tpu.memory_space<hbm>>
          %dma_wait3A_152 = tpu.memref_slice %arg3[%add3A_147] : memref<320000xi32, #tpu.memory_space<hbm>> -> memref<80xi32, #tpu.memory_space<hbm>>
          tpu.wait_dma2 semaphore(%run_scoped3A_148 : memref<!tpu.dma_semaphore, #tpu.memory_space<semaphore_mem>>) src(%dma_wait3A_152 : memref<80xi32, #tpu.memory_space<hbm>>) dst(%arg9 : memref<80xi32, #tpu.memory_space<vmem>>)
          tpu.yield
        }) : () -> ()
      } else {
      }
      %dma_wait3A_134 = arith.constant 0 : i32
      %dma_wait3A_135 = tpu.memref_slice %arg6[%add3A_117, %dma_wait3A_134] : memref<125x80xi32, #tpu.memory_space<vmem>> -> memref<1x80xi32, #tpu.memory_space<vmem>>
      %dma_wait3A_136 = tpu.memref_squeeze %dma_wait3A_135 : memref<1x80xi32, #tpu.memory_space<vmem>> -> memref<80xi32, #tpu.memory_space<vmem>>
      %dma_wait3A_137 = arith.constant 0 : i32
      %dma_wait3A_138 = arith.constant 0 : i32
      %dma_wait3A_139 = tpu.memref_slice %arg13[%dma_wait3A_137, %dma_wait3A_138] : memref<10000x128xf32, #tpu.memory_space<vmem_shared>> -> memref<10000x128xf32, #tpu.memory_space<vmem_shared>>
      tpu.wait_indirect_dma semaphore(%arg19 : memref<!tpu.dma_semaphore, #tpu.memory_space<semaphore_mem>>) src(%arg12 : memref<80x128xf32, #tpu.memory_space<vmem>>) dst(%dma_wait3A_139 : memref<10000x128xf32, #tpu.memory_space<vmem_shared>>)
      %lt3A_140 = arith.constant 125 : i32
      %lt3A_141 = arith.cmpi slt, %add3A_128, %lt3A_140 : i32
      %convert_element_type3A_142 = arith.extui %lt3A_141 : i1 to i32
      %cond3A_143 = arith.constant 0 : i32
      %cond3A_144 = arith.cmpi ne, %convert_element_type3A_142, %cond3A_143 : i32
      scf.if %cond3A_144 {
        %dma_start3A_145 = arith.constant 0 : i32
        %dma_start3A_146 = arith.constant 0 : i32
        %dma_start3A_147 = tpu.memref_slice %arg2[%dma_start3A_145, %dma_start3A_146] : memref<10000x128xf32, #tpu.memory_space<hbm>> -> memref<10000x128xf32, #tpu.memory_space<hbm>>
        tpu.enqueue_indirect_dma source(%dma_start3A_147 : memref<10000x128xf32, #tpu.memory_space<hbm>>) target(%arg12 : memref<80x128xf32, #tpu.memory_space<vmem>>) offsets(%arg9 : memref<80xi32, #tpu.memory_space<vmem>>) semaphore(%arg16 : memref<!tpu.dma_semaphore, #tpu.memory_space<semaphore_mem>>)
      } else {
      }
    }
    %scan3A_37 = arith.constant 41 : i32
    %dma_wait3A = arith.constant 0 : i32
    %dma_wait3A_38 = arith.constant 0 : i32
    %dma_wait3A_39 = tpu.memref_slice %arg2[%dma_wait3A, %dma_wait3A_38] : memref<10000x128xf32, #tpu.memory_space<hbm>> -> memref<10000x128xf32, #tpu.memory_space<hbm>>
    tpu.wait_indirect_dma semaphore(%arg14 : memref<!tpu.dma_semaphore, #tpu.memory_space<semaphore_mem>>) src(%dma_wait3A_39 : memref<10000x128xf32, #tpu.memory_space<hbm>>) dst(%arg10 : memref<80x128xf32, #tpu.memory_space<vmem>>)
    %run_scoped3A = arith.constant 123 : i32
    "tpu.region"() ({
      %run_scoped3A_54 = tpu.sem_alloc : memref<!tpu.dma_semaphore, #tpu.memory_space<semaphore_mem>>
      %dma_start3A_55 = arith.constant 0 : i32
      %dma_start3A_56 = tpu.memref_slice %arg6[%run_scoped3A, %dma_start3A_55] : memref<125x80xi32, #tpu.memory_space<vmem>> -> memref<1x80xi32, #tpu.memory_space<vmem>>
      %dma_start3A_57 = tpu.memref_squeeze %dma_start3A_56 : memref<1x80xi32, #tpu.memory_space<vmem>> -> memref<80xi32, #tpu.memory_space<vmem>>
      %dma_start3A_58 = arith.constant 0 : i32
      %dma_start3A_59 = arith.constant 0 : i32
      %dma_start3A_60 = tpu.memref_slice %arg13[%dma_start3A_58, %dma_start3A_59] : memref<10000x128xf32, #tpu.memory_space<vmem_shared>> -> memref<10000x128xf32, #tpu.memory_space<vmem_shared>>
      tpu.enqueue_indirect_dma source(%arg10 : memref<80x128xf32, #tpu.memory_space<vmem>>) target(%dma_start3A_60 : memref<10000x128xf32, #tpu.memory_space<vmem_shared>>) offsets(%dma_start3A_57 : memref<80xi32, #tpu.memory_space<vmem>>) semaphore(%run_scoped3A_54 : memref<!tpu.dma_semaphore, #tpu.memory_space<semaphore_mem>>) {add = true}
      %dma_wait3A_61 = arith.constant 0 : i32
      %dma_wait3A_62 = tpu.memref_slice %arg6[%run_scoped3A, %dma_wait3A_61] : memref<125x80xi32, #tpu.memory_space<vmem>> -> memref<1x80xi32, #tpu.memory_space<vmem>>
      %dma_wait3A_63 = tpu.memref_squeeze %dma_wait3A_62 : memref<1x80xi32, #tpu.memory_space<vmem>> -> memref<80xi32, #tpu.memory_space<vmem>>
      %dma_wait3A_64 = arith.constant 0 : i32
      %dma_wait3A_65 = arith.constant 0 : i32
      %dma_wait3A_66 = tpu.memref_slice %arg13[%dma_wait3A_64, %dma_wait3A_65] : memref<10000x128xf32, #tpu.memory_space<vmem_shared>> -> memref<10000x128xf32, #tpu.memory_space<vmem_shared>>
      tpu.wait_indirect_dma semaphore(%run_scoped3A_54 : memref<!tpu.dma_semaphore, #tpu.memory_space<semaphore_mem>>) src(%arg10 : memref<80x128xf32, #tpu.memory_space<vmem>>) dst(%dma_wait3A_66 : memref<10000x128xf32, #tpu.memory_space<vmem_shared>>)
      tpu.yield
    }) : () -> ()
    %dma_wait3A_40 = arith.constant 0 : i32
    %dma_wait3A_41 = arith.constant 0 : i32
    %dma_wait3A_42 = tpu.memref_slice %arg2[%dma_wait3A_40, %dma_wait3A_41] : memref<10000x128xf32, #tpu.memory_space<hbm>> -> memref<10000x128xf32, #tpu.memory_space<hbm>>
    tpu.wait_indirect_dma semaphore(%arg15 : memref<!tpu.dma_semaphore, #tpu.memory_space<semaphore_mem>>) src(%dma_wait3A_42 : memref<10000x128xf32, #tpu.memory_space<hbm>>) dst(%arg11 : memref<80x128xf32, #tpu.memory_space<vmem>>)
    %run_scoped3A_43 = arith.constant 124 : i32
    "tpu.region"() ({
      %run_scoped3A_54 = tpu.sem_alloc : memref<!tpu.dma_semaphore, #tpu.memory_space<semaphore_mem>>
      %dma_start3A_55 = arith.constant 0 : i32
      %dma_start3A_56 = tpu.memref_slice %arg6[%run_scoped3A_43, %dma_start3A_55] : memref<125x80xi32, #tpu.memory_space<vmem>> -> memref<1x80xi32, #tpu.memory_space<vmem>>
      %dma_start3A_57 = tpu.memref_squeeze %dma_start3A_56 : memref<1x80xi32, #tpu.memory_space<vmem>> -> memref<80xi32, #tpu.memory_space<vmem>>
      %dma_start3A_58 = arith.constant 0 : i32
      %dma_start3A_59 = arith.constant 0 : i32
      %dma_start3A_60 = tpu.memref_slice %arg13[%dma_start3A_58, %dma_start3A_59] : memref<10000x128xf32, #tpu.memory_space<vmem_shared>> -> memref<10000x128xf32, #tpu.memory_space<vmem_shared>>
      tpu.enqueue_indirect_dma source(%arg11 : memref<80x128xf32, #tpu.memory_space<vmem>>) target(%dma_start3A_60 : memref<10000x128xf32, #tpu.memory_space<vmem_shared>>) offsets(%dma_start3A_57 : memref<80xi32, #tpu.memory_space<vmem>>) semaphore(%run_scoped3A_54 : memref<!tpu.dma_semaphore, #tpu.memory_space<semaphore_mem>>) {add = true}
      %dma_wait3A_61 = arith.constant 0 : i32
      %dma_wait3A_62 = tpu.memref_slice %arg6[%run_scoped3A_43, %dma_wait3A_61] : memref<125x80xi32, #tpu.memory_space<vmem>> -> memref<1x80xi32, #tpu.memory_space<vmem>>
      %dma_wait3A_63 = tpu.memref_squeeze %dma_wait3A_62 : memref<1x80xi32, #tpu.memory_space<vmem>> -> memref<80xi32, #tpu.memory_space<vmem>>
      %dma_wait3A_64 = arith.constant 0 : i32
      %dma_wait3A_65 = arith.constant 0 : i32
      %dma_wait3A_66 = tpu.memref_slice %arg13[%dma_wait3A_64, %dma_wait3A_65] : memref<10000x128xf32, #tpu.memory_space<vmem_shared>> -> memref<10000x128xf32, #tpu.memory_space<vmem_shared>>
      tpu.wait_indirect_dma semaphore(%run_scoped3A_54 : memref<!tpu.dma_semaphore, #tpu.memory_space<semaphore_mem>>) src(%arg11 : memref<80x128xf32, #tpu.memory_space<vmem>>) dst(%dma_wait3A_66 : memref<10000x128xf32, #tpu.memory_space<vmem_shared>>)
      tpu.yield
    }) : () -> ()
    %barrier3A_44 = arith.constant 0 : index
    tpu.barrier barrier_id(%barrier3A_44)
    %mul3A_45 = arith.constant 624 : i32
    %mul3A_46 = arith.muli %arg1, %mul3A_45 : i32
    %mul3A_47 = arith.constant 624 : i32
    %mul3A_48 = arith.muli %arg1, %mul3A_47 : i32
    "tpu.region"() ({
      %run_scoped3A_54 = tpu.sem_alloc : memref<!tpu.dma_semaphore, #tpu.memory_space<semaphore_mem>>
      %dma_start3A_55 = arith.constant 0 : i32
      %dma_start3A_56 = arith.constant 0 : i32
      %dma_start3A_57 = tpu.memref_slice %arg5[%arg0, %dma_start3A_55, %dma_start3A_56] : memref<2x10000x128xf32, #tpu.memory_space<hbm>> -> memref<1x10000x128xf32, #tpu.memory_space<hbm>>
      %dma_start3A_58 = tpu.memref_squeeze %dma_start3A_57 : memref<1x10000x128xf32, #tpu.memory_space<hbm>> -> memref<10000x128xf32, #tpu.memory_space<hbm>>
      %dma_start3A_59 = arith.constant 0 : i32
      %dma_start3A_60 = tpu.memref_slice %dma_start3A_58[%mul3A_48, %dma_start3A_59] : memref<10000x128xf32, #tpu.memory_space<hbm>> -> memref<624x128xf32, #tpu.memory_space<hbm>>
      %dma_start3A_61 = arith.constant 0 : i32
      %dma_start3A_62 = tpu.memref_slice %arg13[%mul3A_46, %dma_start3A_61] : memref<10000x128xf32, #tpu.memory_space<vmem_shared>> -> memref<624x128xf32, #tpu.memory_space<vmem_shared>>
      tpu.enqueue_dma source(%dma_start3A_62 : memref<624x128xf32, #tpu.memory_space<vmem_shared>>) target(%dma_start3A_60 : memref<624x128xf32, #tpu.memory_space<hbm>>) target_semaphore(%run_scoped3A_54 : memref<!tpu.dma_semaphore, #tpu.memory_space<semaphore_mem>>)
      %dma_wait3A_63 = arith.constant 0 : i32
      %dma_wait3A_64 = arith.constant 0 : i32
      %dma_wait3A_65 = tpu.memref_slice %arg5[%arg0, %dma_wait3A_63, %dma_wait3A_64] : memref<2x10000x128xf32, #tpu.memory_space<hbm>> -> memref<1x10000x128xf32, #tpu.memory_space<hbm>>
      %dma_wait3A_66 = tpu.memref_squeeze %dma_wait3A_65 : memref<1x10000x128xf32, #tpu.memory_space<hbm>> -> memref<10000x128xf32, #tpu.memory_space<hbm>>
      %dma_wait3A_67 = arith.constant 0 : i32
      %dma_wait3A_68 = tpu.memref_slice %dma_wait3A_66[%mul3A_48, %dma_wait3A_67] : memref<10000x128xf32, #tpu.memory_space<hbm>> -> memref<624x128xf32, #tpu.memory_space<hbm>>
      %dma_wait3A_69 = arith.constant 0 : i32
      %dma_wait3A_70 = tpu.memref_slice %arg13[%mul3A_46, %dma_wait3A_69] : memref<10000x128xf32, #tpu.memory_space<vmem_shared>> -> memref<624x128xf32, #tpu.memory_space<vmem_shared>>
      tpu.wait_dma2 semaphore(%run_scoped3A_54 : memref<!tpu.dma_semaphore, #tpu.memory_space<semaphore_mem>>) src(%dma_wait3A_70 : memref<624x128xf32, #tpu.memory_space<vmem_shared>>) dst(%dma_wait3A_68 : memref<624x128xf32, #tpu.memory_space<hbm>>)
      tpu.yield
    }) : () -> ()
    %eq3A_49 = arith.constant 15 : i32
    %eq3A_50 = arith.cmpi eq, %arg1, %eq3A_49 : i32
    %convert_element_type3A_51 = arith.extui %eq3A_50 : i1 to i32
    %cond3A_52 = arith.constant 0 : i32
    %cond3A_53 = arith.cmpi ne, %convert_element_type3A_51, %cond3A_52 : i32
    scf.if %cond3A_53 {
      "tpu.region"() ({
        %run_scoped3A_54 = tpu.sem_alloc : memref<!tpu.dma_semaphore, #tpu.memory_space<semaphore_mem>>
        %dma_start3A_55 = arith.constant 0 : i32
        %dma_start3A_56 = arith.constant 0 : i32
        %dma_start3A_57 = tpu.memref_slice %arg5[%arg0, %dma_start3A_55, %dma_start3A_56] : memref<2x10000x128xf32, #tpu.memory_space<hbm>> -> memref<1x10000x128xf32, #tpu.memory_space<hbm>>
        %dma_start3A_58 = tpu.memref_squeeze %dma_start3A_57 : memref<1x10000x128xf32, #tpu.memory_space<hbm>> -> memref<10000x128xf32, #tpu.memory_space<hbm>>
        %dma_start3A_59 = arith.constant 9984 : i32
        %dma_start3A_60 = arith.constant 0 : i32
        %dma_start3A_61 = tpu.memref_slice %dma_start3A_58[%dma_start3A_59, %dma_start3A_60] : memref<10000x128xf32, #tpu.memory_space<hbm>> -> memref<16x128xf32, #tpu.memory_space<hbm>>
        %dma_start3A_62 = arith.constant 9984 : i32
        %dma_start3A_63 = arith.constant 0 : i32
        %dma_start3A_64 = tpu.memref_slice %arg13[%dma_start3A_62, %dma_start3A_63] : memref<10000x128xf32, #tpu.memory_space<vmem_shared>> -> memref<16x128xf32, #tpu.memory_space<vmem_shared>>
        tpu.enqueue_dma source(%dma_start3A_64 : memref<16x128xf32, #tpu.memory_space<vmem_shared>>) target(%dma_start3A_61 : memref<16x128xf32, #tpu.memory_space<hbm>>) target_semaphore(%run_scoped3A_54 : memref<!tpu.dma_semaphore, #tpu.memory_space<semaphore_mem>>)
        %dma_wait3A_65 = arith.constant 0 : i32
        %dma_wait3A_66 = arith.constant 0 : i32
        %dma_wait3A_67 = tpu.memref_slice %arg5[%arg0, %dma_wait3A_65, %dma_wait3A_66] : memref<2x10000x128xf32, #tpu.memory_space<hbm>> -> memref<1x10000x128xf32, #tpu.memory_space<hbm>>
        %dma_wait3A_68 = tpu.memref_squeeze %dma_wait3A_67 : memref<1x10000x128xf32, #tpu.memory_space<hbm>> -> memref<10000x128xf32, #tpu.memory_space<hbm>>
        %dma_wait3A_69 = arith.constant 9984 : i32
        %dma_wait3A_70 = arith.constant 0 : i32
        %dma_wait3A_71 = tpu.memref_slice %dma_wait3A_68[%dma_wait3A_69, %dma_wait3A_70] : memref<10000x128xf32, #tpu.memory_space<hbm>> -> memref<16x128xf32, #tpu.memory_space<hbm>>
        %dma_wait3A_72 = arith.constant 9984 : i32
        %dma_wait3A_73 = arith.constant 0 : i32
        %dma_wait3A_74 = tpu.memref_slice %arg13[%dma_wait3A_72, %dma_wait3A_73] : memref<10000x128xf32, #tpu.memory_space<vmem_shared>> -> memref<16x128xf32, #tpu.memory_space<vmem_shared>>
        tpu.wait_dma2 semaphore(%run_scoped3A_54 : memref<!tpu.dma_semaphore, #tpu.memory_space<semaphore_mem>>) src(%dma_wait3A_74 : memref<16x128xf32, #tpu.memory_space<vmem_shared>>) dst(%dma_wait3A_71 : memref<16x128xf32, #tpu.memory_space<hbm>>)
        tpu.yield
      }) : () -> ()
    } else {
    }
    return
  }
}

module attributes {stable_mosaic.version = 14 : i64} {
  func.func @_pre_body(%arg0: i32, %arg1: memref<1000x128xf32, #tpu.memory_space<vmem>>, %arg2: memref<128x128xf32, #tpu.memory_space<vmem>>, %arg3: memref<1000x1xf32, #tpu.memory_space<vmem>>, %arg4: memref<1000x1xf32, #tpu.memory_space<vmem>>, %arg5: memref<1000x128xf32, #tpu.memory_space<vmem>>) attributes {dimension_semantics = [#tpu.dimension_semantics<arbitrary>], iteration_bounds = array<i64: 10>, scalar_prefetch = 0 : i64, scratch_operands = 0 : i64, tpu.core_type = #tpu.core_type<tc>, window_params = [{transform_indices = @transform_0, window_bounds = array<i64: 1000, 128>}, {pipeline_mode = #tpu.pipeline_mode<synchronous>, transform_indices = @transform_1, window_bounds = array<i64: 128, 128>}, {transform_indices = @transform_2, window_bounds = array<i64: 1000, 1>}, {transform_indices = @transform_3, window_bounds = array<i64: 1000, 1>}, {transform_indices = @transform_4, window_bounds = array<i64: 1000, 128>}]} {
    %get3A = arith.constant 0 : index
    %get3A_0 = arith.constant 0 : index
    %get3A_1 = vector.load %arg3[%get3A, %get3A_0] : memref<1000x1xf32, #tpu.memory_space<vmem>>, vector<1000x1xf32>
    %get3A_2 = arith.constant 0 : index
    %get3A_3 = arith.constant 0 : index
    %get3A_4 = vector.load %arg4[%get3A_2, %get3A_3] : memref<1000x1xf32, #tpu.memory_space<vmem>>, vector<1000x1xf32>
    %add3A = arith.addf %get3A_1, %get3A_4 : vector<1000x1xf32>
    %add3A_5 = arith.constant 1.000000e+00 : f32
    %add3A_6 = vector.broadcast %add3A_5 : f32 to vector<1000x1xf32>
    %add3A_7 = arith.addf %add3A, %add3A_6 : vector<1000x1xf32>
    %max3A = arith.constant 1.000000e+00 : f32
    %max3A_8 = vector.broadcast %max3A : f32 to vector<1000x1xf32>
    %max3A_9 = arith.maximumf %add3A_7, %max3A_8 : vector<1000x1xf32>
    %rsqrt3A = math.rsqrt %max3A_9 : vector<1000x1xf32>
    %get3A_10 = arith.constant 0 : index
    %get3A_11 = arith.constant 0 : index
    %get3A_12 = vector.load %arg1[%get3A_10, %get3A_11] : memref<1000x128xf32, #tpu.memory_space<vmem>>, vector<1000x128xf32>
    %get3A_13 = arith.constant 0 : index
    %get3A_14 = arith.constant 0 : index
    %get3A_15 = vector.load %arg2[%get3A_13, %get3A_14] : memref<128x128xf32, #tpu.memory_space<vmem>>, vector<128x128xf32>
    %dot_general3A = arith.constant dense<0.000000e+00> : vector<1000x128xf32>
    %dot_general3A_16 = tpu.matmul %get3A_12, %get3A_15, %dot_general3A {dimension_numbers = #tpu.dot_dimension_numbers<[1], [0], [0], [1], [0, 0, 1, 1], [], []>, transpose_lhs_hint = false} : vector<1000x128xf32>, vector<128x128xf32>, vector<1000x128xf32> -> vector<1000x128xf32>
    %mul3A = vector.broadcast %rsqrt3A : vector<1000x1xf32> to vector<1000x128xf32>
    %mul3A_17 = arith.mulf %dot_general3A_16, %mul3A : vector<1000x128xf32>
    %swap3A = arith.constant 0 : index
    %swap3A_18 = arith.constant 0 : index
    %swap3A_19 = vector.load %arg5[%swap3A, %swap3A_18] : memref<1000x128xf32, #tpu.memory_space<vmem>>, vector<1000x128xf32>
    tpu.vector_store %arg5[%swap3A, %swap3A_18], %mul3A_17 {strides = array<i32>} : memref<1000x128xf32, #tpu.memory_space<vmem>>, vector<1000x128xf32>,
    return
  }
  func.func @transform_0(%arg0: i32) -> (i32, i32) {
    %c0_i32 = arith.constant 0 : i32
    %c0_i32_0 = arith.constant 0 : i32
    return %arg0, %c0_i32 : i32, i32
  }
  func.func @transform_1(%arg0: i32) -> (i32, i32) {
    %c0_i32 = arith.constant 0 : i32
    %c0_i32_0 = arith.constant 0 : i32
    %c0_i32_1 = arith.constant 0 : i32
    return %c0_i32, %c0_i32_0 : i32, i32
  }
  func.func @transform_2(%arg0: i32) -> (i32, i32) {
    %c0_i32 = arith.constant 0 : i32
    %c0_i32_0 = arith.constant 0 : i32
    return %arg0, %c0_i32 : i32, i32
  }
  func.func @transform_3(%arg0: i32) -> (i32, i32) {
    %add3A = arith.constant 10 : i32
    %add3A_0 = arith.addi %add3A, %arg0 : i32
    %c0_i32 = arith.constant 0 : i32
    %c0_i32_1 = arith.constant 0 : i32
    return %add3A_0, %c0_i32 : i32, i32
  }
  func.func @transform_4(%arg0: i32) -> (i32, i32) {
    %c0_i32 = arith.constant 0 : i32
    %c0_i32_0 = arith.constant 0 : i32
    return %arg0, %c0_i32 : i32, i32
  }
}

module attributes {stable_mosaic.version = 14 : i64} {
  func.func @_mid_body(%arg0: i32, %arg1: memref<2x1000x128xf32, #tpu.memory_space<vmem>>, %arg2: memref<1000x128xf32, #tpu.memory_space<vmem>>, %arg3: memref<1000x1xf32, #tpu.memory_space<vmem>>, %arg4: memref<1000x1xf32, #tpu.memory_space<vmem>>, %arg5: memref<1x128xf32, #tpu.memory_space<vmem>>, %arg6: memref<128x128xf32, #tpu.memory_space<vmem>>, %arg7: memref<1000x128xf32, #tpu.memory_space<vmem>>) attributes {dimension_semantics = [#tpu.dimension_semantics<arbitrary>], iteration_bounds = array<i64: 10>, scalar_prefetch = 0 : i64, scratch_operands = 0 : i64, tpu.core_type = #tpu.core_type<tc>, window_params = [{transform_indices = @transform_0, window_bounds = array<i64: 2, 1000, 128>}, {transform_indices = @transform_1, window_bounds = array<i64: 1000, 128>}, {transform_indices = @transform_2, window_bounds = array<i64: 1000, 1>}, {transform_indices = @transform_3, window_bounds = array<i64: 1000, 1>}, {pipeline_mode = #tpu.pipeline_mode<synchronous>, transform_indices = @transform_4, window_bounds = array<i64: 1, 128>}, {pipeline_mode = #tpu.pipeline_mode<synchronous>, transform_indices = @transform_5, window_bounds = array<i64: 128, 128>}, {transform_indices = @transform_6, window_bounds = array<i64: 1000, 128>}]} {
    %get3A = arith.constant 0 : index
    %get3A_0 = arith.constant 0 : index
    %get3A_1 = vector.load %arg3[%get3A, %get3A_0] : memref<1000x1xf32, #tpu.memory_space<vmem>>, vector<1000x1xf32>
    %get3A_2 = arith.constant 0 : index
    %get3A_3 = arith.constant 0 : index
    %get3A_4 = vector.load %arg4[%get3A_2, %get3A_3] : memref<1000x1xf32, #tpu.memory_space<vmem>>, vector<1000x1xf32>
    %add3A = arith.addf %get3A_1, %get3A_4 : vector<1000x1xf32>
    %add3A_5 = arith.constant 1.000000e+00 : f32
    %add3A_6 = vector.broadcast %add3A_5 : f32 to vector<1000x1xf32>
    %add3A_7 = arith.addf %add3A, %add3A_6 : vector<1000x1xf32>
    %max3A = arith.constant 1.000000e+00 : f32
    %max3A_8 = vector.broadcast %max3A : f32 to vector<1000x1xf32>
    %max3A_9 = arith.maximumf %add3A_7, %max3A_8 : vector<1000x1xf32>
    %rsqrt3A = math.rsqrt %max3A_9 : vector<1000x1xf32>
    %get3A_10 = arith.constant 0 : index
    %get3A_11 = arith.constant 0 : index
    %get3A_12 = arith.constant 0 : index
    %get3A_13 = vector.load %arg1[%get3A_10, %get3A_11, %get3A_12] : memref<2x1000x128xf32, #tpu.memory_space<vmem>>, vector<1x1000x128xf32>
    %get3A_14 = vector.shape_cast %get3A_13 : vector<1x1000x128xf32> to vector<1000x128xf32>
    %get3A_15 = arith.constant 1 : index
    %get3A_16 = arith.constant 0 : index
    %get3A_17 = arith.constant 0 : index
    %get3A_18 = vector.load %arg1[%get3A_15, %get3A_16, %get3A_17] : memref<2x1000x128xf32, #tpu.memory_space<vmem>>, vector<1x1000x128xf32>
    %get3A_19 = vector.shape_cast %get3A_18 : vector<1x1000x128xf32> to vector<1000x128xf32>
    %add3A_20 = arith.addf %get3A_14, %get3A_19 : vector<1000x128xf32>
    %get3A_21 = arith.constant 0 : index
    %get3A_22 = arith.constant 0 : index
    %get3A_23 = vector.load %arg2[%get3A_21, %get3A_22] : memref<1000x128xf32, #tpu.memory_space<vmem>>, vector<1000x128xf32>
    %add3A_24 = arith.addf %add3A_20, %get3A_23 : vector<1000x128xf32>
    %mul3A = vector.broadcast %rsqrt3A : vector<1000x1xf32> to vector<1000x128xf32>
    %mul3A_25 = arith.mulf %add3A_24, %mul3A : vector<1000x128xf32>
    %get3A_26 = arith.constant 0 : index
    %get3A_27 = arith.constant 0 : index
    %get3A_28 = vector.load %arg5[%get3A_26, %get3A_27] : memref<1x128xf32, #tpu.memory_space<vmem>>, vector<1x128xf32>
    %add3A_29 = vector.broadcast %get3A_28 : vector<1x128xf32> to vector<1000x128xf32>
    %add3A_30 = arith.addf %mul3A_25, %add3A_29 : vector<1000x128xf32>
    %max3A_31 = arith.constant 0.000000e+00 : f32
    %max3A_32 = vector.broadcast %max3A_31 : f32 to vector<1000x128xf32>
    %max3A_33 = arith.maximumf %add3A_30, %max3A_32 : vector<1000x128xf32>
    %get3A_34 = arith.constant 0 : index
    %get3A_35 = arith.constant 0 : index
    %get3A_36 = vector.load %arg6[%get3A_34, %get3A_35] : memref<128x128xf32, #tpu.memory_space<vmem>>, vector<128x128xf32>
    %dot_general3A = arith.constant dense<0.000000e+00> : vector<1000x128xf32>
    %dot_general3A_37 = tpu.matmul %max3A_33, %get3A_36, %dot_general3A {dimension_numbers = #tpu.dot_dimension_numbers<[1], [0], [0], [1], [0, 0, 1, 1], [], []>, transpose_lhs_hint = false} : vector<1000x128xf32>, vector<128x128xf32>, vector<1000x128xf32> -> vector<1000x128xf32>
    %mul3A_38 = vector.broadcast %rsqrt3A : vector<1000x1xf32> to vector<1000x128xf32>
    %mul3A_39 = arith.mulf %dot_general3A_37, %mul3A_38 : vector<1000x128xf32>
    %swap3A = arith.constant 0 : index
    %swap3A_40 = arith.constant 0 : index
    %swap3A_41 = vector.load %arg7[%swap3A, %swap3A_40] : memref<1000x128xf32, #tpu.memory_space<vmem>>, vector<1000x128xf32>
    tpu.vector_store %arg7[%swap3A, %swap3A_40], %mul3A_39 {strides = array<i32>} : memref<1000x128xf32, #tpu.memory_space<vmem>>, vector<1000x128xf32>,
    return
  }
  func.func @transform_0(%arg0: i32) -> (i32, i32, i32) {
    %c0_i32 = arith.constant 0 : i32
    %c0_i32_0 = arith.constant 0 : i32
    %c0_i32_1 = arith.constant 0 : i32
    return %c0_i32, %arg0, %c0_i32_0 : i32, i32, i32
  }
  func.func @transform_1(%arg0: i32) -> (i32, i32) {
    %c0_i32 = arith.constant 0 : i32
    %c0_i32_0 = arith.constant 0 : i32
    return %arg0, %c0_i32 : i32, i32
  }
  func.func @transform_2(%arg0: i32) -> (i32, i32) {
    %c0_i32 = arith.constant 0 : i32
    %c0_i32_0 = arith.constant 0 : i32
    return %arg0, %c0_i32 : i32, i32
  }
  func.func @transform_3(%arg0: i32) -> (i32, i32) {
    %add3A = arith.constant 10 : i32
    %add3A_0 = arith.addi %add3A, %arg0 : i32
    %c0_i32 = arith.constant 0 : i32
    %c0_i32_1 = arith.constant 0 : i32
    return %add3A_0, %c0_i32 : i32, i32
  }
  func.func @transform_4(%arg0: i32) -> (i32, i32) {
    %c0_i32 = arith.constant 0 : i32
    %c0_i32_0 = arith.constant 0 : i32
    %c0_i32_1 = arith.constant 0 : i32
    return %c0_i32, %c0_i32_0 : i32, i32
  }
  func.func @transform_5(%arg0: i32) -> (i32, i32) {
    %c0_i32 = arith.constant 0 : i32
    %c0_i32_0 = arith.constant 0 : i32
    %c0_i32_1 = arith.constant 0 : i32
    return %c0_i32, %c0_i32_0 : i32, i32
  }
  func.func @transform_6(%arg0: i32) -> (i32, i32) {
    %c0_i32 = arith.constant 0 : i32
    %c0_i32_0 = arith.constant 0 : i32
    return %arg0, %c0_i32 : i32, i32
  }
}

module attributes {stable_mosaic.version = 14 : i64} {
  func.func @_post_body(%arg0: i32, %arg1: memref<2x1000x128xf32, #tpu.memory_space<vmem>>, %arg2: memref<1000x128xf32, #tpu.memory_space<vmem>>, %arg3: memref<1000x1xf32, #tpu.memory_space<vmem>>, %arg4: memref<1000x1xf32, #tpu.memory_space<vmem>>, %arg5: memref<1x128xf32, #tpu.memory_space<vmem>>, %arg6: memref<1000x128xf32, #tpu.memory_space<vmem>>) attributes {dimension_semantics = [#tpu.dimension_semantics<arbitrary>], iteration_bounds = array<i64: 10>, scalar_prefetch = 0 : i64, scratch_operands = 0 : i64, tpu.core_type = #tpu.core_type<tc>, window_params = [{transform_indices = @transform_0, window_bounds = array<i64: 2, 1000, 128>}, {transform_indices = @transform_1, window_bounds = array<i64: 1000, 128>}, {transform_indices = @transform_2, window_bounds = array<i64: 1000, 1>}, {transform_indices = @transform_3, window_bounds = array<i64: 1000, 1>}, {pipeline_mode = #tpu.pipeline_mode<synchronous>, transform_indices = @transform_4, window_bounds = array<i64: 1, 128>}, {transform_indices = @transform_5, window_bounds = array<i64: 1000, 128>}]} {
    %get3A = arith.constant 0 : index
    %get3A_0 = arith.constant 0 : index
    %get3A_1 = vector.load %arg3[%get3A, %get3A_0] : memref<1000x1xf32, #tpu.memory_space<vmem>>, vector<1000x1xf32>
    %get3A_2 = arith.constant 0 : index
    %get3A_3 = arith.constant 0 : index
    %get3A_4 = vector.load %arg4[%get3A_2, %get3A_3] : memref<1000x1xf32, #tpu.memory_space<vmem>>, vector<1000x1xf32>
    %add3A = arith.addf %get3A_1, %get3A_4 : vector<1000x1xf32>
    %add3A_5 = arith.constant 1.000000e+00 : f32
    %add3A_6 = vector.broadcast %add3A_5 : f32 to vector<1000x1xf32>
    %add3A_7 = arith.addf %add3A, %add3A_6 : vector<1000x1xf32>
    %max3A = arith.constant 1.000000e+00 : f32
    %max3A_8 = vector.broadcast %max3A : f32 to vector<1000x1xf32>
    %max3A_9 = arith.maximumf %add3A_7, %max3A_8 : vector<1000x1xf32>
    %rsqrt3A = math.rsqrt %max3A_9 : vector<1000x1xf32>
    %get3A_10 = arith.constant 0 : index
    %get3A_11 = arith.constant 0 : index
    %get3A_12 = arith.constant 0 : index
    %get3A_13 = vector.load %arg1[%get3A_10, %get3A_11, %get3A_12] : memref<2x1000x128xf32, #tpu.memory_space<vmem>>, vector<1x1000x128xf32>
    %get3A_14 = vector.shape_cast %get3A_13 : vector<1x1000x128xf32> to vector<1000x128xf32>
    %get3A_15 = arith.constant 1 : index
    %get3A_16 = arith.constant 0 : index
    %get3A_17 = arith.constant 0 : index
    %get3A_18 = vector.load %arg1[%get3A_15, %get3A_16, %get3A_17] : memref<2x1000x128xf32, #tpu.memory_space<vmem>>, vector<1x1000x128xf32>
    %get3A_19 = vector.shape_cast %get3A_18 : vector<1x1000x128xf32> to vector<1000x128xf32>
    %add3A_20 = arith.addf %get3A_14, %get3A_19 : vector<1000x128xf32>
    %get3A_21 = arith.constant 0 : index
    %get3A_22 = arith.constant 0 : index
    %get3A_23 = vector.load %arg2[%get3A_21, %get3A_22] : memref<1000x128xf32, #tpu.memory_space<vmem>>, vector<1000x128xf32>
    %add3A_24 = arith.addf %add3A_20, %get3A_23 : vector<1000x128xf32>
    %mul3A = vector.broadcast %rsqrt3A : vector<1000x1xf32> to vector<1000x128xf32>
    %mul3A_25 = arith.mulf %add3A_24, %mul3A : vector<1000x128xf32>
    %get3A_26 = arith.constant 0 : index
    %get3A_27 = arith.constant 0 : index
    %get3A_28 = vector.load %arg5[%get3A_26, %get3A_27] : memref<1x128xf32, #tpu.memory_space<vmem>>, vector<1x128xf32>
    %add3A_29 = vector.broadcast %get3A_28 : vector<1x128xf32> to vector<1000x128xf32>
    %add3A_30 = arith.addf %mul3A_25, %add3A_29 : vector<1000x128xf32>
    %swap3A = arith.constant 0 : index
    %swap3A_31 = arith.constant 0 : index
    %swap3A_32 = vector.load %arg6[%swap3A, %swap3A_31] : memref<1000x128xf32, #tpu.memory_space<vmem>>, vector<1000x128xf32>
    tpu.vector_store %arg6[%swap3A, %swap3A_31], %add3A_30 {strides = array<i32>} : memref<1000x128xf32, #tpu.memory_space<vmem>>, vector<1000x128xf32>,
    return
  }
  func.func @transform_0(%arg0: i32) -> (i32, i32, i32) {
    %c0_i32 = arith.constant 0 : i32
    %c0_i32_0 = arith.constant 0 : i32
    %c0_i32_1 = arith.constant 0 : i32
    return %c0_i32, %arg0, %c0_i32_0 : i32, i32, i32
  }
  func.func @transform_1(%arg0: i32) -> (i32, i32) {
    %c0_i32 = arith.constant 0 : i32
    %c0_i32_0 = arith.constant 0 : i32
    return %arg0, %c0_i32 : i32, i32
  }
  func.func @transform_2(%arg0: i32) -> (i32, i32) {
    %c0_i32 = arith.constant 0 : i32
    %c0_i32_0 = arith.constant 0 : i32
    return %arg0, %c0_i32 : i32, i32
  }
  func.func @transform_3(%arg0: i32) -> (i32, i32) {
    %add3A = arith.constant 10 : i32
    %add3A_0 = arith.addi %add3A, %arg0 : i32
    %c0_i32 = arith.constant 0 : i32
    %c0_i32_1 = arith.constant 0 : i32
    return %add3A_0, %c0_i32 : i32, i32
  }
  func.func @transform_4(%arg0: i32) -> (i32, i32) {
    %c0_i32 = arith.constant 0 : i32
    %c0_i32_0 = arith.constant 0 : i32
    %c0_i32_1 = arith.constant 0 : i32
    return %c0_i32, %c0_i32_0 : i32, i32
  }
  func.func @transform_5(%arg0: i32) -> (i32, i32) {
    %c0_i32 = arith.constant 0 : i32
    %c0_i32_0 = arith.constant 0 : i32
    return %arg0, %c0_i32 : i32, i32
  }
}

</mosaic_0001>

<sc_bundles>
// kernel: kernel.11.cloned.1.call-start
scs
__scs_entry_jumppad:
0x0: {  	(pc) =	sbr.rel $0x88, $3  }
0x1: {  	(tag) =	ssettag $0x0;
	lr =	simm.s32 $0x1  }
0x2: {  	[smem:$0x3F9B] =	sst lr;
	_ =	strace $0xD0000000  }
0x3: {  	_ = 	snop  }
0x4: {  	_ = 	snop  }
0x5: {  	_ = 	snop  }
0x6: {  	_ = 	snop  }
0x7: {  	_ = 	snop  }
__scs_overlays_trampoline_lowered:
0x8: {  	[smem:$0x3FAA] =	sst s0  }
0x9: {  	[smem:$0x3FAB] =	sst s1  }
0xa: {  	[smem:$0x3FAC] =	sst s2  }
0xb: {  	[smem:$0x3FAD] =	sst s3  }
0xc: {  	[smem:$0x3FAE] =	sst s4  }
0xd: {  	[smem:$0x3FAF] =	sst s5  }
0xe: {  	[smem:$0x3FB0] =	sst s6  }
0xf: {  	[smem:$0x3FB1] =	sst s7  }
0x10: {  	[smem:$0x3FB2] =	sst s8  }
0x11: {  	[smem:$0x3FB3] =	sst s9;
	s0 =	simm.s32 @!p0 $0x0  }
0x12: {  	s1 =	sld [smem:$0x3F99];
	s0 =	simm.s32 @p0 $0x1  }
0x13: {  	[smem:$0x3FB4] =	sst s0;
	s0 =	simm.s32 @!p1 $0x0  }
0x14: {  	s2 =	sld [smem:$0x3F98];
	s0 =	simm.s32 @p1 $0x1  }
0x15: {  	[smem:$0x3FB5] =	sst s0;
	s0 =	simm.s32 @!p2 $0x0  }
0x16: {  	s3 =	sld [smem:$0x3FDB];
	s0 =	simm.s32 @p2 $0x1  }
0x17: {  	s4 =	simm.s32 $0x1BF5;
	[smem:$0x3FB7] =	sst s0  }
0x18: {  	s0 =	sld [smem:$0x3F9A];
	_ =	swait.ge [sflag:s4], $0x0  }
0x19: {  	s7 =	sld [smem:$0x3F9B]  }
0x1a: {  	s8 =	sadd.s32 $0xFFFFE003, lr  }
0x1b: {  	s9 =	sadd.s32 $0xFFFFFEF7, lr;
	s5 =	simm.s32 $0xFFFFFFFF;
	p2 =	slt.u32 s8, $0xFFFFF086  }
0x1c: {  	p1 =	slt.u32 s9, $0xF7A;
	s5 =	simm.s32 @!p2 $0x0  }
0x1d: {  	s5 =	simm.s32 @p1 $0x1;
	p0 =	seq.s32 s7, s2  }
0x1e: {  	s7 =	smul.u32 @!p0 $0xF7A, s2;
	p2 =	seq.s32 @!p0 s5, $0x0  }
0x1f: {  	s9 =	smul.u32 $0xF7A, s1;
	s8 =	simm.s32 @!p0 $0x1BF5;
	p2 =	por !p2, p0  }
0x20: {  	[sflag:s8] =	ssyncset.s32 @!p0 $0xFFFFF086;
	s6 =	sadd.s32 @!p0 s3, s7;
	s7 =	simm.s32 @!p0 $0x108  }
0x21: {  	s3 =	sadd.s32 s3, s9;
	s6 =	sadd.s32 @!p0 $0x88, s6;
	s7 =	simm.s32 @p2 $0x1082  }
0x22: {  	[simem:s7], [sflag:s8] =	dma.local @!p0 [hbm:s6], $0xF7A  }
0x23: {  	s9 =	sor.u32 $0xD0000000, s2;
	s6 =	simm.s32 $0x108;
	_ =	swait.ge @!p0 [sflag:s8], $0x0  }
0x24: {  	s3 =	sadd.s32 $0x88, s3;
	s6 =	simm.s32 @!p1 $0x1082;
	[sflag:s4] =	ssyncset.s32 $0xFFFFF086  }
0x25: {  	[simem:s6], [sflag:s4] =	dma.local [hbm:s3], $0xF7A  }
0x26: {  	[smem:$0x3F9B] =	sst s1;
	(tag) =	ssettag s2;
	_ =	strace s9  }
0x27: {  	s1 =	sld [smem:$0x3FAB]  }
0x28: {  	s2 =	sld [smem:$0x3FAC]  }
0x29: {  	s4 =	sld [smem:$0x3FAE]  }
0x2a: {  	p0 =	seq.s32 s5, $0x0;
	s5 =	sld [smem:$0x3FAF]  }
0x2b: {  	s6 =	sld [smem:$0x3FB0]  }
0x2c: {  	s7 =	sld [smem:$0x3FB1]  }
0x2d: {  	s3 =	simm.s32 $0x108;
	s8 =	sld [smem:$0x3FB2]  }
0x2e: {  	s3 =	simm.s32 @!p0 $0x1082;
	s9 =	sld [smem:$0x3FB3]  }
0x2f: {  	lr =	sadd.s32 s0, s3;
	s0 =	sld [smem:$0x3FAA]  }
0x30: {  	s3 =	sld [smem:$0x3FAD]  }
0x31: {  	[smem:$0x3FB6] =	sst s10  }
0x32: {  	s10 =	sld [smem:$0x3FB4];
	_ =	sdelay $0x3  }
0x33: {  	p0 =	seq.s32 s10, $0x1;
	s10 =	sld [smem:$0x3FB6];
	_ =	sdelay $0x3  }
0x34: {  	[smem:$0x3FB6] =	sst s10  }
0x35: {  	s10 =	sld [smem:$0x3FB5];
	_ =	sdelay $0x3  }
0x36: {  	p1 =	seq.s32 s10, $0x1;
	s10 =	sld [smem:$0x3FB6];
	_ =	sdelay $0x3  }
0x37: {  	[smem:$0x3FB6] =	sst s10  }
0x38: {  	s10 =	sld [smem:$0x3FB7]  }
0x39: {  	_ = 	snop;
	(pc) =	sbr.ind lr, $3  }
0x3a: {  	_ = 	snop  }
0x3b: {  	_ = 	snop  }
0x3c: {  	p2 =	seq.s32 s10, $0x1;
	s10 =	sld [smem:$0x3FB6]  }
0x3d: {  	_ =	shalt  }
0x3e: {  	_ =	shalt  }
0x3f: {  	_ =	shalt  }
0x40: {  	_ =	shalt  }
0x41: {  	_ =	shalt  }
0x42: {  	_ =	shalt  }
0x43: {  	_ =	shalt  }
0x44: {  	_ =	shalt  }
0x45: {  	_ =	shalt  }
0x46: {  	_ =	shalt  }
0x47: {  	_ =	shalt  }
0x48: {  	_ =	shalt  }
0x49: {  	_ =	shalt  }
0x4a: {  	_ =	shalt  }
0x4b: {  	_ =	shalt  }
0x4c: {  	_ =	shalt  }
0x4d: {  	_ =	shalt  }
0x4e: {  	_ =	shalt  }
0x4f: {  	_ =	shalt  }
0x50: {  	_ =	shalt  }
0x51: {  	_ =	shalt  }
0x52: {  	_ =	shalt  }
0x53: {  	_ =	shalt  }
0x54: {  	_ =	shalt  }
0x55: {  	_ =	shalt  }
0x56: {  	_ =	shalt  }
0x57: {  	_ =	shalt  }
0x58: {  	_ =	shalt  }
0x59: {  	_ =	shalt  }
0x5a: {  	_ =	shalt  }
0x5b: {  	_ =	shalt  }
0x5c: {  	_ =	shalt  }
0x5d: {  	_ =	shalt  }
0x5e: {  	_ =	shalt  }
0x5f: {  	_ =	shalt  }
0x60: {  	_ =	shalt  }
0x61: {  	_ =	shalt  }
0x62: {  	_ =	shalt  }
0x63: {  	_ =	shalt  }
0x64: {  	_ =	shalt  }
0x65: {  	_ =	shalt  }
0x66: {  	_ =	shalt  }
0x67: {  	_ =	shalt  }
0x68: {  	_ =	shalt  }
0x69: {  	_ =	shalt  }
0x6a: {  	_ =	shalt  }
0x6b: {  	_ =	shalt  }
0x6c: {  	_ =	shalt  }
0x6d: {  	_ =	shalt  }
0x6e: {  	_ =	shalt  }
0x6f: {  	_ =	shalt  }
0x70: {  	_ =	shalt  }
0x71: {  	_ =	shalt  }
0x72: {  	_ =	shalt  }
0x73: {  	_ =	shalt  }
0x74: {  	_ =	shalt  }
0x75: {  	_ =	shalt  }
0x76: {  	_ =	shalt  }
0x77: {  	_ =	shalt  }
0x78: {  	_ =	shalt  }
0x79: {  	_ =	shalt  }
0x7a: {  	_ =	shalt  }
0x7b: {  	_ =	shalt  }
0x7c: {  	_ =	shalt  }
0x7d: {  	_ =	shalt  }
0x7e: {  	_ =	shalt  }
0x7f: {  	_ =	shalt  }
0x80: {  	_ =	shalt  }
0x81: {  	_ =	shalt  }
0x82: {  	_ =	shalt  }
0x83: {  	_ =	shalt  }
0x84: {  	_ =	shalt  }
0x85: {  	_ =	shalt  }
0x86: {  	_ =	shalt  }
0x87: {  	_ =	shalt  }
.Lfunc_end0:
.L_simem_size_0:
called_computation.1_lowered:
.L_overlay_start_0:
0x88: {  	s2 =	sld [smem:$0x3FD9]  }
0x89: {  	s3 =	sld [smem:$0x3FFE];
	_ =	sdelay $0x1  }
0x8a: {  	s1 =	srdreg.scid  }
0x8b: {  	s0 =	sand.u32 $0x1, s1  }
0x8c: {  	s17 =	sshll.u32 s0, $0xA;
	s2 =	sadd.s32 s3, s2  }
0x8d: {  	s2 =	sadd.s32 s2, s17  }
0x8e: {  	[smem:$0x3FC2] =	sst s2  }
0x8f: {  	_ = 	snop  }
0x90: {  	s2 =	sld [smem:$0x3FD0];
	(tm) =	ssettm $0x1  }
0x91: {  	s18 =	sld [smem:$0x3FFB];
	_ =	sdelay $0x3  }
0x92: {  	_ =	strace s18  }
0x93: {  	s3 =	sld [smem:$0x3FFC];
	_ =	sdelay $0x3  }
0x94: {  	_ =	strace s3  }
0x95: {  	s3 =	sld [smem:$0x3FFD];
	_ =	sdelay $0x3  }
0x96: {  	_ =	strace s3  }
0x97: {  	_ =	strace $0x8FFFFFFF  }
0x98: {  	s19 =	sld [smem:$0x3FDB];
	_ =	sdelay $0x1  }
0x99: {  	s4 =	simm.s32 $_scs_section_size  }
0x9a: {  	s5 =	simm.s32 $_size__tile_overlayer_lowered;
	s6 =	simm.s32 $_tile_overlayer_lowered  }
0x9b: {  	s22 =	simm.s32 $0x1BFF;
	s21 =	sshll.u32 s6, $0x1;
	s3 =	sadd.s32 s4, s19  }
0x9c: {  	s7 =	simm.s32 $0x0;
	s20 =	sshll.u32 s5, $0x1;
	s5 =	sadd.s32 s21, s3  }
0x9d: {  	[timem:s7], [sflag:s22] =	dma.local [hbm:s5], s20  }
0x9e: {  	_ =	swait.ge [sflag:s22], s20  }
0x9f: {  	s4 =	ssub.s32 $0x0, s20;
	[sflag:s22] =	ssyncset.done $0x0  }
0xa0: {  	[sflag:s22] =	ssyncadd.s32 s4;
	_ =	sdelay $0x1  }
0xa1: {  	s23 =	simm.s32 $0x1B8B  }
0xa2: {  	_ =	swait.ge [sflag:s23], $0x1  }
0xa3: {  	[sflag:s23] =	ssyncset.done $0x0  }
0xa4: {  	s25 =	simm.s32 $0x1B8E;
	s24 =	sld [smem:$0x3FFE];
	[sflag:s23] =	ssyncadd.s32 $0xFFFFFFFF  }
0xa5: {  	s26 =	simm.s32 $execute0_lowered;
	[smem:$0x3FD2] =	sst s25  }
0xa6: {  	s5 =	sshll.u32 s26, $0x1;
	_ =	strace $0x80000049;
	[dreg:$0x1] =	wrdreg $0xFFFFFFFF  }
0xa7: {  	s28 =	simm.s32 $_size_execute0_lowered;
	s3 =	sadd.s32 s3, s5;
	[dreg:$0x0] =	wrdreg $0x0  }
0xa8: {  	s5 =	sshll.u32 s28, $0x1;
	[dreg:$0x2] =	wrdreg s3  }
0xa9: {  	[dreg:$0x3] =	wrdreg s5  }
0xaa: {  	[dreg:$0x4] =	wrdreg $0xC0  }
0xab: {  	_ =	task [dreg:s7], $0x5FFFF  }
0xac: {  	[dreg:$0x1] =	wrdreg $0xFFFFFFFF  }
0xad: {  	[dreg:$0x0] =	wrdreg $0x60  }
0xae: {  	[dreg:$0x2] =	wrdreg s2  }
0xaf: {  	[dreg:$0x3] =	wrdreg s24  }
0xb0: {  	[dreg:$0x4] =	wrdreg $0xB9800  }
0xb1: {  	[dreg:$0x5] =	wrdreg $0x9  }
0xb2: {  	_ =	task.clear_ibuf [dreg:s7], $0x6FFFF;
	_ =	strace $0x90000049  }
0xb3: {  	s29 =	simm.s32 $0x9;
	_ =	strace $0x8000004B  }
0xb4: {  	_ =	swait.ge [sflag:s29], $0x1  }
0xb5: {  	[sflag:s29] =	ssyncadd.s32 $0xFFFFFFFF  }
0xb6: {  	_ =	strace $0x9000004B  }
0xb7: {  	_ =	sfence  }
0xb8: {  	s30 =	sld [smem:$0x0];
	_ =	sdelay $0x2  }
0xb9: {  	s31 =	sshll.u32 s1, $0xD;
	s1 =	sshrl.u32 s1, $0x2  }
0xba: {  	s3 =	sand.u32 $0x4000, s31;
	s1 =	sadd.s32 s1, s30  }
0xbb: {  	s0 =	sor.u32 s3, s0;
	s1 =	sshll.u32 s1, $0x11  }
0xbc: {  	s0 =	sor.u32 s1, s0  }
0xbd: {  	s0 =	sadd.s32 $0x8F2B, s0  }
0xbe: {  	[sflag:s0] =	ssyncadd.remote.s32 $0x1  }
0xbf: {  	_ =	sfence.sel $0xFFFF  }
0xc0: {  	[dreg:$0x0] =	wrdreg $0xFFFFFFFF;
	(pc) =	sbr.abs _section_cstart, $3  }
0xc1: {  	[dreg:$0x1] =	wrdreg $0xFFFFFFFF  }
0xc2: {  	_ =	task.clear_ibuf [dreg:s7], $0x2FFFF;
	_ =	strace $0x9FFFFFFF  }
0xc3: {  	(tm) =	ssettm $0x7FFFFFFF  }
tec
execute0_lowered:
.L_overlay_start_1:
0x0: {  	(tag) =	ssettag $0x1  }
0x1: {  	s1 =	rddreg [dreg:$0x0]  }
0x2: {  	s0 =	rddreg [dreg:$0x1]  }
0x3: {  	s2 =	rddreg [dreg:$0x2];
	s3 =	srdreg.scid  }
0x4: {  	s4 =	simm.s32 $0x0;
	s11 =	stileid.u32;
	s28 =	simm.s32 $0x7  }
0x5: {  	s29 =	simm.s32 $0x4180;
	s30 =	simm.s32 $0x4000;
	s9 =	smul.u32 $0x4E000, s11  }
0x6: {  	s31 =	simm.s32 $0x50;
	s3 =	sand.u32 $0x1, s3;
	s15 =	smul.u32 $0x2700, s11  }
0x7: {  	[smem:$0x7FF] =	sst s4;
	s17 =	smul.u32 $0x2710, s11;
	p0 =	sne.s32 s11, $0xF  }
0x8: {  	s5 =	sshll.u32 s3, $0x4;
	_ =	strace $0x8000004A;
	s7 =	smul.u32 $0x27100, s3  }
0x9: {  	s3 =	ssub.s32 $0x2, s3;
	s6 =	sor.u32 s11, s5;
	s5 =	sadd.s32 $0x2800, s0  }
0xa: {  	s26 =	sshrl.u32 s3, $0x1;
	s9 =	sshrl.u32 s9, $0x2;
	s11 =	simm.s32 $0x1  }
0xb: {  	s8 =	sshll.u32 s6, $0xB;
	s10 =	smul.u32 $0x2710, s6;
	s6 =	sadd.s32 s9, s2  }
0xc: {  	s3 =	ssub.s32 s3, s26;
	s8 =	sadd.s32 s8, s0;
	s13 =	sadd.s32 $0x11800, s6  }
0xd: {  	s0 =	sadd.s32 s7, s0;
	s3 =	smax.u32 s3, $0x1;
	[dreg:$0x5] =	wrdreg s13  }
0xe: {  	s18 =	sadd.s32 $0x2800, s6;
	s19 =	sadd.s32 $0x5000, s6;
	[dreg:$0x9] =	wrdreg s3  }
0xf: {  	s20 =	sadd.s32 $0x7800, s6;
	s21 =	sadd.s32 $0xA000, s6;
	[dreg:$0xa] =	wrdreg s18  }
0x10: {  	s22 =	sadd.s32 $0xC800, s6;
	s12 =	sshrl.u32 s10, $0x3;
	[dreg:$0xb] =	wrdreg s19  }
0x11: {  	s8 =	sadd.s32 $0xC600, s8;
	s10 =	sadd.s32 $0x138000, s2;
	[dreg:$0xc] =	wrdreg s20  }
0x12: {  	s16 =	sadd.s32 $0x6A800, s0;
	[dreg:$0xd] =	wrdreg s21;
	s0 =	sadd.s32 s17, s7  }
0x13: {  	[dreg:$0xe] =	wrdreg s22;
	s13 =	sadd.s32 $0xF000, s6;
	s17 =	simm.s32 $0x6  }
0x14: {  	s18 =	simm.s32 $0x0;
	[dreg:$0x4] =	wrdreg s8;
	s9 =	sadd.s32 s5, s12  }
0x15: {  	s23 =	sadd.s32 $0x190, s0;
	s7 =	sadd.s32 $0x140, s0;
	[dreg:$0xf] =	wrdreg s13  }
0x16: {  	[dreg:$0x8] =	wrdreg s16;
	s25 =	sadd.s32 s15, s16;
	s8 =	simm.s32 $0x9180  }
0x17: {  	s15 =	simm.s32 $0x5;
	s14 =	sadd.s32 $0xA, s9;
	[dreg:$0x11] =	wrdreg s25  }
0x18: {  	s16 =	simm.s32 $0x3;
	s12 =	sadd.s32 $0x14, s9;
	[dreg:$0x6] =	wrdreg s14  }
0x19: {  	s3 =	sshrl.u32 s23, $0x3;
	s24 =	sadd.s32 $0x4CE, s9;
	[dreg:$0x7] =	wrdreg s12  }
0x1a: {  	s7 =	sshrl.u32 s7, $0x3;
	s26 =	sadd.s32 $0x4D8, s9;
	[dreg:$0x10] =	wrdreg s24  }
0x1b: {  	s22 =	sadd.s32 s3, s5;
	s23 =	sadd.s32 s7, s5;
	s24 =	sadd.s32 $0xF0, s0  }
0x1c: {  	[dreg:$0x12] =	wrdreg s26;
	s0 =	simm.s32 $0x4080;
	s3 =	simm.s32 $0x6980  }
0x1d: {  	v0 =	vimm.f32 $0.0e+00;
	s7 =	simm.s32 $0x4100;
	s12 =	simm.s32 $0x4;
	s14 =	simm.s32 $0x2  }
.LBB2_1:
0x1e: {  	s13 =	rddreg [dreg:$0x4]  }
0x1f: {  	[tilespmem:s4], [sflag:$0x7] =	stream.linear.gather [hbm4b:s13+s4], $0x3E80, $0x38;
	[tilespmem:$0x1F200] =	vst v63  }
0x20: {  	_ =	swait.ge [sflag:s28], $0x3E80  }
0x21: {  	[sflag:s28] =	ssyncset.done $0x0  }
0x22: {  	s19 =	simm.s32 $0x3C0;
	s13 =	simm.s32 $0x70;
	[sflag:s28] =	ssyncadd.s32 $0xFFFFC180  }
.LBB2_2:
0x23: {  	p1 =	sne.s32 s19, $0x9FC0;
	[tilespmem:s13+$0x4180] =	vst v0  }
0x24: {  	[tilespmem:s13+$0x4110] =	vst v0  }
0x25: {  	[tilespmem:s13+$0x4120] =	vst v0  }
.Ltmp0:
0x26: {  	[tilespmem:s13+$0x4130] =	vst v0;
	(pc) =	sbr.rel @p1 .LBB2_2-.Ltmp0, $4  }
0x27: {  	[tilespmem:s13+$0x4140] =	vst v0  }
0x28: {  	[tilespmem:s13+$0x4150] =	vst v0  }
0x29: {  	[tilespmem:s13+$0x4160] =	vst v0  }
0x2a: {  	[tilespmem:s13+$0x4170] =	vst v0;
	s13 =	sshra.s32 s19, $0x2;
	s19 =	sadd.s32 $0x200, s19  }
0x2b: {  	[tilespmem:s13+$0x4180] =	vst v0  }
0x2c: {  	[tilespmem:s13+$0x4110] =	vst v0  }
0x2d: {  	[tilespmem:s13+$0x4120] =	vst v0  }
0x2e: {  	[tilespmem:s13+$0x4130] =	vst v0  }
0x2f: {  	[tilespmem:s13+$0x4140] =	vst v0  }
0x30: {  	[tilespmem:s13+$0x4150] =	vst v0  }
0x31: {  	[tilespmem:s13+$0x4160] =	vst v0  }
0x32: {  	[tilespmem:s13+$0x4170] =	vst v0  }
0x33: {  	[spmem:s6] =	stream.linear.scatter [tilespmem:s29], [sflag:$0x7], $0x2800, $0x38;
	[tilespmem:$0x1F200] =	vst v63  }
0x34: {  	_ =	swait.ge [sflag:s28], $0x2800  }
0x35: {  	[sflag:s28] =	ssyncset.done $0x0  }
0x36: {  	s20 =	rddreg [dreg:$0xa];
	[sflag:s28] =	ssyncadd.s32 $0xFFFFD800  }
0x37: {  	[spmem:s20] =	stream.linear.scatter [tilespmem:s29], [sflag:$0x7], $0x2800, $0x38;
	[tilespmem:$0x1F200] =	vst v63  }
0x38: {  	_ =	swait.ge [sflag:s28], $0x2800  }
0x39: {  	[sflag:s28] =	ssyncset.done $0x0  }
0x3a: {  	s21 =	rddreg [dreg:$0xb];
	[sflag:s28] =	ssyncadd.s32 $0xFFFFD800  }
0x3b: {  	[spmem:s21] =	stream.linear.scatter [tilespmem:s29], [sflag:$0x7], $0x2800, $0x38;
	[tilespmem:$0x1F200] =	vst v63  }
0x3c: {  	_ =	swait.ge [sflag:s28], $0x2800  }
0x3d: {  	[sflag:s28] =	ssyncset.done $0x0  }
0x3e: {  	s25 =	rddreg [dreg:$0xc];
	[sflag:s28] =	ssyncadd.s32 $0xFFFFD800  }
0x3f: {  	[spmem:s25] =	stream.linear.scatter [tilespmem:s29], [sflag:$0x7], $0x2800, $0x38;
	[tilespmem:$0x1F200] =	vst v63  }
0x40: {  	_ =	swait.ge [sflag:s28], $0x2800  }
0x41: {  	[sflag:s28] =	ssyncset.done $0x0  }
0x42: {  	s26 =	rddreg [dreg:$0xd];
	[sflag:s28] =	ssyncadd.s32 $0xFFFFD800  }
0x43: {  	[spmem:s26] =	stream.linear.scatter [tilespmem:s29], [sflag:$0x7], $0x2800, $0x38;
	[tilespmem:$0x1F200] =	vst v63  }
0x44: {  	_ =	swait.ge [sflag:s28], $0x2800  }
0x45: {  	[sflag:s28] =	ssyncset.done $0x0  }
0x46: {  	s19 =	rddreg [dreg:$0xe];
	[sflag:s28] =	ssyncadd.s32 $0xFFFFD800  }
0x47: {  	[spmem:s19] =	stream.linear.scatter [tilespmem:s29], [sflag:$0x7], $0x2800, $0x38;
	[tilespmem:$0x1F200] =	vst v63  }
0x48: {  	_ =	swait.ge [sflag:s28], $0x2800  }
0x49: {  	[sflag:s28] =	ssyncset.done $0x0  }
0x4a: {  	s20 =	rddreg [dreg:$0xf];
	[sflag:s28] =	ssyncadd.s32 $0xFFFFD800  }
0x4b: {  	[spmem:s20] =	stream.linear.scatter [tilespmem:s29], [sflag:$0x7], $0x2800, $0x38;
	[tilespmem:$0x1F200] =	vst v63  }
0x4c: {  	_ =	swait.ge [sflag:s28], $0x2800  }
0x4d: {  	[sflag:s28] =	ssyncset.done $0x0  }
0x4e: {  	s21 =	rddreg [dreg:$0x5];
	[sflag:s28] =	ssyncadd.s32 $0xFFFFD800  }
0x4f: {  	[spmem:s21] =	stream.linear.scatter [tilespmem:s29], [sflag:$0x7], $0x2000, $0x38;
	[tilespmem:$0x1F200] =	vst v63  }
0x50: {  	_ =	swait.ge [sflag:s28], $0x2000  }
0x51: {  	[sflag:s28] =	ssyncset.done $0x0  }
0x52: {  	s13 =	simm.s32 @!p0 $0x4180;
	[sflag:s28] =	ssyncadd.s32 $0xFFFFE000  }
0x53: {  	[spmem:s10] =	stream.linear.scatter @!p0 [tilespmem:s13], [sflag:$0x7], $0x800, $0x38;
	[tilespmem:$0x1F200] =	vst v63  }
0x54: {  	s13 =	simm.s32 @!p0 $0x7  }
0x55: {  	_ =	swait.ge @!p0 [sflag:s13], $0x800  }
0x56: {  	[sflag:s13] =	ssyncset.done @!p0 $0x0  }
0x57: {  	[sflag:s13] =	ssyncadd.s32 @!p0 $0xFFFFF800  }
0x58: {  	s25 =	simm.s32 $0x0;
	[bflag:$0x0] =	sbarrier.arrive $0xFFFF  }
0x59: {  	[tilespmem:s30], [sflag:$0x7] =	stream.linear.gather [hbm4b:s9+s25], $0x50, $0x38;
	[tilespmem:$0x1F200] =	vst v63  }
0x5a: {  	_ =	swait.ge [sflag:s28], $0x50  }
0x5b: {  	[sflag:s28] =	ssyncset.done $0x0  }
0x5c: {  	[sflag:s28] =	ssyncadd.s32 $0xFFFFFFB0  }
0x5d: {  	[tilespmem:s29], [sflag:$0x1] =	stream.indirect.gather [hbm4b:s1+s31], $0x80, s30, s31, $0xb8;
	[tilespmem:$0x1F200] =	vst v63  }
0x5e: {  	s19 =	rddreg [dreg:$0x6]  }
0x5f: {  	[tilespmem:s0], [sflag:$0x7] =	stream.linear.gather [hbm4b:s19+s25], $0x50, $0x38;
	[tilespmem:$0x1F200] =	vst v63  }
0x60: {  	_ =	swait.ge [sflag:s28], $0x50  }
0x61: {  	[sflag:s28] =	ssyncset.done $0x0  }
0x62: {  	[sflag:s28] =	ssyncadd.s32 $0xFFFFFFB0  }
0x63: {  	[tilespmem:s3], [sflag:$0x2] =	stream.indirect.gather [hbm4b:s1+s31], $0x80, s0, s31, $0xb8;
	[tilespmem:$0x1F200] =	vst v63  }
0x64: {  	s26 =	rddreg [dreg:$0x7]  }
0x65: {  	[tilespmem:s7], [sflag:$0x7] =	stream.linear.gather [hbm4b:s26+s25], $0x50, $0x38;
	[tilespmem:$0x1F200] =	vst v63  }
0x66: {  	_ =	swait.ge [sflag:s28], $0x50  }
0x67: {  	[sflag:s28] =	ssyncset.done $0x0  }
0x68: {  	[sflag:s28] =	ssyncadd.s32 $0xFFFFFFB0  }
0x69: {  	[tilespmem:s8], [sflag:$0x3] =	stream.indirect.gather [hbm4b:s1+s31], $0x80, s7, s31, $0xb8;
	[tilespmem:$0x1F200] =	vst v63  }
0x6a: {  	_ =	swait.ge [sflag:s11], $0x2800  }
0x6b: {  	[sflag:s11] =	ssyncset.done $0x0  }
0x6c: {  	s20 =	sshrl.u32 s24, $0x3;
	s19 =	simm.s32 $0x0;
	[sflag:s11] =	ssyncadd.s32 $0xFFFFD800  }
0x6d: {  	[spmem:s2] =	stream.indirect.scatter.add.f32 [tilespmem:s29], [sflag:$0x4], $0x80, s19, s31, $0xb8;
	[tilespmem:$0x1F200] =	vst v63  }
0x6e: {  	s21 =	sadd.s32 s5, s20  }
0x6f: {  	[tilespmem:s30], [sflag:$0x7] =	stream.linear.gather [hbm4b:s21+s4], $0x50, $0x38;
	[tilespmem:$0x1F200] =	vst v63  }
0x70: {  	_ =	swait.ge [sflag:s28], $0x50  }
0x71: {  	[sflag:s28] =	ssyncset.done $0x0  }
0x72: {  	[sflag:s28] =	ssyncadd.s32 $0xFFFFFFB0  }
0x73: {  	_ =	swait.ge [sflag:s12], $0x2800  }
0x74: {  	[sflag:s12] =	ssyncset.done $0x0  }
0x75: {  	[sflag:s12] =	ssyncadd.s32 $0xFFFFD800  }
0x76: {  	[tilespmem:s29], [sflag:$0x1] =	stream.indirect.gather [hbm4b:s1+s31], $0x80, s30, s31, $0xb8;
	[tilespmem:$0x1F200] =	vst v63  }
0x77: {  	_ =	swait.ge [sflag:s14], $0x2800  }
0x78: {  	[sflag:s14] =	ssyncset.done $0x0  }
0x79: {  	s25 =	simm.s32 $0x80;
	[sflag:s14] =	ssyncadd.s32 $0xFFFFD800  }
0x7a: {  	[spmem:s2] =	stream.indirect.scatter.add.f32 [tilespmem:s3], [sflag:$0x5], $0x80, s25, s31, $0xb8;
	[tilespmem:$0x1F200] =	vst v63  }
0x7b: {  	_ = 	snop  }
0x7c: {  	[tilespmem:s0], [sflag:$0x7] =	stream.linear.gather [hbm4b:s23+s4], $0x50, $0x38;
	[tilespmem:$0x1F200] =	vst v63  }
0x7d: {  	_ =	swait.ge [sflag:s28], $0x50  }
0x7e: {  	[sflag:s28] =	ssyncset.done $0x0  }
0x7f: {  	[sflag:s28] =	ssyncadd.s32 $0xFFFFFFB0  }
0x80: {  	_ =	swait.ge [sflag:s15], $0x2800  }
0x81: {  	[sflag:s15] =	ssyncset.done $0x0  }
0x82: {  	[sflag:s15] =	ssyncadd.s32 $0xFFFFD800  }
0x83: {  	[tilespmem:s3], [sflag:$0x2] =	stream.indirect.gather [hbm4b:s1+s31], $0x80, s0, s31, $0xb8;
	[tilespmem:$0x1F200] =	vst v63  }
0x84: {  	_ =	swait.ge [sflag:s16], $0x2800  }
0x85: {  	[sflag:s16] =	ssyncset.done $0x0  }
0x86: {  	s26 =	simm.s32 $0x100;
	[sflag:s16] =	ssyncadd.s32 $0xFFFFD800  }
0x87: {  	[spmem:s2] =	stream.indirect.scatter.add.f32 [tilespmem:s8], [sflag:$0x6], $0x80, s26, s31, $0xb8;
	[tilespmem:$0x1F200] =	vst v63  }
0x88: {  	_ = 	snop  }
0x89: {  	[tilespmem:s7], [sflag:$0x7] =	stream.linear.gather [hbm4b:s22+s4], $0x50, $0x38;
	[tilespmem:$0x1F200] =	vst v63  }
0x8a: {  	_ =	swait.ge [sflag:s28], $0x50  }
0x8b: {  	[sflag:s28] =	ssyncset.done $0x0  }
0x8c: {  	[sflag:s28] =	ssyncadd.s32 $0xFFFFFFB0  }
0x8d: {  	_ =	swait.ge [sflag:s17], $0x2800  }
0x8e: {  	s20 =	sadd.s32 $0x1E, s22;
	s13 =	sadd.s32 $0xF0, s24;
	[sflag:s17] =	ssyncset.done $0x0  }
0x8f: {  	s19 =	simm.s32 $0x600;
	s21 =	sadd.s32 $0x1E, s23;
	[sflag:s17] =	ssyncadd.s32 $0xFFFFD800  }
.LBB2_4:
0x90: {  	[tilespmem:s8], [sflag:$0x3] =	stream.indirect.gather [hbm4b:s1+s31], $0x80, s7, s31, $0xb8;
	[tilespmem:$0x1F200] =	vst v63  }
0x91: {  	s25 =	smov.u32 s19  }
0x92: {  	p1 =	sne.s32 s19, $0xEA00;
	s19 =	sadd.s32 $0x600, s19;
	_ =	swait.ge [sflag:s11], $0x2800  }
0x93: {  	[sflag:s11] =	ssyncset.done $0x0  }
0x94: {  	s26 =	sshrl.u32 s13, $0x3;
	s25 =	sshra.s32 s25, $0x2;
	[sflag:s11] =	ssyncadd.s32 $0xFFFFD800  }
0x95: {  	[spmem:s2] =	stream.indirect.scatter.add.f32 [tilespmem:s29], [sflag:$0x4], $0x80, s25, s31, $0xb8;
	[tilespmem:$0x1F200] =	vst v63  }
0x96: {  	s26 =	sadd.s32 s5, s26  }
0x97: {  	[tilespmem:s30], [sflag:$0x7] =	stream.linear.gather [hbm4b:s26+s4], $0x50, $0x38;
	[tilespmem:$0x1F200] =	vst v63  }
0x98: {  	_ =	swait.ge [sflag:s28], $0x50  }
0x99: {  	[sflag:s28] =	ssyncset.done $0x0  }
0x9a: {  	[sflag:s28] =	ssyncadd.s32 $0xFFFFFFB0  }
0x9b: {  	_ =	swait.ge [sflag:s12], $0x2800  }
0x9c: {  	[sflag:s12] =	ssyncset.done $0x0  }
0x9d: {  	[sflag:s12] =	ssyncadd.s32 $0xFFFFD800  }
0x9e: {  	[tilespmem:s29], [sflag:$0x1] =	stream.indirect.gather [hbm4b:s1+s31], $0x80, s30, s31, $0xb8;
	[tilespmem:$0x1F200] =	vst v63  }
0x9f: {  	_ =	swait.ge [sflag:s14], $0x2800  }
0xa0: {  	[sflag:s14] =	ssyncset.done $0x0  }
0xa1: {  	s26 =	sadd.s32 $0x80, s25;
	[sflag:s14] =	ssyncadd.s32 $0xFFFFD800  }
0xa2: {  	[spmem:s2] =	stream.indirect.scatter.add.f32 [tilespmem:s3], [sflag:$0x5], $0x80, s26, s31, $0xb8;
	[tilespmem:$0x1F200] =	vst v63  }
0xa3: {  	_ = 	snop  }
0xa4: {  	[tilespmem:s0], [sflag:$0x7] =	stream.linear.gather [hbm4b:s21+s4], $0x50, $0x38;
	[tilespmem:$0x1F200] =	vst v63  }
0xa5: {  	_ =	swait.ge [sflag:s28], $0x50  }
0xa6: {  	[sflag:s28] =	ssyncset.done $0x0  }
0xa7: {  	[sflag:s28] =	ssyncadd.s32 $0xFFFFFFB0  }
0xa8: {  	_ =	swait.ge [sflag:s15], $0x2800  }
0xa9: {  	[sflag:s15] =	ssyncset.done $0x0  }
0xaa: {  	[sflag:s15] =	ssyncadd.s32 $0xFFFFD800  }
0xab: {  	[tilespmem:s3], [sflag:$0x2] =	stream.indirect.gather [hbm4b:s1+s31], $0x80, s0, s31, $0xb8;
	[tilespmem:$0x1F200] =	vst v63  }
0xac: {  	_ =	swait.ge [sflag:s16], $0x2800  }
0xad: {  	[sflag:s16] =	ssyncset.done $0x0  }
0xae: {  	s25 =	sadd.s32 $0x100, s25;
	[sflag:s16] =	ssyncadd.s32 $0xFFFFD800  }
0xaf: {  	[spmem:s2] =	stream.indirect.scatter.add.f32 [tilespmem:s8], [sflag:$0x6], $0x80, s25, s31, $0xb8;
	[tilespmem:$0x1F200] =	vst v63  }
0xb0: {  	_ = 	snop  }
0xb1: {  	[tilespmem:s7], [sflag:$0x7] =	stream.linear.gather [hbm4b:s20+s4], $0x50, $0x38;
	[tilespmem:$0x1F200] =	vst v63  }
0xb2: {  	_ =	swait.ge [sflag:s28], $0x50  }
.Ltmp1:
0xb3: {  	[sflag:s28] =	ssyncset.done $0x0;
	(pc) =	sbr.rel @p1 .LBB2_4-.Ltmp1, $4  }
0xb4: {  	[sflag:s28] =	ssyncadd.s32 $0xFFFFFFB0  }
0xb5: {  	_ =	swait.ge [sflag:s17], $0x2800  }
0xb6: {  	s13 =	sadd.s32 $0xF0, s13;
	[sflag:s17] =	ssyncset.done $0x0  }
0xb7: {  	s21 =	sadd.s32 $0x1E, s21;
	s20 =	sadd.s32 $0x1E, s20;
	[sflag:s17] =	ssyncadd.s32 $0xFFFFD800  }
0xb8: {  	[tilespmem:s8], [sflag:$0x3] =	stream.indirect.gather [hbm4b:s1+s31], $0x80, s7, s31, $0xb8;
	[tilespmem:$0x1F200] =	vst v63  }
0xb9: {  	_ =	swait.ge [sflag:s11], $0x2800  }
0xba: {  	[sflag:s11] =	ssyncset.done $0x0  }
0xbb: {  	s13 =	simm.s32 $0x3C00;
	[sflag:s11] =	ssyncadd.s32 $0xFFFFD800  }
0xbc: {  	[spmem:s2] =	stream.indirect.scatter.add.f32 [tilespmem:s29], [sflag:$0x4], $0x80, s13, s31, $0xb8;
	[tilespmem:$0x1F200] =	vst v63  }
0xbd: {  	s21 =	rddreg [dreg:$0x10]  }
0xbe: {  	[tilespmem:s30], [sflag:$0x7] =	stream.linear.gather [hbm4b:s21+s4], $0x50, $0x38;
	[tilespmem:$0x1F200] =	vst v63  }
0xbf: {  	_ =	swait.ge [sflag:s28], $0x50  }
0xc0: {  	[sflag:s28] =	ssyncset.done $0x0  }
0xc1: {  	[sflag:s28] =	ssyncadd.s32 $0xFFFFFFB0  }
0xc2: {  	_ =	swait.ge [sflag:s12], $0x2800  }
0xc3: {  	[sflag:s12] =	ssyncset.done $0x0  }
0xc4: {  	[sflag:s12] =	ssyncadd.s32 $0xFFFFD800  }
0xc5: {  	[tilespmem:s29], [sflag:$0x1] =	stream.indirect.gather [hbm4b:s1+s31], $0x80, s30, s31, $0xb8;
	[tilespmem:$0x1F200] =	vst v63  }
0xc6: {  	_ =	swait.ge [sflag:s14], $0x2800  }
0xc7: {  	[sflag:s14] =	ssyncset.done $0x0  }
0xc8: {  	s25 =	simm.s32 $0x3C80;
	[sflag:s14] =	ssyncadd.s32 $0xFFFFD800  }
0xc9: {  	[spmem:s2] =	stream.indirect.scatter.add.f32 [tilespmem:s3], [sflag:$0x5], $0x80, s25, s31, $0xb8;
	[tilespmem:$0x1F200] =	vst v63  }
0xca: {  	s26 =	rddreg [dreg:$0x12]  }
0xcb: {  	[tilespmem:s0], [sflag:$0x7] =	stream.linear.gather [hbm4b:s26+s4], $0x50, $0x38;
	[tilespmem:$0x1F200] =	vst v63  }
0xcc: {  	_ =	swait.ge [sflag:s28], $0x50  }
0xcd: {  	[sflag:s28] =	ssyncset.done $0x0  }
0xce: {  	[sflag:s28] =	ssyncadd.s32 $0xFFFFFFB0  }
0xcf: {  	_ =	swait.ge [sflag:s15], $0x2800  }
0xd0: {  	[sflag:s15] =	ssyncset.done $0x0  }
0xd1: {  	[sflag:s15] =	ssyncadd.s32 $0xFFFFD800  }
0xd2: {  	[tilespmem:s3], [sflag:$0x2] =	stream.indirect.gather [hbm4b:s1+s31], $0x80, s0, s31, $0xb8;
	[tilespmem:$0x1F200] =	vst v63  }
0xd3: {  	_ =	swait.ge [sflag:s16], $0x2800  }
0xd4: {  	[sflag:s16] =	ssyncset.done $0x0  }
0xd5: {  	s19 =	simm.s32 $0x3D00;
	[sflag:s16] =	ssyncadd.s32 $0xFFFFD800  }
0xd6: {  	[spmem:s2] =	stream.indirect.scatter.add.f32 [tilespmem:s8], [sflag:$0x6], $0x80, s19, s31, $0xb8;
	[tilespmem:$0x1F200] =	vst v63  }
0xd7: {  	_ =	swait.ge [sflag:s17], $0x2800  }
0xd8: {  	[sflag:s17] =	ssyncset.done $0x0  }
0xd9: {  	[sflag:s17] =	ssyncadd.s32 $0xFFFFD800  }
0xda: {  	_ =	swait.ge [sflag:s11], $0x2800  }
0xdb: {  	[sflag:s11] =	ssyncset.done $0x0  }
0xdc: {  	s20 =	simm.s32 $0x3D80;
	[sflag:s11] =	ssyncadd.s32 $0xFFFFD800  }
0xdd: {  	[spmem:s2] =	stream.indirect.scatter.add.f32 [tilespmem:s29], [sflag:$0x7], $0x80, s20, s31, $0xb8;
	[tilespmem:$0x1F200] =	vst v63  }
0xde: {  	_ =	swait.ge [sflag:s28], $0x2800  }
0xdf: {  	[sflag:s28] =	ssyncset.done $0x0  }
0xe0: {  	[sflag:s28] =	ssyncadd.s32 $0xFFFFD800  }
0xe1: {  	_ =	swait.ge [sflag:s14], $0x2800  }
0xe2: {  	[sflag:s14] =	ssyncset.done $0x0  }
0xe3: {  	s21 =	simm.s32 $0x3E00;
	[sflag:s14] =	ssyncadd.s32 $0xFFFFD800  }
0xe4: {  	[spmem:s2] =	stream.indirect.scatter.add.f32 [tilespmem:s3], [sflag:$0x7], $0x80, s21, s31, $0xb8;
	[tilespmem:$0x1F200] =	vst v63  }
0xe5: {  	_ =	swait.ge [sflag:s28], $0x2800  }
0xe6: {  	[sflag:s28] =	ssyncset.done $0x0  }
0xe7: {  	s25 =	stileid.u32;
	[sflag:s28] =	ssyncadd.s32 $0xFFFFD800  }
0xe8: {  	s13 =	sshll.u32 s25, $0x6;
	[bflag:$0x0] =	sbarrier.arrive $0xFFFF  }
0xe9: {  	s13 =	sor.u32 $0x1C07, s13;
	s19 =	sshrl.u32 s6, $0x3;
	s20 =	rddreg [dreg:$0x11]  }
0xea: {  	[hbm:s20], [sflag:s13] =	dma.local [spmem:s19], $0x2700  }
0xeb: {  	_ =	swait.ge [sflag:s28], $0x2700  }
0xec: {  	[sflag:s28] =	ssyncset.done $0x0;
	s19 =	rddreg [dreg:$0x8]  }
0xed: {  	s20 =	sshrl.u32 @!p0 s10, $0x3;
	[sflag:s28] =	ssyncadd.s32 $0xFFFFD900;
	s19 =	sadd.s32 @!p0 $0x27000, s19  }
0xee: {  	[hbm:s19], [sflag:s13] =	dma.local @!p0 [spmem:s20], $0x100  }
0xef: {  	s13 =	simm.s32 @!p0 $0x7  }
0xf0: {  	_ =	swait.ge @!p0 [sflag:s13], $0x100  }
0xf1: {  	s18 =	sadd.s32 $0x1, s18;
	s26 =	rddreg [dreg:$0x9]  }
0xf2: {  	p1 =	sne.s32 s18, s26  }
.Ltmp2:
0xf3: {  	_ = 	snop;
	(pc) =	sbr.rel @p1 .LBB2_1-.Ltmp2, $3  }
0xf4: {  	_ =	sdelay $0x1  }
0xf5: {  	[sflag:s13] =	ssyncset.done @!p0 $0x0  }
0xf6: {  	[sflag:s13] =	ssyncadd.s32 @!p0 $0xFFFFFF00  }
0xf7: {  	_ =	sfence.sel $0x180000  }
0xf8: {  	[bflag:$0x0] =	sbarrier.arrive $0xFFFF  }
0xf9: {  	_ =	strace $0x9000004A  }
0xfa: {  	s0 =	stileid.u32;
	[bflag:$0x2] =	sbarrier.arrive $0xFFFF  }
0xfb: {  	p0 =	sne.s32 s0, $0x0;
	s0 =	rddreg [dreg:$0x3]  }
0xfc: {  	s0 =	sadd.s32 @!p0 $0x100000, s0  }
0xfd: {  	[sflag:s0] =	ssyncadd.tile.s32 @!p0 $0x1;
	_ =	shalt  }
.Lfunc_end2:
_tile_overlayer_lowered:
.L_overlay_start_2:
0xfe: {  	(tag) =	ssettag $0x2  }
0xff: {  	s0 =	rddreg [dreg:$0x0];
	s2 =	stileid.u32  }
0x100: {  	s1 =	rddreg [dreg:$0x1];
	p0 =	sne.s32 s2, $0x0  }
0x101: {  	s3 =	rddreg [dreg:$0x2];
	[bflag:$0x3] =	sbarrier.arrive $0xFFFF;
	s2 =	simm.s32 @!p0 $0x1C07  }
0x102: {  	[timem:s3], [sflag:s2] =	dma.local @!p0 [hbm:s0], s1  }
0x103: {  	s0 =	simm.s32 @!p0 $0x7  }
0x104: {  	_ =	swait.ge @!p0 [sflag:s0], s1  }
0x105: {  	s1 =	ssub.s32 @!p0 $0x0, s1;
	[sflag:s0] =	ssyncset.done @!p0 $0x0  }
0x106: {  	[sflag:s0] =	ssyncadd.s32 @!p0 s1  }
0x107: {  	[bflag:$0x3] =	sbarrier.arrive $0xFFFF  }
0x108: {  	_ =	shalt  }

// kernel: kernel.14.cloned.1.call-start
scs
__scs_entry_jumppad:
0x0: {  	(pc) =	sbr.rel $0x88, $3  }
0x1: {  	(tag) =	ssettag $0x0;
	lr =	simm.s32 $0x1  }
0x2: {  	[smem:$0x3F9B] =	sst lr;
	_ =	strace $0xD0000000  }
0x3: {  	_ = 	snop  }
0x4: {  	_ = 	snop  }
0x5: {  	_ = 	snop  }
0x6: {  	_ = 	snop  }
0x7: {  	_ = 	snop  }
__scs_overlays_trampoline_lowered:
0x8: {  	[smem:$0x3FAA] =	sst s0  }
0x9: {  	[smem:$0x3FAB] =	sst s1  }
0xa: {  	[smem:$0x3FAC] =	sst s2  }
0xb: {  	[smem:$0x3FAD] =	sst s3  }
0xc: {  	[smem:$0x3FAE] =	sst s4  }
0xd: {  	[smem:$0x3FAF] =	sst s5  }
0xe: {  	[smem:$0x3FB0] =	sst s6  }
0xf: {  	[smem:$0x3FB1] =	sst s7  }
0x10: {  	[smem:$0x3FB2] =	sst s8  }
0x11: {  	[smem:$0x3FB3] =	sst s9;
	s0 =	simm.s32 @!p0 $0x0  }
0x12: {  	s1 =	sld [smem:$0x3F99];
	s0 =	simm.s32 @p0 $0x1  }
0x13: {  	[smem:$0x3FB4] =	sst s0;
	s0 =	simm.s32 @!p1 $0x0  }
0x14: {  	s2 =	sld [smem:$0x3F98];
	s0 =	simm.s32 @p1 $0x1  }
0x15: {  	[smem:$0x3FB5] =	sst s0;
	s0 =	simm.s32 @!p2 $0x0  }
0x16: {  	s3 =	sld [smem:$0x3FDB];
	s0 =	simm.s32 @p2 $0x1  }
0x17: {  	s4 =	simm.s32 $0x1BF5;
	[smem:$0x3FB7] =	sst s0  }
0x18: {  	s0 =	sld [smem:$0x3F9A];
	_ =	swait.ge [sflag:s4], $0x0  }
0x19: {  	s7 =	sld [smem:$0x3F9B]  }
0x1a: {  	s8 =	sadd.s32 $0xFFFFE003, lr  }
0x1b: {  	s9 =	sadd.s32 $0xFFFFFEF7, lr;
	s5 =	simm.s32 $0xFFFFFFFF;
	p2 =	slt.u32 s8, $0xFFFFF086  }
0x1c: {  	p1 =	slt.u32 s9, $0xF7A;
	s5 =	simm.s32 @!p2 $0x0  }
0x1d: {  	s5 =	simm.s32 @p1 $0x1;
	p0 =	seq.s32 s7, s2  }
0x1e: {  	s7 =	smul.u32 @!p0 $0xF7A, s2;
	p2 =	seq.s32 @!p0 s5, $0x0  }
0x1f: {  	s9 =	smul.u32 $0xF7A, s1;
	s8 =	simm.s32 @!p0 $0x1BF5;
	p2 =	por !p2, p0  }
0x20: {  	[sflag:s8] =	ssyncset.s32 @!p0 $0xFFFFF086;
	s6 =	sadd.s32 @!p0 s3, s7;
	s7 =	simm.s32 @!p0 $0x108  }
0x21: {  	s3 =	sadd.s32 s3, s9;
	s6 =	sadd.s32 @!p0 $0x88, s6;
	s7 =	simm.s32 @p2 $0x1082  }
0x22: {  	[simem:s7], [sflag:s8] =	dma.local @!p0 [hbm:s6], $0xF7A  }
0x23: {  	s9 =	sor.u32 $0xD0000000, s2;
	s6 =	simm.s32 $0x108;
	_ =	swait.ge @!p0 [sflag:s8], $0x0  }
0x24: {  	s3 =	sadd.s32 $0x88, s3;
	s6 =	simm.s32 @!p1 $0x1082;
	[sflag:s4] =	ssyncset.s32 $0xFFFFF086  }
0x25: {  	[simem:s6], [sflag:s4] =	dma.local [hbm:s3], $0xF7A  }
0x26: {  	[smem:$0x3F9B] =	sst s1;
	(tag) =	ssettag s2;
	_ =	strace s9  }
0x27: {  	s1 =	sld [smem:$0x3FAB]  }
0x28: {  	s2 =	sld [smem:$0x3FAC]  }
0x29: {  	s4 =	sld [smem:$0x3FAE]  }
0x2a: {  	p0 =	seq.s32 s5, $0x0;
	s5 =	sld [smem:$0x3FAF]  }
0x2b: {  	s6 =	sld [smem:$0x3FB0]  }
0x2c: {  	s7 =	sld [smem:$0x3FB1]  }
0x2d: {  	s3 =	simm.s32 $0x108;
	s8 =	sld [smem:$0x3FB2]  }
0x2e: {  	s3 =	simm.s32 @!p0 $0x1082;
	s9 =	sld [smem:$0x3FB3]  }
0x2f: {  	lr =	sadd.s32 s0, s3;
	s0 =	sld [smem:$0x3FAA]  }
0x30: {  	s3 =	sld [smem:$0x3FAD]  }
0x31: {  	[smem:$0x3FB6] =	sst s10  }
0x32: {  	s10 =	sld [smem:$0x3FB4];
	_ =	sdelay $0x3  }
0x33: {  	p0 =	seq.s32 s10, $0x1;
	s10 =	sld [smem:$0x3FB6];
	_ =	sdelay $0x3  }
0x34: {  	[smem:$0x3FB6] =	sst s10  }
0x35: {  	s10 =	sld [smem:$0x3FB5];
	_ =	sdelay $0x3  }
0x36: {  	p1 =	seq.s32 s10, $0x1;
	s10 =	sld [smem:$0x3FB6];
	_ =	sdelay $0x3  }
0x37: {  	[smem:$0x3FB6] =	sst s10  }
0x38: {  	s10 =	sld [smem:$0x3FB7]  }
0x39: {  	_ = 	snop;
	(pc) =	sbr.ind lr, $3  }
0x3a: {  	_ = 	snop  }
0x3b: {  	_ = 	snop  }
0x3c: {  	p2 =	seq.s32 s10, $0x1;
	s10 =	sld [smem:$0x3FB6]  }
0x3d: {  	_ =	shalt  }
0x3e: {  	_ =	shalt  }
0x3f: {  	_ =	shalt  }
0x40: {  	_ =	shalt  }
0x41: {  	_ =	shalt  }
0x42: {  	_ =	shalt  }
0x43: {  	_ =	shalt  }
0x44: {  	_ =	shalt  }
0x45: {  	_ =	shalt  }
0x46: {  	_ =	shalt  }
0x47: {  	_ =	shalt  }
0x48: {  	_ =	shalt  }
0x49: {  	_ =	shalt  }
0x4a: {  	_ =	shalt  }
0x4b: {  	_ =	shalt  }
0x4c: {  	_ =	shalt  }
0x4d: {  	_ =	shalt  }
0x4e: {  	_ =	shalt  }
0x4f: {  	_ =	shalt  }
0x50: {  	_ =	shalt  }
0x51: {  	_ =	shalt  }
0x52: {  	_ =	shalt  }
0x53: {  	_ =	shalt  }
0x54: {  	_ =	shalt  }
0x55: {  	_ =	shalt  }
0x56: {  	_ =	shalt  }
0x57: {  	_ =	shalt  }
0x58: {  	_ =	shalt  }
0x59: {  	_ =	shalt  }
0x5a: {  	_ =	shalt  }
0x5b: {  	_ =	shalt  }
0x5c: {  	_ =	shalt  }
0x5d: {  	_ =	shalt  }
0x5e: {  	_ =	shalt  }
0x5f: {  	_ =	shalt  }
0x60: {  	_ =	shalt  }
0x61: {  	_ =	shalt  }
0x62: {  	_ =	shalt  }
0x63: {  	_ =	shalt  }
0x64: {  	_ =	shalt  }
0x65: {  	_ =	shalt  }
0x66: {  	_ =	shalt  }
0x67: {  	_ =	shalt  }
0x68: {  	_ =	shalt  }
0x69: {  	_ =	shalt  }
0x6a: {  	_ =	shalt  }
0x6b: {  	_ =	shalt  }
0x6c: {  	_ =	shalt  }
0x6d: {  	_ =	shalt  }
0x6e: {  	_ =	shalt  }
0x6f: {  	_ =	shalt  }
0x70: {  	_ =	shalt  }
0x71: {  	_ =	shalt  }
0x72: {  	_ =	shalt  }
0x73: {  	_ =	shalt  }
0x74: {  	_ =	shalt  }
0x75: {  	_ =	shalt  }
0x76: {  	_ =	shalt  }
0x77: {  	_ =	shalt  }
0x78: {  	_ =	shalt  }
0x79: {  	_ =	shalt  }
0x7a: {  	_ =	shalt  }
0x7b: {  	_ =	shalt  }
0x7c: {  	_ =	shalt  }
0x7d: {  	_ =	shalt  }
0x7e: {  	_ =	shalt  }
0x7f: {  	_ =	shalt  }
0x80: {  	_ =	shalt  }
0x81: {  	_ =	shalt  }
0x82: {  	_ =	shalt  }
0x83: {  	_ =	shalt  }
0x84: {  	_ =	shalt  }
0x85: {  	_ =	shalt  }
0x86: {  	_ =	shalt  }
0x87: {  	_ =	shalt  }
.Lfunc_end0:
.L_simem_size_0:
called_computation.2_lowered:
.L_overlay_start_0:
0x88: {  	s2 =	sld [smem:$0x3FD9]  }
0x89: {  	s3 =	sld [smem:$0x3FFE];
	_ =	sdelay $0x1  }
0x8a: {  	s1 =	srdreg.scid  }
0x8b: {  	s0 =	sand.u32 $0x1, s1  }
0x8c: {  	s17 =	sshll.u32 s0, $0xA;
	s2 =	sadd.s32 s3, s2  }
0x8d: {  	s2 =	sadd.s32 s2, s17  }
0x8e: {  	[smem:$0x3FC2] =	sst s2  }
0x8f: {  	_ = 	snop  }
0x90: {  	s2 =	sld [smem:$0x3FD0];
	(tm) =	ssettm $0x1  }
0x91: {  	s18 =	sld [smem:$0x3FFB];
	_ =	sdelay $0x3  }
0x92: {  	_ =	strace s18  }
0x93: {  	s3 =	sld [smem:$0x3FFC];
	_ =	sdelay $0x3  }
0x94: {  	_ =	strace s3  }
0x95: {  	s3 =	sld [smem:$0x3FFD];
	_ =	sdelay $0x3  }
0x96: {  	_ =	strace s3  }
0x97: {  	_ =	strace $0x8FFFFFFF  }
0x98: {  	s19 =	sld [smem:$0x3FDB];
	_ =	sdelay $0x1  }
0x99: {  	s4 =	simm.s32 $_scs_section_size  }
0x9a: {  	s5 =	simm.s32 $_size__tile_overlayer_lowered;
	s6 =	simm.s32 $_tile_overlayer_lowered  }
0x9b: {  	s22 =	simm.s32 $0x1BFF;
	s21 =	sshll.u32 s6, $0x1;
	s3 =	sadd.s32 s4, s19  }
0x9c: {  	s7 =	simm.s32 $0x0;
	s20 =	sshll.u32 s5, $0x1;
	s5 =	sadd.s32 s21, s3  }
0x9d: {  	[timem:s7], [sflag:s22] =	dma.local [hbm:s5], s20  }
0x9e: {  	_ =	swait.ge [sflag:s22], s20  }
0x9f: {  	s4 =	ssub.s32 $0x0, s20;
	[sflag:s22] =	ssyncset.done $0x0  }
0xa0: {  	[sflag:s22] =	ssyncadd.s32 s4;
	_ =	sdelay $0x1  }
0xa1: {  	s23 =	simm.s32 $0x1B8B  }
0xa2: {  	_ =	swait.ge [sflag:s23], $0x1  }
0xa3: {  	[sflag:s23] =	ssyncset.done $0x0  }
0xa4: {  	s25 =	simm.s32 $0x1B8E;
	s24 =	sld [smem:$0x3FFE];
	[sflag:s23] =	ssyncadd.s32 $0xFFFFFFFF  }
0xa5: {  	s26 =	simm.s32 $execute0_lowered;
	[smem:$0x3FD2] =	sst s25  }
0xa6: {  	s5 =	sshll.u32 s26, $0x1;
	_ =	strace $0x8000004C;
	[dreg:$0x1] =	wrdreg $0xFFFFFFFF  }
0xa7: {  	s28 =	simm.s32 $_size_execute0_lowered;
	s3 =	sadd.s32 s3, s5;
	[dreg:$0x0] =	wrdreg $0x0  }
0xa8: {  	s5 =	sshll.u32 s28, $0x1;
	[dreg:$0x2] =	wrdreg s3  }
0xa9: {  	[dreg:$0x3] =	wrdreg s5  }
0xaa: {  	[dreg:$0x4] =	wrdreg $0xC0  }
0xab: {  	_ =	task [dreg:s7], $0x5FFFF  }
0xac: {  	[dreg:$0x1] =	wrdreg $0xFFFFFFFF  }
0xad: {  	[dreg:$0x0] =	wrdreg $0x60  }
0xae: {  	[dreg:$0x2] =	wrdreg s2  }
0xaf: {  	[dreg:$0x3] =	wrdreg s24  }
0xb0: {  	[dreg:$0x4] =	wrdreg $0xB9800  }
0xb1: {  	[dreg:$0x5] =	wrdreg $0x9  }
0xb2: {  	_ =	task.clear_ibuf [dreg:s7], $0x6FFFF;
	_ =	strace $0x9000004C  }
0xb3: {  	s29 =	simm.s32 $0x9;
	_ =	strace $0x8000004E  }
0xb4: {  	_ =	swait.ge [sflag:s29], $0x1  }
0xb5: {  	[sflag:s29] =	ssyncadd.s32 $0xFFFFFFFF  }
0xb6: {  	_ =	strace $0x9000004E  }
0xb7: {  	_ =	sfence  }
0xb8: {  	s30 =	sld [smem:$0x0];
	_ =	sdelay $0x2  }
0xb9: {  	s31 =	sshll.u32 s1, $0xD;
	s1 =	sshrl.u32 s1, $0x2  }
0xba: {  	s3 =	sand.u32 $0x4000, s31;
	s1 =	sadd.s32 s1, s30  }
0xbb: {  	s0 =	sor.u32 s3, s0;
	s1 =	sshll.u32 s1, $0x11  }
0xbc: {  	s0 =	sor.u32 s1, s0  }
0xbd: {  	s0 =	sadd.s32 $0x8F2B, s0  }
0xbe: {  	[sflag:s0] =	ssyncadd.remote.s32 $0x1  }
0xbf: {  	_ =	sfence.sel $0xFFFF  }
0xc0: {  	[dreg:$0x0] =	wrdreg $0xFFFFFFFF;
	(pc) =	sbr.abs _section_cstart, $3  }
0xc1: {  	[dreg:$0x1] =	wrdreg $0xFFFFFFFF  }
0xc2: {  	_ =	task.clear_ibuf [dreg:s7], $0x2FFFF;
	_ =	strace $0x9FFFFFFF  }
0xc3: {  	(tm) =	ssettm $0x7FFFFFFF  }
tec
execute0_lowered:
.L_overlay_start_1:
0x0: {  	(tag) =	ssettag $0x1  }
0x1: {  	s1 =	rddreg [dreg:$0x0]  }
0x2: {  	s0 =	rddreg [dreg:$0x1]  }
0x3: {  	s2 =	rddreg [dreg:$0x2];
	s3 =	srdreg.scid  }
0x4: {  	s4 =	simm.s32 $0x0;
	s11 =	stileid.u32;
	s28 =	simm.s32 $0x7  }
0x5: {  	s29 =	simm.s32 $0x4180;
	s30 =	simm.s32 $0x4000;
	s9 =	smul.u32 $0x4E000, s11  }
0x6: {  	s31 =	simm.s32 $0x50;
	s3 =	sand.u32 $0x1, s3;
	s15 =	smul.u32 $0x2700, s11  }
0x7: {  	[smem:$0x7FF] =	sst s4;
	s17 =	smul.u32 $0x2710, s11;
	p0 =	sne.s32 s11, $0xF  }
0x8: {  	s5 =	sshll.u32 s3, $0x4;
	_ =	strace $0x8000004D;
	s7 =	smul.u32 $0x27100, s3  }
0x9: {  	s3 =	ssub.s32 $0x2, s3;
	s6 =	sor.u32 s11, s5;
	s5 =	sadd.s32 $0x2800, s0  }
0xa: {  	s26 =	sshrl.u32 s3, $0x1;
	s9 =	sshrl.u32 s9, $0x2;
	s11 =	simm.s32 $0x1  }
0xb: {  	s8 =	sshll.u32 s6, $0xB;
	s10 =	smul.u32 $0x2710, s6;
	s6 =	sadd.s32 s9, s2  }
0xc: {  	s3 =	ssub.s32 s3, s26;
	s8 =	sadd.s32 s8, s0;
	s13 =	sadd.s32 $0x11800, s6  }
0xd: {  	s0 =	sadd.s32 s7, s0;
	s3 =	smax.u32 s3, $0x1;
	[dreg:$0x5] =	wrdreg s13  }
0xe: {  	s18 =	sadd.s32 $0x2800, s6;
	s19 =	sadd.s32 $0x5000, s6;
	[dreg:$0x9] =	wrdreg s3  }
0xf: {  	s20 =	sadd.s32 $0x7800, s6;
	s21 =	sadd.s32 $0xA000, s6;
	[dreg:$0xa] =	wrdreg s18  }
0x10: {  	s22 =	sadd.s32 $0xC800, s6;
	s12 =	sshrl.u32 s10, $0x3;
	[dreg:$0xb] =	wrdreg s19  }
0x11: {  	s8 =	sadd.s32 $0xC600, s8;
	s10 =	sadd.s32 $0x138000, s2;
	[dreg:$0xc] =	wrdreg s20  }
0x12: {  	s16 =	sadd.s32 $0x6A800, s0;
	[dreg:$0xd] =	wrdreg s21;
	s0 =	sadd.s32 s17, s7  }
0x13: {  	[dreg:$0xe] =	wrdreg s22;
	s13 =	sadd.s32 $0xF000, s6;
	s17 =	simm.s32 $0x6  }
0x14: {  	s18 =	simm.s32 $0x0;
	[dreg:$0x4] =	wrdreg s8;
	s9 =	sadd.s32 s5, s12  }
0x15: {  	s23 =	sadd.s32 $0x190, s0;
	s7 =	sadd.s32 $0x140, s0;
	[dreg:$0xf] =	wrdreg s13  }
0x16: {  	[dreg:$0x8] =	wrdreg s16;
	s25 =	sadd.s32 s15, s16;
	s8 =	simm.s32 $0x9180  }
0x17: {  	s15 =	simm.s32 $0x5;
	s14 =	sadd.s32 $0xA, s9;
	[dreg:$0x11] =	wrdreg s25  }
0x18: {  	s16 =	simm.s32 $0x3;
	s12 =	sadd.s32 $0x14, s9;
	[dreg:$0x6] =	wrdreg s14  }
0x19: {  	s3 =	sshrl.u32 s23, $0x3;
	s24 =	sadd.s32 $0x4CE, s9;
	[dreg:$0x7] =	wrdreg s12  }
0x1a: {  	s7 =	sshrl.u32 s7, $0x3;
	s26 =	sadd.s32 $0x4D8, s9;
	[dreg:$0x10] =	wrdreg s24  }
0x1b: {  	s22 =	sadd.s32 s3, s5;
	s23 =	sadd.s32 s7, s5;
	s24 =	sadd.s32 $0xF0, s0  }
0x1c: {  	[dreg:$0x12] =	wrdreg s26;
	s0 =	simm.s32 $0x4080;
	s3 =	simm.s32 $0x6980  }
0x1d: {  	v0 =	vimm.f32 $0.0e+00;
	s7 =	simm.s32 $0x4100;
	s12 =	simm.s32 $0x4;
	s14 =	simm.s32 $0x2  }
.LBB2_1:
0x1e: {  	s13 =	rddreg [dreg:$0x4]  }
0x1f: {  	[tilespmem:s4], [sflag:$0x7] =	stream.linear.gather [hbm4b:s13+s4], $0x3E80, $0x38;
	[tilespmem:$0x1F200] =	vst v63  }
0x20: {  	_ =	swait.ge [sflag:s28], $0x3E80  }
0x21: {  	[sflag:s28] =	ssyncset.done $0x0  }
0x22: {  	s19 =	simm.s32 $0x3C0;
	s13 =	simm.s32 $0x70;
	[sflag:s28] =	ssyncadd.s32 $0xFFFFC180  }
.LBB2_2:
0x23: {  	p1 =	sne.s32 s19, $0x9FC0;
	[tilespmem:s13+$0x4180] =	vst v0  }
0x24: {  	[tilespmem:s13+$0x4110] =	vst v0  }
0x25: {  	[tilespmem:s13+$0x4120] =	vst v0  }
.Ltmp0:
0x26: {  	[tilespmem:s13+$0x4130] =	vst v0;
	(pc) =	sbr.rel @p1 .LBB2_2-.Ltmp0, $4  }
0x27: {  	[tilespmem:s13+$0x4140] =	vst v0  }
0x28: {  	[tilespmem:s13+$0x4150] =	vst v0  }
0x29: {  	[tilespmem:s13+$0x4160] =	vst v0  }
0x2a: {  	[tilespmem:s13+$0x4170] =	vst v0;
	s13 =	sshra.s32 s19, $0x2;
	s19 =	sadd.s32 $0x200, s19  }
0x2b: {  	[tilespmem:s13+$0x4180] =	vst v0  }
0x2c: {  	[tilespmem:s13+$0x4110] =	vst v0  }
0x2d: {  	[tilespmem:s13+$0x4120] =	vst v0  }
0x2e: {  	[tilespmem:s13+$0x4130] =	vst v0  }
0x2f: {  	[tilespmem:s13+$0x4140] =	vst v0  }
0x30: {  	[tilespmem:s13+$0x4150] =	vst v0  }
0x31: {  	[tilespmem:s13+$0x4160] =	vst v0  }
0x32: {  	[tilespmem:s13+$0x4170] =	vst v0  }
0x33: {  	[spmem:s6] =	stream.linear.scatter [tilespmem:s29], [sflag:$0x7], $0x2800, $0x38;
	[tilespmem:$0x1F200] =	vst v63  }
0x34: {  	_ =	swait.ge [sflag:s28], $0x2800  }
0x35: {  	[sflag:s28] =	ssyncset.done $0x0  }
0x36: {  	s20 =	rddreg [dreg:$0xa];
	[sflag:s28] =	ssyncadd.s32 $0xFFFFD800  }
0x37: {  	[spmem:s20] =	stream.linear.scatter [tilespmem:s29], [sflag:$0x7], $0x2800, $0x38;
	[tilespmem:$0x1F200] =	vst v63  }
0x38: {  	_ =	swait.ge [sflag:s28], $0x2800  }
0x39: {  	[sflag:s28] =	ssyncset.done $0x0  }
0x3a: {  	s21 =	rddreg [dreg:$0xb];
	[sflag:s28] =	ssyncadd.s32 $0xFFFFD800  }
0x3b: {  	[spmem:s21] =	stream.linear.scatter [tilespmem:s29], [sflag:$0x7], $0x2800, $0x38;
	[tilespmem:$0x1F200] =	vst v63  }
0x3c: {  	_ =	swait.ge [sflag:s28], $0x2800  }
0x3d: {  	[sflag:s28] =	ssyncset.done $0x0  }
0x3e: {  	s25 =	rddreg [dreg:$0xc];
	[sflag:s28] =	ssyncadd.s32 $0xFFFFD800  }
0x3f: {  	[spmem:s25] =	stream.linear.scatter [tilespmem:s29], [sflag:$0x7], $0x2800, $0x38;
	[tilespmem:$0x1F200] =	vst v63  }
0x40: {  	_ =	swait.ge [sflag:s28], $0x2800  }
0x41: {  	[sflag:s28] =	ssyncset.done $0x0  }
0x42: {  	s26 =	rddreg [dreg:$0xd];
	[sflag:s28] =	ssyncadd.s32 $0xFFFFD800  }
0x43: {  	[spmem:s26] =	stream.linear.scatter [tilespmem:s29], [sflag:$0x7], $0x2800, $0x38;
	[tilespmem:$0x1F200] =	vst v63  }
0x44: {  	_ =	swait.ge [sflag:s28], $0x2800  }
0x45: {  	[sflag:s28] =	ssyncset.done $0x0  }
0x46: {  	s19 =	rddreg [dreg:$0xe];
	[sflag:s28] =	ssyncadd.s32 $0xFFFFD800  }
0x47: {  	[spmem:s19] =	stream.linear.scatter [tilespmem:s29], [sflag:$0x7], $0x2800, $0x38;
	[tilespmem:$0x1F200] =	vst v63  }
0x48: {  	_ =	swait.ge [sflag:s28], $0x2800  }
0x49: {  	[sflag:s28] =	ssyncset.done $0x0  }
0x4a: {  	s20 =	rddreg [dreg:$0xf];
	[sflag:s28] =	ssyncadd.s32 $0xFFFFD800  }
0x4b: {  	[spmem:s20] =	stream.linear.scatter [tilespmem:s29], [sflag:$0x7], $0x2800, $0x38;
	[tilespmem:$0x1F200] =	vst v63  }
0x4c: {  	_ =	swait.ge [sflag:s28], $0x2800  }
0x4d: {  	[sflag:s28] =	ssyncset.done $0x0  }
0x4e: {  	s21 =	rddreg [dreg:$0x5];
	[sflag:s28] =	ssyncadd.s32 $0xFFFFD800  }
0x4f: {  	[spmem:s21] =	stream.linear.scatter [tilespmem:s29], [sflag:$0x7], $0x2000, $0x38;
	[tilespmem:$0x1F200] =	vst v63  }
0x50: {  	_ =	swait.ge [sflag:s28], $0x2000  }
0x51: {  	[sflag:s28] =	ssyncset.done $0x0  }
0x52: {  	s13 =	simm.s32 @!p0 $0x4180;
	[sflag:s28] =	ssyncadd.s32 $0xFFFFE000  }
0x53: {  	[spmem:s10] =	stream.linear.scatter @!p0 [tilespmem:s13], [sflag:$0x7], $0x800, $0x38;
	[tilespmem:$0x1F200] =	vst v63  }
0x54: {  	s13 =	simm.s32 @!p0 $0x7  }
0x55: {  	_ =	swait.ge @!p0 [sflag:s13], $0x800  }
0x56: {  	[sflag:s13] =	ssyncset.done @!p0 $0x0  }
0x57: {  	[sflag:s13] =	ssyncadd.s32 @!p0 $0xFFFFF800  }
0x58: {  	s25 =	simm.s32 $0x0;
	[bflag:$0x0] =	sbarrier.arrive $0xFFFF  }
0x59: {  	[tilespmem:s30], [sflag:$0x7] =	stream.linear.gather [hbm4b:s9+s25], $0x50, $0x38;
	[tilespmem:$0x1F200] =	vst v63  }
0x5a: {  	_ =	swait.ge [sflag:s28], $0x50  }
0x5b: {  	[sflag:s28] =	ssyncset.done $0x0  }
0x5c: {  	[sflag:s28] =	ssyncadd.s32 $0xFFFFFFB0  }
0x5d: {  	[tilespmem:s29], [sflag:$0x1] =	stream.indirect.gather [hbm4b:s1+s31], $0x80, s30, s31, $0xb8;
	[tilespmem:$0x1F200] =	vst v63  }
0x5e: {  	s19 =	rddreg [dreg:$0x6]  }
0x5f: {  	[tilespmem:s0], [sflag:$0x7] =	stream.linear.gather [hbm4b:s19+s25], $0x50, $0x38;
	[tilespmem:$0x1F200] =	vst v63  }
0x60: {  	_ =	swait.ge [sflag:s28], $0x50  }
0x61: {  	[sflag:s28] =	ssyncset.done $0x0  }
0x62: {  	[sflag:s28] =	ssyncadd.s32 $0xFFFFFFB0  }
0x63: {  	[tilespmem:s3], [sflag:$0x2] =	stream.indirect.gather [hbm4b:s1+s31], $0x80, s0, s31, $0xb8;
	[tilespmem:$0x1F200] =	vst v63  }
0x64: {  	s26 =	rddreg [dreg:$0x7]  }
0x65: {  	[tilespmem:s7], [sflag:$0x7] =	stream.linear.gather [hbm4b:s26+s25], $0x50, $0x38;
	[tilespmem:$0x1F200] =	vst v63  }
0x66: {  	_ =	swait.ge [sflag:s28], $0x50  }
0x67: {  	[sflag:s28] =	ssyncset.done $0x0  }
0x68: {  	[sflag:s28] =	ssyncadd.s32 $0xFFFFFFB0  }
0x69: {  	[tilespmem:s8], [sflag:$0x3] =	stream.indirect.gather [hbm4b:s1+s31], $0x80, s7, s31, $0xb8;
	[tilespmem:$0x1F200] =	vst v63  }
0x6a: {  	_ =	swait.ge [sflag:s11], $0x2800  }
0x6b: {  	[sflag:s11] =	ssyncset.done $0x0  }
0x6c: {  	s20 =	sshrl.u32 s24, $0x3;
	s19 =	simm.s32 $0x0;
	[sflag:s11] =	ssyncadd.s32 $0xFFFFD800  }
0x6d: {  	[spmem:s2] =	stream.indirect.scatter.add.f32 [tilespmem:s29], [sflag:$0x4], $0x80, s19, s31, $0xb8;
	[tilespmem:$0x1F200] =	vst v63  }
0x6e: {  	s21 =	sadd.s32 s5, s20  }
0x6f: {  	[tilespmem:s30], [sflag:$0x7] =	stream.linear.gather [hbm4b:s21+s4], $0x50, $0x38;
	[tilespmem:$0x1F200] =	vst v63  }
0x70: {  	_ =	swait.ge [sflag:s28], $0x50  }
0x71: {  	[sflag:s28] =	ssyncset.done $0x0  }
0x72: {  	[sflag:s28] =	ssyncadd.s32 $0xFFFFFFB0  }
0x73: {  	_ =	swait.ge [sflag:s12], $0x2800  }
0x74: {  	[sflag:s12] =	ssyncset.done $0x0  }
0x75: {  	[sflag:s12] =	ssyncadd.s32 $0xFFFFD800  }
0x76: {  	[tilespmem:s29], [sflag:$0x1] =	stream.indirect.gather [hbm4b:s1+s31], $0x80, s30, s31, $0xb8;
	[tilespmem:$0x1F200] =	vst v63  }
0x77: {  	_ =	swait.ge [sflag:s14], $0x2800  }
0x78: {  	[sflag:s14] =	ssyncset.done $0x0  }
0x79: {  	s25 =	simm.s32 $0x80;
	[sflag:s14] =	ssyncadd.s32 $0xFFFFD800  }
0x7a: {  	[spmem:s2] =	stream.indirect.scatter.add.f32 [tilespmem:s3], [sflag:$0x5], $0x80, s25, s31, $0xb8;
	[tilespmem:$0x1F200] =	vst v63  }
0x7b: {  	_ = 	snop  }
0x7c: {  	[tilespmem:s0], [sflag:$0x7] =	stream.linear.gather [hbm4b:s23+s4], $0x50, $0x38;
	[tilespmem:$0x1F200] =	vst v63  }
0x7d: {  	_ =	swait.ge [sflag:s28], $0x50  }
0x7e: {  	[sflag:s28] =	ssyncset.done $0x0  }
0x7f: {  	[sflag:s28] =	ssyncadd.s32 $0xFFFFFFB0  }
0x80: {  	_ =	swait.ge [sflag:s15], $0x2800  }
0x81: {  	[sflag:s15] =	ssyncset.done $0x0  }
0x82: {  	[sflag:s15] =	ssyncadd.s32 $0xFFFFD800  }
0x83: {  	[tilespmem:s3], [sflag:$0x2] =	stream.indirect.gather [hbm4b:s1+s31], $0x80, s0, s31, $0xb8;
	[tilespmem:$0x1F200] =	vst v63  }
0x84: {  	_ =	swait.ge [sflag:s16], $0x2800  }
0x85: {  	[sflag:s16] =	ssyncset.done $0x0  }
0x86: {  	s26 =	simm.s32 $0x100;
	[sflag:s16] =	ssyncadd.s32 $0xFFFFD800  }
0x87: {  	[spmem:s2] =	stream.indirect.scatter.add.f32 [tilespmem:s8], [sflag:$0x6], $0x80, s26, s31, $0xb8;
	[tilespmem:$0x1F200] =	vst v63  }
0x88: {  	_ = 	snop  }
0x89: {  	[tilespmem:s7], [sflag:$0x7] =	stream.linear.gather [hbm4b:s22+s4], $0x50, $0x38;
	[tilespmem:$0x1F200] =	vst v63  }
0x8a: {  	_ =	swait.ge [sflag:s28], $0x50  }
0x8b: {  	[sflag:s28] =	ssyncset.done $0x0  }
0x8c: {  	[sflag:s28] =	ssyncadd.s32 $0xFFFFFFB0  }
0x8d: {  	_ =	swait.ge [sflag:s17], $0x2800  }
0x8e: {  	s20 =	sadd.s32 $0x1E, s22;
	s13 =	sadd.s32 $0xF0, s24;
	[sflag:s17] =	ssyncset.done $0x0  }
0x8f: {  	s19 =	simm.s32 $0x600;
	s21 =	sadd.s32 $0x1E, s23;
	[sflag:s17] =	ssyncadd.s32 $0xFFFFD800  }
.LBB2_4:
0x90: {  	[tilespmem:s8], [sflag:$0x3] =	stream.indirect.gather [hbm4b:s1+s31], $0x80, s7, s31, $0xb8;
	[tilespmem:$0x1F200] =	vst v63  }
0x91: {  	s25 =	smov.u32 s19  }
0x92: {  	p1 =	sne.s32 s19, $0xEA00;
	s19 =	sadd.s32 $0x600, s19;
	_ =	swait.ge [sflag:s11], $0x2800  }
0x93: {  	[sflag:s11] =	ssyncset.done $0x0  }
0x94: {  	s26 =	sshrl.u32 s13, $0x3;
	s25 =	sshra.s32 s25, $0x2;
	[sflag:s11] =	ssyncadd.s32 $0xFFFFD800  }
0x95: {  	[spmem:s2] =	stream.indirect.scatter.add.f32 [tilespmem:s29], [sflag:$0x4], $0x80, s25, s31, $0xb8;
	[tilespmem:$0x1F200] =	vst v63  }
0x96: {  	s26 =	sadd.s32 s5, s26  }
0x97: {  	[tilespmem:s30], [sflag:$0x7] =	stream.linear.gather [hbm4b:s26+s4], $0x50, $0x38;
	[tilespmem:$0x1F200] =	vst v63  }
0x98: {  	_ =	swait.ge [sflag:s28], $0x50  }
0x99: {  	[sflag:s28] =	ssyncset.done $0x0  }
0x9a: {  	[sflag:s28] =	ssyncadd.s32 $0xFFFFFFB0  }
0x9b: {  	_ =	swait.ge [sflag:s12], $0x2800  }
0x9c: {  	[sflag:s12] =	ssyncset.done $0x0  }
0x9d: {  	[sflag:s12] =	ssyncadd.s32 $0xFFFFD800  }
0x9e: {  	[tilespmem:s29], [sflag:$0x1] =	stream.indirect.gather [hbm4b:s1+s31], $0x80, s30, s31, $0xb8;
	[tilespmem:$0x1F200] =	vst v63  }
0x9f: {  	_ =	swait.ge [sflag:s14], $0x2800  }
0xa0: {  	[sflag:s14] =	ssyncset.done $0x0  }
0xa1: {  	s26 =	sadd.s32 $0x80, s25;
	[sflag:s14] =	ssyncadd.s32 $0xFFFFD800  }
0xa2: {  	[spmem:s2] =	stream.indirect.scatter.add.f32 [tilespmem:s3], [sflag:$0x5], $0x80, s26, s31, $0xb8;
	[tilespmem:$0x1F200] =	vst v63  }
0xa3: {  	_ = 	snop  }
0xa4: {  	[tilespmem:s0], [sflag:$0x7] =	stream.linear.gather [hbm4b:s21+s4], $0x50, $0x38;
	[tilespmem:$0x1F200] =	vst v63  }
0xa5: {  	_ =	swait.ge [sflag:s28], $0x50  }
0xa6: {  	[sflag:s28] =	ssyncset.done $0x0  }
0xa7: {  	[sflag:s28] =	ssyncadd.s32 $0xFFFFFFB0  }
0xa8: {  	_ =	swait.ge [sflag:s15], $0x2800  }
0xa9: {  	[sflag:s15] =	ssyncset.done $0x0  }
0xaa: {  	[sflag:s15] =	ssyncadd.s32 $0xFFFFD800  }
0xab: {  	[tilespmem:s3], [sflag:$0x2] =	stream.indirect.gather [hbm4b:s1+s31], $0x80, s0, s31, $0xb8;
	[tilespmem:$0x1F200] =	vst v63  }
0xac: {  	_ =	swait.ge [sflag:s16], $0x2800  }
0xad: {  	[sflag:s16] =	ssyncset.done $0x0  }
0xae: {  	s25 =	sadd.s32 $0x100, s25;
	[sflag:s16] =	ssyncadd.s32 $0xFFFFD800  }
0xaf: {  	[spmem:s2] =	stream.indirect.scatter.add.f32 [tilespmem:s8], [sflag:$0x6], $0x80, s25, s31, $0xb8;
	[tilespmem:$0x1F200] =	vst v63  }
0xb0: {  	_ = 	snop  }
0xb1: {  	[tilespmem:s7], [sflag:$0x7] =	stream.linear.gather [hbm4b:s20+s4], $0x50, $0x38;
	[tilespmem:$0x1F200] =	vst v63  }
0xb2: {  	_ =	swait.ge [sflag:s28], $0x50  }
.Ltmp1:
0xb3: {  	[sflag:s28] =	ssyncset.done $0x0;
	(pc) =	sbr.rel @p1 .LBB2_4-.Ltmp1, $4  }
0xb4: {  	[sflag:s28] =	ssyncadd.s32 $0xFFFFFFB0  }
0xb5: {  	_ =	swait.ge [sflag:s17], $0x2800  }
0xb6: {  	s13 =	sadd.s32 $0xF0, s13;
	[sflag:s17] =	ssyncset.done $0x0  }
0xb7: {  	s21 =	sadd.s32 $0x1E, s21;
	s20 =	sadd.s32 $0x1E, s20;
	[sflag:s17] =	ssyncadd.s32 $0xFFFFD800  }
0xb8: {  	[tilespmem:s8], [sflag:$0x3] =	stream.indirect.gather [hbm4b:s1+s31], $0x80, s7, s31, $0xb8;
	[tilespmem:$0x1F200] =	vst v63  }
0xb9: {  	_ =	swait.ge [sflag:s11], $0x2800  }
0xba: {  	[sflag:s11] =	ssyncset.done $0x0  }
0xbb: {  	s13 =	simm.s32 $0x3C00;
	[sflag:s11] =	ssyncadd.s32 $0xFFFFD800  }
0xbc: {  	[spmem:s2] =	stream.indirect.scatter.add.f32 [tilespmem:s29], [sflag:$0x4], $0x80, s13, s31, $0xb8;
	[tilespmem:$0x1F200] =	vst v63  }
0xbd: {  	s21 =	rddreg [dreg:$0x10]  }
0xbe: {  	[tilespmem:s30], [sflag:$0x7] =	stream.linear.gather [hbm4b:s21+s4], $0x50, $0x38;
	[tilespmem:$0x1F200] =	vst v63  }
0xbf: {  	_ =	swait.ge [sflag:s28], $0x50  }
0xc0: {  	[sflag:s28] =	ssyncset.done $0x0  }
0xc1: {  	[sflag:s28] =	ssyncadd.s32 $0xFFFFFFB0  }
0xc2: {  	_ =	swait.ge [sflag:s12], $0x2800  }
0xc3: {  	[sflag:s12] =	ssyncset.done $0x0  }
0xc4: {  	[sflag:s12] =	ssyncadd.s32 $0xFFFFD800  }
0xc5: {  	[tilespmem:s29], [sflag:$0x1] =	stream.indirect.gather [hbm4b:s1+s31], $0x80, s30, s31, $0xb8;
	[tilespmem:$0x1F200] =	vst v63  }
0xc6: {  	_ =	swait.ge [sflag:s14], $0x2800  }
0xc7: {  	[sflag:s14] =	ssyncset.done $0x0  }
0xc8: {  	s25 =	simm.s32 $0x3C80;
	[sflag:s14] =	ssyncadd.s32 $0xFFFFD800  }
0xc9: {  	[spmem:s2] =	stream.indirect.scatter.add.f32 [tilespmem:s3], [sflag:$0x5], $0x80, s25, s31, $0xb8;
	[tilespmem:$0x1F200] =	vst v63  }
0xca: {  	s26 =	rddreg [dreg:$0x12]  }
0xcb: {  	[tilespmem:s0], [sflag:$0x7] =	stream.linear.gather [hbm4b:s26+s4], $0x50, $0x38;
	[tilespmem:$0x1F200] =	vst v63  }
0xcc: {  	_ =	swait.ge [sflag:s28], $0x50  }
0xcd: {  	[sflag:s28] =	ssyncset.done $0x0  }
0xce: {  	[sflag:s28] =	ssyncadd.s32 $0xFFFFFFB0  }
0xcf: {  	_ =	swait.ge [sflag:s15], $0x2800  }
0xd0: {  	[sflag:s15] =	ssyncset.done $0x0  }
0xd1: {  	[sflag:s15] =	ssyncadd.s32 $0xFFFFD800  }
0xd2: {  	[tilespmem:s3], [sflag:$0x2] =	stream.indirect.gather [hbm4b:s1+s31], $0x80, s0, s31, $0xb8;
	[tilespmem:$0x1F200] =	vst v63  }
0xd3: {  	_ =	swait.ge [sflag:s16], $0x2800  }
0xd4: {  	[sflag:s16] =	ssyncset.done $0x0  }
0xd5: {  	s19 =	simm.s32 $0x3D00;
	[sflag:s16] =	ssyncadd.s32 $0xFFFFD800  }
0xd6: {  	[spmem:s2] =	stream.indirect.scatter.add.f32 [tilespmem:s8], [sflag:$0x6], $0x80, s19, s31, $0xb8;
	[tilespmem:$0x1F200] =	vst v63  }
0xd7: {  	_ =	swait.ge [sflag:s17], $0x2800  }
0xd8: {  	[sflag:s17] =	ssyncset.done $0x0  }
0xd9: {  	[sflag:s17] =	ssyncadd.s32 $0xFFFFD800  }
0xda: {  	_ =	swait.ge [sflag:s11], $0x2800  }
0xdb: {  	[sflag:s11] =	ssyncset.done $0x0  }
0xdc: {  	s20 =	simm.s32 $0x3D80;
	[sflag:s11] =	ssyncadd.s32 $0xFFFFD800  }
0xdd: {  	[spmem:s2] =	stream.indirect.scatter.add.f32 [tilespmem:s29], [sflag:$0x7], $0x80, s20, s31, $0xb8;
	[tilespmem:$0x1F200] =	vst v63  }
0xde: {  	_ =	swait.ge [sflag:s28], $0x2800  }
0xdf: {  	[sflag:s28] =	ssyncset.done $0x0  }
0xe0: {  	[sflag:s28] =	ssyncadd.s32 $0xFFFFD800  }
0xe1: {  	_ =	swait.ge [sflag:s14], $0x2800  }
0xe2: {  	[sflag:s14] =	ssyncset.done $0x0  }
0xe3: {  	s21 =	simm.s32 $0x3E00;
	[sflag:s14] =	ssyncadd.s32 $0xFFFFD800  }
0xe4: {  	[spmem:s2] =	stream.indirect.scatter.add.f32 [tilespmem:s3], [sflag:$0x7], $0x80, s21, s31, $0xb8;
	[tilespmem:$0x1F200] =	vst v63  }
0xe5: {  	_ =	swait.ge [sflag:s28], $0x2800  }
0xe6: {  	[sflag:s28] =	ssyncset.done $0x0  }
0xe7: {  	s25 =	stileid.u32;
	[sflag:s28] =	ssyncadd.s32 $0xFFFFD800  }
0xe8: {  	s13 =	sshll.u32 s25, $0x6;
	[bflag:$0x0] =	sbarrier.arrive $0xFFFF  }
0xe9: {  	s13 =	sor.u32 $0x1C07, s13;
	s19 =	sshrl.u32 s6, $0x3;
	s20 =	rddreg [dreg:$0x11]  }
0xea: {  	[hbm:s20], [sflag:s13] =	dma.local [spmem:s19], $0x2700  }
0xeb: {  	_ =	swait.ge [sflag:s28], $0x2700  }
0xec: {  	[sflag:s28] =	ssyncset.done $0x0;
	s19 =	rddreg [dreg:$0x8]  }
0xed: {  	s20 =	sshrl.u32 @!p0 s10, $0x3;
	[sflag:s28] =	ssyncadd.s32 $0xFFFFD900;
	s19 =	sadd.s32 @!p0 $0x27000, s19  }
0xee: {  	[hbm:s19], [sflag:s13] =	dma.local @!p0 [spmem:s20], $0x100  }
0xef: {  	s13 =	simm.s32 @!p0 $0x7  }
0xf0: {  	_ =	swait.ge @!p0 [sflag:s13], $0x100  }
0xf1: {  	s18 =	sadd.s32 $0x1, s18;
	s26 =	rddreg [dreg:$0x9]  }
0xf2: {  	p1 =	sne.s32 s18, s26  }
.Ltmp2:
0xf3: {  	_ = 	snop;
	(pc) =	sbr.rel @p1 .LBB2_1-.Ltmp2, $3  }
0xf4: {  	_ =	sdelay $0x1  }
0xf5: {  	[sflag:s13] =	ssyncset.done @!p0 $0x0  }
0xf6: {  	[sflag:s13] =	ssyncadd.s32 @!p0 $0xFFFFFF00  }
0xf7: {  	_ =	sfence.sel $0x180000  }
0xf8: {  	[bflag:$0x0] =	sbarrier.arrive $0xFFFF  }
0xf9: {  	_ =	strace $0x9000004D  }
0xfa: {  	s0 =	stileid.u32;
	[bflag:$0x2] =	sbarrier.arrive $0xFFFF  }
0xfb: {  	p0 =	sne.s32 s0, $0x0;
	s0 =	rddreg [dreg:$0x3]  }
0xfc: {  	s0 =	sadd.s32 @!p0 $0x100000, s0  }
0xfd: {  	[sflag:s0] =	ssyncadd.tile.s32 @!p0 $0x1;
	_ =	shalt  }
.Lfunc_end2:
_tile_overlayer_lowered:
.L_overlay_start_2:
0xfe: {  	(tag) =	ssettag $0x2  }
0xff: {  	s0 =	rddreg [dreg:$0x0];
	s2 =	stileid.u32  }
0x100: {  	s1 =	rddreg [dreg:$0x1];
	p0 =	sne.s32 s2, $0x0  }
0x101: {  	s3 =	rddreg [dreg:$0x2];
	[bflag:$0x3] =	sbarrier.arrive $0xFFFF;
	s2 =	simm.s32 @!p0 $0x1C07  }
0x102: {  	[timem:s3], [sflag:s2] =	dma.local @!p0 [hbm:s0], s1  }
0x103: {  	s0 =	simm.s32 @!p0 $0x7  }
0x104: {  	_ =	swait.ge @!p0 [sflag:s0], s1  }
0x105: {  	s1 =	ssub.s32 @!p0 $0x0, s1;
	[sflag:s0] =	ssyncset.done @!p0 $0x0  }
0x106: {  	[sflag:s0] =	ssyncadd.s32 @!p0 s1  }
0x107: {  	[bflag:$0x3] =	sbarrier.arrive $0xFFFF  }
0x108: {  	_ =	shalt  }

// kernel: kernel.8.cloned.1.call-start
scs
__scs_entry_jumppad:
0x0: {  	(pc) =	sbr.rel $0x88, $3  }
0x1: {  	(tag) =	ssettag $0x0;
	lr =	simm.s32 $0x1  }
0x2: {  	[smem:$0x3F9B] =	sst lr;
	_ =	strace $0xD0000000  }
0x3: {  	_ = 	snop  }
0x4: {  	_ = 	snop  }
0x5: {  	_ = 	snop  }
0x6: {  	_ = 	snop  }
0x7: {  	_ = 	snop  }
__scs_overlays_trampoline_lowered:
0x8: {  	[smem:$0x3FAA] =	sst s0  }
0x9: {  	[smem:$0x3FAB] =	sst s1  }
0xa: {  	[smem:$0x3FAC] =	sst s2  }
0xb: {  	[smem:$0x3FAD] =	sst s3  }
0xc: {  	[smem:$0x3FAE] =	sst s4  }
0xd: {  	[smem:$0x3FAF] =	sst s5  }
0xe: {  	[smem:$0x3FB0] =	sst s6  }
0xf: {  	[smem:$0x3FB1] =	sst s7  }
0x10: {  	[smem:$0x3FB2] =	sst s8  }
0x11: {  	[smem:$0x3FB3] =	sst s9;
	s0 =	simm.s32 @!p0 $0x0  }
0x12: {  	s1 =	sld [smem:$0x3F99];
	s0 =	simm.s32 @p0 $0x1  }
0x13: {  	[smem:$0x3FB4] =	sst s0;
	s0 =	simm.s32 @!p1 $0x0  }
0x14: {  	s2 =	sld [smem:$0x3F98];
	s0 =	simm.s32 @p1 $0x1  }
0x15: {  	[smem:$0x3FB5] =	sst s0;
	s0 =	simm.s32 @!p2 $0x0  }
0x16: {  	s3 =	sld [smem:$0x3FDB];
	s0 =	simm.s32 @p2 $0x1  }
0x17: {  	s4 =	simm.s32 $0x1BF5;
	[smem:$0x3FB7] =	sst s0  }
0x18: {  	s0 =	sld [smem:$0x3F9A];
	_ =	swait.ge [sflag:s4], $0x0  }
0x19: {  	s7 =	sld [smem:$0x3F9B]  }
0x1a: {  	s8 =	sadd.s32 $0xFFFFE003, lr  }
0x1b: {  	s9 =	sadd.s32 $0xFFFFFEF7, lr;
	s5 =	simm.s32 $0xFFFFFFFF;
	p2 =	slt.u32 s8, $0xFFFFF086  }
0x1c: {  	p1 =	slt.u32 s9, $0xF7A;
	s5 =	simm.s32 @!p2 $0x0  }
0x1d: {  	s5 =	simm.s32 @p1 $0x1;
	p0 =	seq.s32 s7, s2  }
0x1e: {  	s7 =	smul.u32 @!p0 $0xF7A, s2;
	p2 =	seq.s32 @!p0 s5, $0x0  }
0x1f: {  	s9 =	smul.u32 $0xF7A, s1;
	s8 =	simm.s32 @!p0 $0x1BF5;
	p2 =	por !p2, p0  }
0x20: {  	[sflag:s8] =	ssyncset.s32 @!p0 $0xFFFFF086;
	s6 =	sadd.s32 @!p0 s3, s7;
	s7 =	simm.s32 @!p0 $0x108  }
0x21: {  	s3 =	sadd.s32 s3, s9;
	s6 =	sadd.s32 @!p0 $0x88, s6;
	s7 =	simm.s32 @p2 $0x1082  }
0x22: {  	[simem:s7], [sflag:s8] =	dma.local @!p0 [hbm:s6], $0xF7A  }
0x23: {  	s9 =	sor.u32 $0xD0000000, s2;
	s6 =	simm.s32 $0x108;
	_ =	swait.ge @!p0 [sflag:s8], $0x0  }
0x24: {  	s3 =	sadd.s32 $0x88, s3;
	s6 =	simm.s32 @!p1 $0x1082;
	[sflag:s4] =	ssyncset.s32 $0xFFFFF086  }
0x25: {  	[simem:s6], [sflag:s4] =	dma.local [hbm:s3], $0xF7A  }
0x26: {  	[smem:$0x3F9B] =	sst s1;
	(tag) =	ssettag s2;
	_ =	strace s9  }
0x27: {  	s1 =	sld [smem:$0x3FAB]  }
0x28: {  	s2 =	sld [smem:$0x3FAC]  }
0x29: {  	s4 =	sld [smem:$0x3FAE]  }
0x2a: {  	p0 =	seq.s32 s5, $0x0;
	s5 =	sld [smem:$0x3FAF]  }
0x2b: {  	s6 =	sld [smem:$0x3FB0]  }
0x2c: {  	s7 =	sld [smem:$0x3FB1]  }
0x2d: {  	s3 =	simm.s32 $0x108;
	s8 =	sld [smem:$0x3FB2]  }
0x2e: {  	s3 =	simm.s32 @!p0 $0x1082;
	s9 =	sld [smem:$0x3FB3]  }
0x2f: {  	lr =	sadd.s32 s0, s3;
	s0 =	sld [smem:$0x3FAA]  }
0x30: {  	s3 =	sld [smem:$0x3FAD]  }
0x31: {  	[smem:$0x3FB6] =	sst s10  }
0x32: {  	s10 =	sld [smem:$0x3FB4];
	_ =	sdelay $0x3  }
0x33: {  	p0 =	seq.s32 s10, $0x1;
	s10 =	sld [smem:$0x3FB6];
	_ =	sdelay $0x3  }
0x34: {  	[smem:$0x3FB6] =	sst s10  }
0x35: {  	s10 =	sld [smem:$0x3FB5];
	_ =	sdelay $0x3  }
0x36: {  	p1 =	seq.s32 s10, $0x1;
	s10 =	sld [smem:$0x3FB6];
	_ =	sdelay $0x3  }
0x37: {  	[smem:$0x3FB6] =	sst s10  }
0x38: {  	s10 =	sld [smem:$0x3FB7]  }
0x39: {  	_ = 	snop;
	(pc) =	sbr.ind lr, $3  }
0x3a: {  	_ = 	snop  }
0x3b: {  	_ = 	snop  }
0x3c: {  	p2 =	seq.s32 s10, $0x1;
	s10 =	sld [smem:$0x3FB6]  }
0x3d: {  	_ =	shalt  }
0x3e: {  	_ =	shalt  }
0x3f: {  	_ =	shalt  }
0x40: {  	_ =	shalt  }
0x41: {  	_ =	shalt  }
0x42: {  	_ =	shalt  }
0x43: {  	_ =	shalt  }
0x44: {  	_ =	shalt  }
0x45: {  	_ =	shalt  }
0x46: {  	_ =	shalt  }
0x47: {  	_ =	shalt  }
0x48: {  	_ =	shalt  }
0x49: {  	_ =	shalt  }
0x4a: {  	_ =	shalt  }
0x4b: {  	_ =	shalt  }
0x4c: {  	_ =	shalt  }
0x4d: {  	_ =	shalt  }
0x4e: {  	_ =	shalt  }
0x4f: {  	_ =	shalt  }
0x50: {  	_ =	shalt  }
0x51: {  	_ =	shalt  }
0x52: {  	_ =	shalt  }
0x53: {  	_ =	shalt  }
0x54: {  	_ =	shalt  }
0x55: {  	_ =	shalt  }
0x56: {  	_ =	shalt  }
0x57: {  	_ =	shalt  }
0x58: {  	_ =	shalt  }
0x59: {  	_ =	shalt  }
0x5a: {  	_ =	shalt  }
0x5b: {  	_ =	shalt  }
0x5c: {  	_ =	shalt  }
0x5d: {  	_ =	shalt  }
0x5e: {  	_ =	shalt  }
0x5f: {  	_ =	shalt  }
0x60: {  	_ =	shalt  }
0x61: {  	_ =	shalt  }
0x62: {  	_ =	shalt  }
0x63: {  	_ =	shalt  }
0x64: {  	_ =	shalt  }
0x65: {  	_ =	shalt  }
0x66: {  	_ =	shalt  }
0x67: {  	_ =	shalt  }
0x68: {  	_ =	shalt  }
0x69: {  	_ =	shalt  }
0x6a: {  	_ =	shalt  }
0x6b: {  	_ =	shalt  }
0x6c: {  	_ =	shalt  }
0x6d: {  	_ =	shalt  }
0x6e: {  	_ =	shalt  }
0x6f: {  	_ =	shalt  }
0x70: {  	_ =	shalt  }
0x71: {  	_ =	shalt  }
0x72: {  	_ =	shalt  }
0x73: {  	_ =	shalt  }
0x74: {  	_ =	shalt  }
0x75: {  	_ =	shalt  }
0x76: {  	_ =	shalt  }
0x77: {  	_ =	shalt  }
0x78: {  	_ =	shalt  }
0x79: {  	_ =	shalt  }
0x7a: {  	_ =	shalt  }
0x7b: {  	_ =	shalt  }
0x7c: {  	_ =	shalt  }
0x7d: {  	_ =	shalt  }
0x7e: {  	_ =	shalt  }
0x7f: {  	_ =	shalt  }
0x80: {  	_ =	shalt  }
0x81: {  	_ =	shalt  }
0x82: {  	_ =	shalt  }
0x83: {  	_ =	shalt  }
0x84: {  	_ =	shalt  }
0x85: {  	_ =	shalt  }
0x86: {  	_ =	shalt  }
0x87: {  	_ =	shalt  }
.Lfunc_end0:
.L_simem_size_0:
called_computation_lowered:
.L_overlay_start_0:
0x88: {  	s2 =	sld [smem:$0x3FD9]  }
0x89: {  	s3 =	sld [smem:$0x3FFE];
	_ =	sdelay $0x1  }
0x8a: {  	s1 =	srdreg.scid  }
0x8b: {  	s0 =	sand.u32 $0x1, s1  }
0x8c: {  	s17 =	sshll.u32 s0, $0xA;
	s2 =	sadd.s32 s3, s2  }
0x8d: {  	s2 =	sadd.s32 s2, s17  }
0x8e: {  	[smem:$0x3FC2] =	sst s2  }
0x8f: {  	_ = 	snop  }
0x90: {  	s2 =	sld [smem:$0x3FD0];
	(tm) =	ssettm $0x1  }
0x91: {  	s18 =	sld [smem:$0x3FFB];
	_ =	sdelay $0x3  }
0x92: {  	_ =	strace s18  }
0x93: {  	s3 =	sld [smem:$0x3FFC];
	_ =	sdelay $0x3  }
0x94: {  	_ =	strace s3  }
0x95: {  	s3 =	sld [smem:$0x3FFD];
	_ =	sdelay $0x3  }
0x96: {  	_ =	strace s3  }
0x97: {  	_ =	strace $0x8FFFFFFF  }
0x98: {  	s19 =	sld [smem:$0x3FDB];
	_ =	sdelay $0x1  }
0x99: {  	s4 =	simm.s32 $_scs_section_size  }
0x9a: {  	s5 =	simm.s32 $_size__tile_overlayer_lowered;
	s6 =	simm.s32 $_tile_overlayer_lowered  }
0x9b: {  	s22 =	simm.s32 $0x1BFF;
	s21 =	sshll.u32 s6, $0x1;
	s3 =	sadd.s32 s4, s19  }
0x9c: {  	s7 =	simm.s32 $0x0;
	s20 =	sshll.u32 s5, $0x1;
	s5 =	sadd.s32 s21, s3  }
0x9d: {  	[timem:s7], [sflag:s22] =	dma.local [hbm:s5], s20  }
0x9e: {  	_ =	swait.ge [sflag:s22], s20  }
0x9f: {  	s4 =	ssub.s32 $0x0, s20;
	[sflag:s22] =	ssyncset.done $0x0  }
0xa0: {  	[sflag:s22] =	ssyncadd.s32 s4;
	_ =	sdelay $0x1  }
0xa1: {  	s23 =	simm.s32 $0x1B8B  }
0xa2: {  	_ =	swait.ge [sflag:s23], $0x1  }
0xa3: {  	[sflag:s23] =	ssyncset.done $0x0  }
0xa4: {  	s25 =	simm.s32 $0x1B8E;
	s24 =	sld [smem:$0x3FFE];
	[sflag:s23] =	ssyncadd.s32 $0xFFFFFFFF  }
0xa5: {  	s26 =	simm.s32 $execute0_lowered;
	[smem:$0x3FD2] =	sst s25  }
0xa6: {  	s5 =	sshll.u32 s26, $0x1;
	_ =	strace $0x80000046;
	[dreg:$0x1] =	wrdreg $0xFFFFFFFF  }
0xa7: {  	s28 =	simm.s32 $_size_execute0_lowered;
	s3 =	sadd.s32 s3, s5;
	[dreg:$0x0] =	wrdreg $0x0  }
0xa8: {  	s5 =	sshll.u32 s28, $0x1;
	[dreg:$0x2] =	wrdreg s3  }
0xa9: {  	[dreg:$0x3] =	wrdreg s5  }
0xaa: {  	[dreg:$0x4] =	wrdreg $0xC0  }
0xab: {  	_ =	task [dreg:s7], $0x5FFFF  }
0xac: {  	[dreg:$0x1] =	wrdreg $0xFFFFFFFF  }
0xad: {  	[dreg:$0x0] =	wrdreg $0x60  }
0xae: {  	[dreg:$0x2] =	wrdreg s24  }
0xaf: {  	[dreg:$0x3] =	wrdreg s2  }
0xb0: {  	[dreg:$0x4] =	wrdreg $0x6D000  }
0xb1: {  	[dreg:$0x5] =	wrdreg $0x9  }
0xb2: {  	_ =	task.clear_ibuf [dreg:s7], $0x6FFFF;
	_ =	strace $0x90000046  }
0xb3: {  	s29 =	simm.s32 $0x9;
	_ =	strace $0x80000048  }
0xb4: {  	_ =	swait.ge [sflag:s29], $0x1  }
0xb5: {  	[sflag:s29] =	ssyncadd.s32 $0xFFFFFFFF  }
0xb6: {  	_ =	strace $0x90000048  }
0xb7: {  	_ =	sfence  }
0xb8: {  	s30 =	sld [smem:$0x0];
	_ =	sdelay $0x2  }
0xb9: {  	s31 =	sshll.u32 s1, $0xD;
	s1 =	sshrl.u32 s1, $0x2  }
0xba: {  	s3 =	sand.u32 $0x4000, s31;
	s1 =	sadd.s32 s1, s30  }
0xbb: {  	s0 =	sor.u32 s3, s0;
	s1 =	sshll.u32 s1, $0x11  }
0xbc: {  	s0 =	sor.u32 s1, s0  }
0xbd: {  	s0 =	sadd.s32 $0x8F2B, s0  }
0xbe: {  	[sflag:s0] =	ssyncadd.remote.s32 $0x1  }
0xbf: {  	_ =	sfence.sel $0xFFFF  }
0xc0: {  	[dreg:$0x0] =	wrdreg $0xFFFFFFFF;
	(pc) =	sbr.abs _section_cstart, $3  }
0xc1: {  	[dreg:$0x1] =	wrdreg $0xFFFFFFFF  }
0xc2: {  	_ =	task.clear_ibuf [dreg:s7], $0x2FFFF;
	_ =	strace $0x9FFFFFFF  }
0xc3: {  	(tm) =	ssettm $0x7FFFFFFF  }
tec
execute0_lowered:
.L_overlay_start_1:
0x0: {  	(tag) =	ssettag $0x1  }
0x1: {  	s4 =	rddreg [dreg:$0x0]  }
0x2: {  	s8 =	rddreg [dreg:$0x1]  }
0x3: {  	s2 =	rddreg [dreg:$0x2]  }
0x4: {  	s0 =	rddreg [dreg:$0x3];
	s3 =	simm.s32 $0x0  }
0x5: {  	s1 =	stileid.u32;
	s5 =	srdreg.scid;
	s13 =	simm.s32 $0x80  }
0x6: {  	s14 =	simm.s32 $0x400;
	s15 =	simm.s32 $0x6800;
	s16 =	simm.s32 $0x6A80  }
0x7: {  	s17 =	simm.s32 $0x0;
	[smem:$0x7FF] =	sst s3;
	s6 =	sshll.u32 s1, $0xB  }
0x8: {  	s5 =	sand.u32 $0x1, s5;
	s7 =	sshrl.u32 s1, $0x3;
	s28 =	smul.u32 $0x280, s1  }
0x9: {  	s29 =	sshll.u32 s1, $0x7;
	p0 =	seq.s32 s1, $0xF;
	_ =	strace $0x80000047  }
0xa: {  	s4 =	sadd.s32 s6, s4;
	s26 =	ssub.s32 $0x2, s5;
	s7 =	smul.u32 $0x50000, s7  }
0xb: {  	s10 =	sshll.u32 s5, $0xF;
	s30 =	smul.u32 $0x2710, s5;
	s9 =	sshrl.u32 s26, $0x1  }
0xc: {  	s5 =	smul.u32 $0x1400, s1;
	s4 =	sadd.s32 s10, s4;
	s11 =	ssub.s32 s26, s9  }
0xd: {  	s7 =	sshrl.u32 s7, $0x2;
	s4 =	sadd.s32 $0xC600, s4;
	s9 =	sand.u32 $0x380, s29  }
0xe: {  	s12 =	sadd.s32 s28, s30;
	s10 =	sshrl.u32 s30, $0x3;
	s7 =	sadd.s32 s7, s2  }
0xf: {  	s31 =	sshrl.u32 s12, $0x3;
	s10 =	sadd.s32 s8, s10;
	s12 =	simm.s32 $0x4000  }
0x10: {  	s6 =	sadd.s32 s9, s7;
	s7 =	sadd.s32 s5, s2;
	s8 =	sadd.s32 s8, s31  }
0x11: {  	v0 =	vimm.f32 $0.0e+00;
	v1 =	vimm.f32 $1.000000000e+00;
	s9 =	sadd.s32 $0x4B0, s10;
	s10 =	smax.u32 s11, $0x1;
	s11 =	simm.s32 $0x1  }
.LBB2_1:
0x12: {  	[tilespmem:s3], [sflag:$0x1] =	stream.linear.gather [hbm4b:s4+s3], $0x3E80, $0x38;
	[tilespmem:$0x9500] =	vst v63  }
0x13: {  	_ =	swait.ge [sflag:s11], $0x3E80  }
0x14: {  	[sflag:s11] =	ssyncset.done $0x0  }
0x15: {  	s18 =	simm.s32 $0x0;
	[sflag:s11] =	ssyncadd.s32 $0xFFFFC180  }
.LBB2_2:
0x16: {  	p1 =	sne.s32 s18, $0x9FC0  }
.Ltmp0:
0x17: {  	_ = 	snop;
	(pc) =	sbr.rel @p1 .LBB2_2-.Ltmp0, $3  }
0x18: {  	_ =	sdelay $0x1  }
0x19: {  	s19 =	sshra.s32 s18, $0x2  }
0x1a: {  	s18 =	sadd.s32 $0x40, s18;
	[tilespmem:s19+$0x4000] =	vst v0  }
0x1b: {  	s18 =	simm.s32 $0x100  }
.LBB2_4:
0x1c: {  	s19 =	sshra.s32 s18, $0x2  }
0x1d: {  	v2 =	vld [tilespmem:s19+$0xFFFFFFC0];
	_ =	sdelay $0x7  }
0x1e: {  	[tilespmem:v2+s12+$0x0] =	vst.idx.add.f32.msk $0xffff, v1  }
0x1f: {  	v2 =	vld [tilespmem:s19+$0xFFFFFFD0];
	_ =	sdelay $0x7  }
0x20: {  	[tilespmem:v2+s12+$0x0] =	vst.idx.add.f32.msk $0xffff, v1  }
0x21: {  	v2 =	vld [tilespmem:s19+$0xFFFFFFE0];
	_ =	sdelay $0x7  }
0x22: {  	[tilespmem:v2+s12+$0x0] =	vst.idx.add.f32.msk $0xffff, v1  }
0x23: {  	v2 =	vld [tilespmem:s19+$0xFFFFFFF0];
	_ =	sdelay $0x7  }
0x24: {  	[tilespmem:v2+s12+$0x0] =	vst.idx.add.f32.msk $0xffff, v1  }
0x25: {  	v2 =	vld [tilespmem:s19+$0x0];
	_ =	sdelay $0x2  }
0x26: {  	p1 =	sne.s32 s18, $0xF900  }
.Ltmp1:
0x27: {  	_ = 	snop;
	(pc) =	sbr.rel @p1 .LBB2_4-.Ltmp1, $2  }
0x28: {  	_ =	sdelay $0x2  }
0x29: {  	s18 =	sadd.s32 $0x200, s18;
	[tilespmem:v2+s12+$0x0] =	vst.idx.add.f32.msk $0xffff, v1  }
0x2a: {  	[spmem:s6] =	stream.strided.scatter [tilespmem:s12], [sflag:$0x1], $0x2800, s14, s13, $0x38;
	[tilespmem:$0x9500] =	vst v63  }
0x2b: {  	_ =	swait.ge [sflag:s11], $0x2800  }
0x2c: {  	[sflag:s11] =	ssyncset.done $0x0  }
0x2d: {  	[sflag:s11] =	ssyncadd.s32 $0xFFFFD800  }
0x2e: {  	[bflag:$0x0] =	sbarrier.arrive $0xFFFF  }
0x2f: {  	[tilespmem:s15], [sflag:$0x1] =	stream.strided.gather [spmem:s7], $0x280, s14, s13, $0x38;
	[tilespmem:$0x9500] =	vst v63  }
0x30: {  	_ =	swait.ge [sflag:s11], $0x280  }
0x31: {  	[sflag:s11] =	ssyncset.done $0x0  }
0x32: {  	s18 =	simm.s32 $0x0;
	[sflag:s11] =	ssyncadd.s32 $0xFFFFFD80  }
.LBB2_7:
0x33: {  	s18 =	sadd.s32 $0x1, s18  }
0x34: {  	s19 =	sshrl.u32 s18, $0x3  }
0x35: {  	s19 =	smul.u32 $0x50000, s19;
	_ =	sdelay $0x1  }
0x36: {  	s20 =	sshll.u32 s18, $0x7;
	s19 =	sshra.s32 s19, $0x2  }
0x37: {  	s20 =	sand.u32 $0x380, s20;
	s19 =	sadd.s32 s19, s2  }
0x38: {  	s19 =	sadd.s32 s20, s19  }
0x39: {  	s19 =	sadd.s32 s5, s19  }
0x3a: {  	[tilespmem:s16], [sflag:$0x1] =	stream.strided.gather [spmem:s19], $0x280, s14, s13, $0x38;
	[tilespmem:$0x9500] =	vst v63  }
0x3b: {  	_ =	swait.ge [sflag:s11], $0x280  }
0x3c: {  	[sflag:s11] =	ssyncset.done $0x0  }
0x3d: {  	s19 =	simm.s32 $0x0;
	[sflag:s11] =	ssyncadd.s32 $0xFFFFFD80  }
0x3e: {  	s20 =	simm.s32 $0x40;
	v2 =	vld [tilespmem:s19+$0x6A80]  }
.LBB2_8:
0x3f: {  	p1 =	seq.s32 s20, $0x9C0;
	v3 =	vld [tilespmem:s19+$0x6800];
	_ =	sdelay $0x2  }
.Ltmp2:
0x40: {  	(pc) =	sbr.rel @!p1 .LBB2_8-.Ltmp2, $4  }
0x41: {  	_ = 	snop  }
0x42: {  	v3 =	vadd.f32 v2, v3  }
0x43: {  	s21 =	sshra.s32 s20, $0x2  }
0x44: {  	s20 =	sadd.s32 $0x40, s20;
	v2 =	vld [tilespmem:s21+$0x6A80];
	[tilespmem:s19+$0x6800] =	vst v3;
	s19 =	smov.u32 s21  }
0x45: {  	v3 =	vld [tilespmem:s19+$0x6800];
	_ =	sdelay $0x4  }
0x46: {  	v2 =	vadd.f32 v2, v3;
	_ =	sdelay $0x1  }
0x47: {  	[tilespmem:s19+$0x6800] =	vst v2  }
0x48: {  	p1 =	seq.s32 s18, $0xF  }
.Ltmp3:
0x49: {  	_ = 	snop;
	(pc) =	sbr.rel @!p1 .LBB2_7-.Ltmp3, $1  }
0x4a: {  	_ =	sdelay $0x3  }
0x4b: {  	s18 =	simm.s32 @p0 $0x0;
	s19 =	simm.s32 @p0 $0x6800  }
0x4c: {  	[hbm4b:s9+s18] =	stream.linear.scatter @p0 [tilespmem:s19], [sflag:$0x1], $0x190, $0x38;
	[tilespmem:$0x9500] =	vst v63  }
0x4d: {  	s18 =	simm.s32 @p0 $0x1  }
0x4e: {  	_ =	swait.ge @p0 [sflag:s18], $0x190  }
0x4f: {  	s17 =	sadd.s32 $0x1, s17;
	s19 =	simm.s32 @!p0 $0x6800;
	[sflag:s18] =	ssyncset.done @p0 $0x0  }
0x50: {  	p1 =	sne.s32 s17, s10;
	[sflag:s18] =	ssyncadd.s32 @p0 $0xFFFFFE70;
	s18 =	simm.s32 @!p0 $0x0  }
0x51: {  	[hbm4b:s8+s18] =	stream.linear.scatter @!p0 [tilespmem:s19], [sflag:$0x1], $0x280, $0x38;
	[tilespmem:$0x9500] =	vst v63  }
.Ltmp4:
0x52: {  	_ = 	snop;
	(pc) =	sbr.rel @p1 .LBB2_1-.Ltmp4, $4  }
0x53: {  	s18 =	simm.s32 @!p0 $0x1  }
0x54: {  	_ =	swait.ge @!p0 [sflag:s18], $0x280  }
0x55: {  	[sflag:s18] =	ssyncset.done @!p0 $0x0  }
0x56: {  	[sflag:s18] =	ssyncadd.s32 @!p0 $0xFFFFFD80  }
0x57: {  	_ =	sfence.sel $0x180000  }
0x58: {  	[bflag:$0x0] =	sbarrier.arrive $0xFFFF  }
0x59: {  	p0 =	sne.s32 s1, $0x0;
	_ =	strace $0x90000047  }
0x5a: {  	s0 =	sadd.s32 @!p0 $0x100000, s0;
	[bflag:$0x2] =	sbarrier.arrive $0xFFFF  }
0x5b: {  	[sflag:s0] =	ssyncadd.tile.s32 @!p0 $0x1;
	_ =	shalt  }
.Lfunc_end2:
_tile_overlayer_lowered:
.L_overlay_start_2:
0x5c: {  	(tag) =	ssettag $0x2  }
0x5d: {  	s0 =	rddreg [dreg:$0x0];
	s2 =	stileid.u32  }
0x5e: {  	s1 =	rddreg [dreg:$0x1];
	p0 =	sne.s32 s2, $0x0  }
0x5f: {  	s3 =	rddreg [dreg:$0x2];
	[bflag:$0x3] =	sbarrier.arrive $0xFFFF;
	s2 =	simm.s32 @!p0 $0x1C01  }
0x60: {  	[timem:s3], [sflag:s2] =	dma.local @!p0 [hbm:s0], s1  }
0x61: {  	s0 =	simm.s32 @!p0 $0x1  }
0x62: {  	_ =	swait.ge @!p0 [sflag:s0], s1  }
0x63: {  	s1 =	ssub.s32 @!p0 $0x0, s1;
	[sflag:s0] =	ssyncset.done @!p0 $0x0  }
0x64: {  	[sflag:s0] =	ssyncadd.s32 @!p0 s1  }
0x65: {  	[bflag:$0x3] =	sbarrier.arrive $0xFFFF  }
0x66: {  	_ =	shalt  }

</sc_bundles>
